<compile_context>
chip_gen: v7x
topology: tpu7x:2x2x1
jax: 0.10.2.dev20260603
libtpu: 0.0.44.dev20260713+nightly
codegen_flags: <defaults>
</compile_context>

<pallas_src>
import functools

import jax
import jax.numpy as jnp
from jax import lax
from jax.experimental import pallas as pl
from jax.experimental.pallas import tpu as pltpu
from jax.experimental.pallas import tpu_sc as plsc

B, L, V, D = 4096, 200, 1000000, 64
H = 32
HP = 128

NC, NS, LANES = 2, 16, 16
NW = NC * NS
RPW = B // NW
LH1, LH2 = 128, 72

_mesh = plsc.VectorSubcoreMesh(core_axis_name="c", subcore_axis_name="s")


@functools.partial(
    pl.kernel,
    out_type=jax.ShapeDtypeStruct((B, H), jnp.float32),
    mesh=_mesh,
    compiler_params=pltpu.CompilerParams(use_tc_tiling_on_sc=False,
                                         needs_layout_passes=False),
    scratch_types=[
        pltpu.VMEM((RPW * L,), jnp.int32),
        pltpu.VMEM((RPW,), jnp.int32),
        pltpu.VMEM((2, L, H), jnp.float32),
        pltpu.VMEM((RPW, H), jnp.float32),
        pltpu.SemaphoreType.DMA,
        pltpu.SemaphoreType.DMA,
    ],
)
def _bag_sum_kernel(batch_hbm, lengths_hbm, table_hbm, out_hbm,
                    idx_v, len_v, rows_v, sums_v, sem0, sem1):
    wid = lax.axis_index("s") * NC + lax.axis_index("c")
    base = wid * RPW

    pltpu.sync_copy(batch_hbm.at[pl.ds(base * L, RPW * L)], idx_v)
    pltpu.sync_copy(lengths_hbm.at[pl.ds(base, RPW)], len_v)

    def read_len(r):
        grp = pl.multiple_of((r // LANES) * LANES, LANES)
        lane = r - grp
        lv = len_v[pl.ds(grp, LANES)]
        lane_ids = lax.iota(jnp.int32, LANES)
        return jnp.sum(jnp.where(lane_ids == lane, lv, 0))

    BUCKETS = ((32, 0), (64, 0), (96, 0), (128, 0),
               (128, 32), (128, 64), (128, 72))

    def _for_bucket(r, buf, sem, len_s, fn):
        off = pl.multiple_of(r * L, 8)
        off2 = pl.multiple_of(r * L + LH1, 8)
        for i, (n1, n2) in enumerate(BUCKETS):
            lo = i * 32
            hi = (i + 1) * 32 if i < 6 else L

            @pl.when((len_s > lo) & (len_s <= hi))
            def _():
                fn(table_hbm.at[idx_v.at[pl.ds(off, n1)]],
                   rows_v.at[buf, pl.ds(0, n1)], sem)
                if n2:
                    fn(table_hbm.at[idx_v.at[pl.ds(off2, n2)]],
                       rows_v.at[buf, pl.ds(LH1, n2)], sem)

    def issue(r, buf, sem, len_s):
        _for_bucket(r, buf, sem, len_s, pltpu.async_copy)

    def wait(r, buf, sem, len_s):
        _for_bucket(r, buf, sem, len_s,
                    lambda s, d, m: pltpu.make_async_copy(s, d, m).wait())

    def accumulate(r, buf, len_s):
        ngroups = (len_s + (LANES - 1)) // LANES

        def group_body(g, accs):
            gbase = g * LANES
            new = []
            for k in range(H // LANES):
                acc = accs[k]
                for j in range(LANES):
                    acc = acc + rows_v[buf, gbase + j, pl.ds(k * LANES, LANES)]
                new.append(acc)
            return tuple(new)

        zero = jnp.zeros((LANES,), jnp.float32)
        accs = lax.fori_loop(0, ngroups, group_body,
                             (zero,) * (H // LANES))
        for k in range(H // LANES):
            sums_v[r, pl.ds(k * LANES, LANES)] = accs[k]

    len0 = read_len(0)
    issue(0, 0, sem0, len0)

    def row_pair(r2, carry):
        len_r = carry
        r = r2 * 2
        len_r1 = read_len(r + 1)
        issue(r + 1, 1, sem1, len_r1)
        wait(r, 0, sem0, len_r)
        accumulate(r, 0, len_r)

        len_r2 = read_len((r + 2) % RPW)

        @pl.when(r + 2 < RPW)
        def _():
            issue(r + 2, 0, sem0, len_r2)

        wait(r + 1, 1, sem1, len_r1)
        accumulate(r + 1, 1, len_r1)
        return len_r2

    lax.fori_loop(0, RPW // 2, row_pair, len0)
    pltpu.sync_copy(sums_v, out_hbm.at[pl.ds(base, RPW)])


def _mlp_body(sums_ref, inv_len_ref, b1_ref, W2_ref, b2_ref, out_ref):
    h = jnp.maximum(sums_ref[...] * inv_len_ref[...] + b1_ref[...], 0.0)
    out_ref[...] = (
        jnp.dot(h, W2_ref[...], preferred_element_type=jnp.float32)
        + b2_ref[...])


def kernel(batch, lengths, table, W1, b1, W2, b2):
    lengths = lengths.astype(jnp.int32)
    invalid = (jnp.arange(L)[None, :] >= lengths[:, None]).astype(jnp.int32)
    batch = (batch.astype(jnp.int32) * 4 + invalid).reshape(B * L)

    W1p = jnp.zeros((D, HP), jnp.float32).at[:, :H].set(W1)
    tw = jnp.dot(table, W1p, preferred_element_type=jnp.float32)
    tw = tw.reshape(4 * V, H)

    sums = _bag_sum_kernel(batch, lengths, tw)

    inv_len = (1.0 / jnp.maximum(lengths, 1).astype(jnp.float32))[:, None]
    W2p = jnp.zeros((H, 128), jnp.float32).at[:, :2].set(W2)
    b2p = jnp.zeros((1, 128), jnp.float32).at[0, :2].set(b2)

    logits_p = pl.pallas_call(
        _mlp_body,
        out_shape=jax.ShapeDtypeStruct((B, 128), jnp.float32),
    )(sums, inv_len, b1[None, :], W2p, b2p)
    return logits_p[:, :2]

# --- scband reference (transcript-rebuilt; emitter-appended) ---
"""Pipeline reference for scband-baseline-model-39505109189246 (READ-ONLY COPY).

The authoritative reference and input builder live on the scoring server;
editing this copy changes nothing except your own understanding.
"""

import jax, jax.numpy as jnp
import numpy as np

B, L, V, D = 4096, 200, 1000000, 64


def setup_inputs(seed: int = 0) -> dict:
    key = jax.random.key(seed)
    k1, k2, k3, k4, k5 = jax.random.split(key, 5)
    batch = jax.random.randint(k1, (B, L), 0, V)
    lengths = jax.random.randint(k2, (B,), 1, L + 1)
    table = jax.random.normal(k3, (V, D), dtype=jnp.float32) * 0.02
    W1 = jax.random.normal(k4, (D, D // 2), dtype=jnp.float32) * 0.05
    b1 = jnp.zeros((D // 2,), dtype=jnp.float32)
    W2 = jax.random.normal(k5, (D // 2, 2), dtype=jnp.float32) * 0.05
    b2 = jnp.zeros((2,), dtype=jnp.float32)
    return {"batch": batch, "lengths": lengths, "table": table, "W1": W1, "b1": b1, "W2": W2, "b2": b2}


def reference(batch, lengths, table, W1, b1, W2, b2):
    # EmbeddingBag(mode='mean') over the first `length` tokens of each row.
    emb = jnp.take(table, batch, axis=0)                    # [B, L, D] gather
    mask = (jnp.arange(L)[None, :] < lengths[:, None])      # [B, L]
    summed = jnp.sum(emb * mask[:, :, None].astype(emb.dtype), axis=1)  # [B, D]
    denom = jnp.maximum(lengths, 1).astype(jnp.float32)[:, None]
    bag = summed / denom                                    # mean pooling
    h = jnp.maximum(bag @ W1 + b1, 0.0)
    logits = h @ W2 + b2
    return logits

if __name__ == "__main__":
    import jax
    _d = setup_inputs()
    print(jax.jit(kernel)(*tuple(_d.values())))

</pallas_src>

<mosaic_0001>
#map = affine_map<(d0, d1) -> (0)>
#map1 = affine_map<(d0, d1) -> (0, 0)>
module attributes {stable_mosaic.version = 14 : i64} {
  func.func @_bag_sum_kernel(%arg0: i32, %arg1: i32, %arg2: memref<819200xi32, #tpu.memory_space<hbm>>, %arg3: memref<4096xi32, #tpu.memory_space<hbm>>, %arg4: memref<4000000x32xf32, #tpu.memory_space<hbm>>, %arg5: memref<4096x32xf32, #tpu.memory_space<hbm>>, %arg6: memref<25600xi32, #tpu.memory_space<vmem>>, %arg7: memref<128xi32, #tpu.memory_space<vmem>>, %arg8: memref<2x200x32xf32, #tpu.memory_space<vmem>>, %arg9: memref<128x32xf32, #tpu.memory_space<vmem>>, %arg10: memref<!tpu.dma_semaphore, #tpu.memory_space<semaphore_mem>>, %arg11: memref<!tpu.dma_semaphore, #tpu.memory_space<semaphore_mem>>) attributes {dimension_semantics = [#tpu.dimension_semantics<core_parallel>, #tpu.dimension_semantics<subcore_parallel>], iteration_bounds = array<i64: 2, 16>, scalar_prefetch = 0 : i64, scratch_operands = 6 : i64, tpu.core_type = #tpu.core_type<sc_vector_subcore>, window_params = [{transform_indices = #map}, {transform_indices = #map}, {transform_indices = #map1}, {transform_indices = #map1}]} {
    %mul3A = arith.constant 2 : i32
    %mul3A_0 = arith.muli %arg1, %mul3A : i32
    %add3A = arith.addi %mul3A_0, %arg0 : i32
    %mul3A_1 = arith.constant 128 : i32
    %mul3A_2 = arith.muli %add3A, %mul3A_1 : i32
    %mul3A_3 = arith.constant 200 : i32
    %mul3A_4 = arith.muli %mul3A_2, %mul3A_3 : i32
    "tpu.region"() ({
      %run_scoped3A = tpu.sem_alloc : memref<!tpu.dma_semaphore, #tpu.memory_space<semaphore_mem>>
      %dma_start3A = tpu.memref_slice %arg2[%mul3A_4] : memref<819200xi32, #tpu.memory_space<hbm>> -> memref<25600xi32, #tpu.memory_space<hbm>>
      %dma_start3A_72 = tpu.memref_slice %arg2[%mul3A_4] : memref<819200xi32, #tpu.memory_space<hbm>> -> memref<25600xi32, #tpu.memory_space<hbm>>
      tpu.enqueue_dma source(%dma_start3A_72 : memref<25600xi32, #tpu.memory_space<hbm>>) target(%arg6 : memref<25600xi32, #tpu.memory_space<vmem>>) target_semaphore(%run_scoped3A : memref<!tpu.dma_semaphore, #tpu.memory_space<semaphore_mem>>)
      %dma_wait3A = tpu.memref_slice %arg2[%mul3A_4] : memref<819200xi32, #tpu.memory_space<hbm>> -> memref<25600xi32, #tpu.memory_space<hbm>>
      %dma_wait3A_73 = tpu.memref_slice %arg2[%mul3A_4] : memref<819200xi32, #tpu.memory_space<hbm>> -> memref<25600xi32, #tpu.memory_space<hbm>>
      tpu.wait_dma2 semaphore(%run_scoped3A : memref<!tpu.dma_semaphore, #tpu.memory_space<semaphore_mem>>) src(%dma_wait3A_73 : memref<25600xi32, #tpu.memory_space<hbm>>) dst(%arg6 : memref<25600xi32, #tpu.memory_space<vmem>>)
      tpu.yield
    }) : () -> ()
    "tpu.region"() ({
      %run_scoped3A = tpu.sem_alloc : memref<!tpu.dma_semaphore, #tpu.memory_space<semaphore_mem>>
      %dma_start3A = tpu.memref_slice %arg3[%mul3A_2] : memref<4096xi32, #tpu.memory_space<hbm>> -> memref<128xi32, #tpu.memory_space<hbm>>
      %dma_start3A_72 = tpu.memref_slice %arg3[%mul3A_2] : memref<4096xi32, #tpu.memory_space<hbm>> -> memref<128xi32, #tpu.memory_space<hbm>>
      tpu.enqueue_dma source(%dma_start3A_72 : memref<128xi32, #tpu.memory_space<hbm>>) target(%arg7 : memref<128xi32, #tpu.memory_space<vmem>>) target_semaphore(%run_scoped3A : memref<!tpu.dma_semaphore, #tpu.memory_space<semaphore_mem>>)
      %dma_wait3A = tpu.memref_slice %arg3[%mul3A_2] : memref<4096xi32, #tpu.memory_space<hbm>> -> memref<128xi32, #tpu.memory_space<hbm>>
      %dma_wait3A_73 = tpu.memref_slice %arg3[%mul3A_2] : memref<4096xi32, #tpu.memory_space<hbm>> -> memref<128xi32, #tpu.memory_space<hbm>>
      tpu.wait_dma2 semaphore(%run_scoped3A : memref<!tpu.dma_semaphore, #tpu.memory_space<semaphore_mem>>) src(%dma_wait3A_73 : memref<128xi32, #tpu.memory_space<hbm>>) dst(%arg7 : memref<128xi32, #tpu.memory_space<vmem>>)
      tpu.yield
    }) : () -> ()
    %multiple_of3A = arith.constant 0 : i32
    %multiple_of3A_5 = tpu.assume_multiple %multiple_of3A, 16 : i32
    %sub3A = arith.constant 0 : i32
    %sub3A_6 = arith.subi %sub3A, %multiple_of3A_5 : i32
    %get3A = arith.index_cast %multiple_of3A_5 : i32 to index
    %get3A_7 = tpu.vector_load %arg7[%get3A] {strides = array<i32>} : memref<128xi32, #tpu.memory_space<vmem>>, vector<16xi32>,
    %iota3A = tpu.iota {dimensions = array<i32: 0>} : vector<16xi32>
    %eq3A = vector.broadcast %sub3A_6 : i32 to vector<16xi32>
    %eq3A_8 = arith.cmpi eq, %iota3A, %eq3A : vector<16xi32>
    %jit3A = arith.constant 0 : i32
    %broadcast_in_dim3A = vector.broadcast %jit3A : i32 to vector<16xi32>
    %select_n3A = arith.select %eq3A_8, %get3A_7, %broadcast_in_dim3A : vector<16xi1>, vector<16xi32>
    %reduce_sum3A = arith.constant true
    %reduce_sum3A_9 = vector.broadcast %reduce_sum3A : i1 to vector<16xi1>
    %reduce_sum3A_10 = tpu.scan <sum>, %select_n3A masked %reduce_sum3A_9 : vector<16xi32>, vector<16xi1> -> vector<16xi32>
    %reduce_sum3A_11 = vector.extract %reduce_sum3A_10[15] : i32 from vector<16xi32>
    %multiple_of3A_12 = arith.constant 0 : i32
    %multiple_of3A_13 = tpu.assume_multiple %multiple_of3A_12, 8 : i32
    %multiple_of3A_14 = arith.constant 128 : i32
    %multiple_of3A_15 = tpu.assume_multiple %multiple_of3A_14, 8 : i32
    %gt3A = arith.constant 0 : i32
    %gt3A_16 = arith.cmpi sgt, %reduce_sum3A_11, %gt3A : i32
    %le3A = arith.constant 32 : i32
    %le3A_17 = arith.cmpi sle, %reduce_sum3A_11, %le3A : i32
    %and3A = arith.andi %gt3A_16, %le3A_17 : i1
    %convert_element_type3A = arith.extui %and3A : i1 to i32
    %cond3A = arith.constant 0 : i32
    %cond3A_18 = arith.cmpi ne, %convert_element_type3A, %cond3A : i32
    scf.if %cond3A_18 {
      %dma_start3A = arith.constant 0 : i32
      %dma_start3A_72 = arith.constant 0 : i32
      %dma_start3A_73 = arith.constant 0 : i32
      %dma_start3A_74 = tpu.memref_slice %arg8[%dma_start3A, %dma_start3A_72, %dma_start3A_73] : memref<2x200x32xf32, #tpu.memory_space<vmem>> -> memref<1x32x32xf32, #tpu.memory_space<vmem>>
      %dma_start3A_75 = tpu.memref_squeeze %dma_start3A_74 : memref<1x32x32xf32, #tpu.memory_space<vmem>> -> memref<32x32xf32, #tpu.memory_space<vmem>>
      %dma_start3A_76 = tpu.memref_slice %arg6[%multiple_of3A_13] : memref<25600xi32, #tpu.memory_space<vmem>> -> memref<32xi32, #tpu.memory_space<vmem>>
      %dma_start3A_77 = arith.constant 0 : i32
      %dma_start3A_78 = arith.constant 0 : i32
      %dma_start3A_79 = tpu.memref_slice %arg4[%dma_start3A_77, %dma_start3A_78] : memref<4000000x32xf32, #tpu.memory_space<hbm>> -> memref<4000000x32xf32, #tpu.memory_space<hbm>>
      tpu.enqueue_indirect_dma source(%dma_start3A_79 : memref<4000000x32xf32, #tpu.memory_space<hbm>>) target(%dma_start3A_75 : memref<32x32xf32, #tpu.memory_space<vmem>>) offsets(%dma_start3A_76 : memref<32xi32, #tpu.memory_space<vmem>>) semaphore(%arg10 : memref<!tpu.dma_semaphore, #tpu.memory_space<semaphore_mem>>)
    } else {
    }
    %gt3A_19 = arith.constant 32 : i32
    %gt3A_20 = arith.cmpi sgt, %reduce_sum3A_11, %gt3A_19 : i32
    %le3A_21 = arith.constant 64 : i32
    %le3A_22 = arith.cmpi sle, %reduce_sum3A_11, %le3A_21 : i32
    %and3A_23 = arith.andi %gt3A_20, %le3A_22 : i1
    %convert_element_type3A_24 = arith.extui %and3A_23 : i1 to i32
    %cond3A_25 = arith.constant 0 : i32
    %cond3A_26 = arith.cmpi ne, %convert_element_type3A_24, %cond3A_25 : i32
    scf.if %cond3A_26 {
      %dma_start3A = arith.constant 0 : i32
      %dma_start3A_72 = arith.constant 0 : i32
      %dma_start3A_73 = arith.constant 0 : i32
      %dma_start3A_74 = tpu.memref_slice %arg8[%dma_start3A, %dma_start3A_72, %dma_start3A_73] : memref<2x200x32xf32, #tpu.memory_space<vmem>> -> memref<1x64x32xf32, #tpu.memory_space<vmem>>
      %dma_start3A_75 = tpu.memref_squeeze %dma_start3A_74 : memref<1x64x32xf32, #tpu.memory_space<vmem>> -> memref<64x32xf32, #tpu.memory_space<vmem>>
      %dma_start3A_76 = tpu.memref_slice %arg6[%multiple_of3A_13] : memref<25600xi32, #tpu.memory_space<vmem>> -> memref<64xi32, #tpu.memory_space<vmem>>
      %dma_start3A_77 = arith.constant 0 : i32
      %dma_start3A_78 = arith.constant 0 : i32
      %dma_start3A_79 = tpu.memref_slice %arg4[%dma_start3A_77, %dma_start3A_78] : memref<4000000x32xf32, #tpu.memory_space<hbm>> -> memref<4000000x32xf32, #tpu.memory_space<hbm>>
      tpu.enqueue_indirect_dma source(%dma_start3A_79 : memref<4000000x32xf32, #tpu.memory_space<hbm>>) target(%dma_start3A_75 : memref<64x32xf32, #tpu.memory_space<vmem>>) offsets(%dma_start3A_76 : memref<64xi32, #tpu.memory_space<vmem>>) semaphore(%arg10 : memref<!tpu.dma_semaphore, #tpu.memory_space<semaphore_mem>>)
    } else {
    }
    %gt3A_27 = arith.constant 64 : i32
    %gt3A_28 = arith.cmpi sgt, %reduce_sum3A_11, %gt3A_27 : i32
    %le3A_29 = arith.constant 96 : i32
    %le3A_30 = arith.cmpi sle, %reduce_sum3A_11, %le3A_29 : i32
    %and3A_31 = arith.andi %gt3A_28, %le3A_30 : i1
    %convert_element_type3A_32 = arith.extui %and3A_31 : i1 to i32
    %cond3A_33 = arith.constant 0 : i32
    %cond3A_34 = arith.cmpi ne, %convert_element_type3A_32, %cond3A_33 : i32
    scf.if %cond3A_34 {
      %dma_start3A = arith.constant 0 : i32
      %dma_start3A_72 = arith.constant 0 : i32
      %dma_start3A_73 = arith.constant 0 : i32
      %dma_start3A_74 = tpu.memref_slice %arg8[%dma_start3A, %dma_start3A_72, %dma_start3A_73] : memref<2x200x32xf32, #tpu.memory_space<vmem>> -> memref<1x96x32xf32, #tpu.memory_space<vmem>>
      %dma_start3A_75 = tpu.memref_squeeze %dma_start3A_74 : memref<1x96x32xf32, #tpu.memory_space<vmem>> -> memref<96x32xf32, #tpu.memory_space<vmem>>
      %dma_start3A_76 = tpu.memref_slice %arg6[%multiple_of3A_13] : memref<25600xi32, #tpu.memory_space<vmem>> -> memref<96xi32, #tpu.memory_space<vmem>>
      %dma_start3A_77 = arith.constant 0 : i32
      %dma_start3A_78 = arith.constant 0 : i32
      %dma_start3A_79 = tpu.memref_slice %arg4[%dma_start3A_77, %dma_start3A_78] : memref<4000000x32xf32, #tpu.memory_space<hbm>> -> memref<4000000x32xf32, #tpu.memory_space<hbm>>
      tpu.enqueue_indirect_dma source(%dma_start3A_79 : memref<4000000x32xf32, #tpu.memory_space<hbm>>) target(%dma_start3A_75 : memref<96x32xf32, #tpu.memory_space<vmem>>) offsets(%dma_start3A_76 : memref<96xi32, #tpu.memory_space<vmem>>) semaphore(%arg10 : memref<!tpu.dma_semaphore, #tpu.memory_space<semaphore_mem>>)
    } else {
    }
    %gt3A_35 = arith.constant 96 : i32
    %gt3A_36 = arith.cmpi sgt, %reduce_sum3A_11, %gt3A_35 : i32
    %le3A_37 = arith.constant 128 : i32
    %le3A_38 = arith.cmpi sle, %reduce_sum3A_11, %le3A_37 : i32
    %and3A_39 = arith.andi %gt3A_36, %le3A_38 : i1
    %convert_element_type3A_40 = arith.extui %and3A_39 : i1 to i32
    %cond3A_41 = arith.constant 0 : i32
    %cond3A_42 = arith.cmpi ne, %convert_element_type3A_40, %cond3A_41 : i32
    scf.if %cond3A_42 {
      %dma_start3A = arith.constant 0 : i32
      %dma_start3A_72 = arith.constant 0 : i32
      %dma_start3A_73 = arith.constant 0 : i32
      %dma_start3A_74 = tpu.memref_slice %arg8[%dma_start3A, %dma_start3A_72, %dma_start3A_73] : memref<2x200x32xf32, #tpu.memory_space<vmem>> -> memref<1x128x32xf32, #tpu.memory_space<vmem>>
      %dma_start3A_75 = tpu.memref_squeeze %dma_start3A_74 : memref<1x128x32xf32, #tpu.memory_space<vmem>> -> memref<128x32xf32, #tpu.memory_space<vmem>>
      %dma_start3A_76 = tpu.memref_slice %arg6[%multiple_of3A_13] : memref<25600xi32, #tpu.memory_space<vmem>> -> memref<128xi32, #tpu.memory_space<vmem>>
      %dma_start3A_77 = arith.constant 0 : i32
      %dma_start3A_78 = arith.constant 0 : i32
      %dma_start3A_79 = tpu.memref_slice %arg4[%dma_start3A_77, %dma_start3A_78] : memref<4000000x32xf32, #tpu.memory_space<hbm>> -> memref<4000000x32xf32, #tpu.memory_space<hbm>>
      tpu.enqueue_indirect_dma source(%dma_start3A_79 : memref<4000000x32xf32, #tpu.memory_space<hbm>>) target(%dma_start3A_75 : memref<128x32xf32, #tpu.memory_space<vmem>>) offsets(%dma_start3A_76 : memref<128xi32, #tpu.memory_space<vmem>>) semaphore(%arg10 : memref<!tpu.dma_semaphore, #tpu.memory_space<semaphore_mem>>)
    } else {
    }
    %gt3A_43 = arith.constant 128 : i32
    %gt3A_44 = arith.cmpi sgt, %reduce_sum3A_11, %gt3A_43 : i32
    %le3A_45 = arith.constant 160 : i32
    %le3A_46 = arith.cmpi sle, %reduce_sum3A_11, %le3A_45 : i32
    %and3A_47 = arith.andi %gt3A_44, %le3A_46 : i1
    %convert_element_type3A_48 = arith.extui %and3A_47 : i1 to i32
    %cond3A_49 = arith.constant 0 : i32
    %cond3A_50 = arith.cmpi ne, %convert_element_type3A_48, %cond3A_49 : i32
    scf.if %cond3A_50 {
      %dma_start3A = arith.constant 0 : i32
      %dma_start3A_72 = arith.constant 0 : i32
      %dma_start3A_73 = arith.constant 0 : i32
      %dma_start3A_74 = tpu.memref_slice %arg8[%dma_start3A, %dma_start3A_72, %dma_start3A_73] : memref<2x200x32xf32, #tpu.memory_space<vmem>> -> memref<1x128x32xf32, #tpu.memory_space<vmem>>
      %dma_start3A_75 = tpu.memref_squeeze %dma_start3A_74 : memref<1x128x32xf32, #tpu.memory_space<vmem>> -> memref<128x32xf32, #tpu.memory_space<vmem>>
      %dma_start3A_76 = tpu.memref_slice %arg6[%multiple_of3A_13] : memref<25600xi32, #tpu.memory_space<vmem>> -> memref<128xi32, #tpu.memory_space<vmem>>
      %dma_start3A_77 = arith.constant 0 : i32
      %dma_start3A_78 = arith.constant 0 : i32
      %dma_start3A_79 = tpu.memref_slice %arg4[%dma_start3A_77, %dma_start3A_78] : memref<4000000x32xf32, #tpu.memory_space<hbm>> -> memref<4000000x32xf32, #tpu.memory_space<hbm>>
      tpu.enqueue_indirect_dma source(%dma_start3A_79 : memref<4000000x32xf32, #tpu.memory_space<hbm>>) target(%dma_start3A_75 : memref<128x32xf32, #tpu.memory_space<vmem>>) offsets(%dma_start3A_76 : memref<128xi32, #tpu.memory_space<vmem>>) semaphore(%arg10 : memref<!tpu.dma_semaphore, #tpu.memory_space<semaphore_mem>>)
      %dma_start3A_80 = arith.constant 0 : i32
      %dma_start3A_81 = arith.constant 128 : i32
      %dma_start3A_82 = arith.constant 0 : i32
      %dma_start3A_83 = tpu.memref_slice %arg8[%dma_start3A_80, %dma_start3A_81, %dma_start3A_82] : memref<2x200x32xf32, #tpu.memory_space<vmem>> -> memref<1x32x32xf32, #tpu.memory_space<vmem>>
      %dma_start3A_84 = tpu.memref_squeeze %dma_start3A_83 : memref<1x32x32xf32, #tpu.memory_space<vmem>> -> memref<32x32xf32, #tpu.memory_space<vmem>>
      %dma_start3A_85 = tpu.memref_slice %arg6[%multiple_of3A_15] : memref<25600xi32, #tpu.memory_space<vmem>> -> memref<32xi32, #tpu.memory_space<vmem>>
      %dma_start3A_86 = arith.constant 0 : i32
      %dma_start3A_87 = arith.constant 0 : i32
      %dma_start3A_88 = tpu.memref_slice %arg4[%dma_start3A_86, %dma_start3A_87] : memref<4000000x32xf32, #tpu.memory_space<hbm>> -> memref<4000000x32xf32, #tpu.memory_space<hbm>>
      tpu.enqueue_indirect_dma source(%dma_start3A_88 : memref<4000000x32xf32, #tpu.memory_space<hbm>>) target(%dma_start3A_84 : memref<32x32xf32, #tpu.memory_space<vmem>>) offsets(%dma_start3A_85 : memref<32xi32, #tpu.memory_space<vmem>>) semaphore(%arg10 : memref<!tpu.dma_semaphore, #tpu.memory_space<semaphore_mem>>)
    } else {
    }
    %gt3A_51 = arith.constant 160 : i32
    %gt3A_52 = arith.cmpi sgt, %reduce_sum3A_11, %gt3A_51 : i32
    %le3A_53 = arith.constant 192 : i32
    %le3A_54 = arith.cmpi sle, %reduce_sum3A_11, %le3A_53 : i32
    %and3A_55 = arith.andi %gt3A_52, %le3A_54 : i1
    %convert_element_type3A_56 = arith.extui %and3A_55 : i1 to i32
    %cond3A_57 = arith.constant 0 : i32
    %cond3A_58 = arith.cmpi ne, %convert_element_type3A_56, %cond3A_57 : i32
    scf.if %cond3A_58 {
      %dma_start3A = arith.constant 0 : i32
      %dma_start3A_72 = arith.constant 0 : i32
      %dma_start3A_73 = arith.constant 0 : i32
      %dma_start3A_74 = tpu.memref_slice %arg8[%dma_start3A, %dma_start3A_72, %dma_start3A_73] : memref<2x200x32xf32, #tpu.memory_space<vmem>> -> memref<1x128x32xf32, #tpu.memory_space<vmem>>
      %dma_start3A_75 = tpu.memref_squeeze %dma_start3A_74 : memref<1x128x32xf32, #tpu.memory_space<vmem>> -> memref<128x32xf32, #tpu.memory_space<vmem>>
      %dma_start3A_76 = tpu.memref_slice %arg6[%multiple_of3A_13] : memref<25600xi32, #tpu.memory_space<vmem>> -> memref<128xi32, #tpu.memory_space<vmem>>
      %dma_start3A_77 = arith.constant 0 : i32
      %dma_start3A_78 = arith.constant 0 : i32
      %dma_start3A_79 = tpu.memref_slice %arg4[%dma_start3A_77, %dma_start3A_78] : memref<4000000x32xf32, #tpu.memory_space<hbm>> -> memref<4000000x32xf32, #tpu.memory_space<hbm>>
      tpu.enqueue_indirect_dma source(%dma_start3A_79 : memref<4000000x32xf32, #tpu.memory_space<hbm>>) target(%dma_start3A_75 : memref<128x32xf32, #tpu.memory_space<vmem>>) offsets(%dma_start3A_76 : memref<128xi32, #tpu.memory_space<vmem>>) semaphore(%arg10 : memref<!tpu.dma_semaphore, #tpu.memory_space<semaphore_mem>>)
      %dma_start3A_80 = arith.constant 0 : i32
      %dma_start3A_81 = arith.constant 128 : i32
      %dma_start3A_82 = arith.constant 0 : i32
      %dma_start3A_83 = tpu.memref_slice %arg8[%dma_start3A_80, %dma_start3A_81, %dma_start3A_82] : memref<2x200x32xf32, #tpu.memory_space<vmem>> -> memref<1x64x32xf32, #tpu.memory_space<vmem>>
      %dma_start3A_84 = tpu.memref_squeeze %dma_start3A_83 : memref<1x64x32xf32, #tpu.memory_space<vmem>> -> memref<64x32xf32, #tpu.memory_space<vmem>>
      %dma_start3A_85 = tpu.memref_slice %arg6[%multiple_of3A_15] : memref<25600xi32, #tpu.memory_space<vmem>> -> memref<64xi32, #tpu.memory_space<vmem>>
      %dma_start3A_86 = arith.constant 0 : i32
      %dma_start3A_87 = arith.constant 0 : i32
      %dma_start3A_88 = tpu.memref_slice %arg4[%dma_start3A_86, %dma_start3A_87] : memref<4000000x32xf32, #tpu.memory_space<hbm>> -> memref<4000000x32xf32, #tpu.memory_space<hbm>>
      tpu.enqueue_indirect_dma source(%dma_start3A_88 : memref<4000000x32xf32, #tpu.memory_space<hbm>>) target(%dma_start3A_84 : memref<64x32xf32, #tpu.memory_space<vmem>>) offsets(%dma_start3A_85 : memref<64xi32, #tpu.memory_space<vmem>>) semaphore(%arg10 : memref<!tpu.dma_semaphore, #tpu.memory_space<semaphore_mem>>)
    } else {
    }
    %gt3A_59 = arith.constant 192 : i32
    %gt3A_60 = arith.cmpi sgt, %reduce_sum3A_11, %gt3A_59 : i32
    %le3A_61 = arith.constant 200 : i32
    %le3A_62 = arith.cmpi sle, %reduce_sum3A_11, %le3A_61 : i32
    %and3A_63 = arith.andi %gt3A_60, %le3A_62 : i1
    %convert_element_type3A_64 = arith.extui %and3A_63 : i1 to i32
    %cond3A_65 = arith.constant 0 : i32
    %cond3A_66 = arith.cmpi ne, %convert_element_type3A_64, %cond3A_65 : i32
    scf.if %cond3A_66 {
      %dma_start3A = arith.constant 0 : i32
      %dma_start3A_72 = arith.constant 0 : i32
      %dma_start3A_73 = arith.constant 0 : i32
      %dma_start3A_74 = tpu.memref_slice %arg8[%dma_start3A, %dma_start3A_72, %dma_start3A_73] : memref<2x200x32xf32, #tpu.memory_space<vmem>> -> memref<1x128x32xf32, #tpu.memory_space<vmem>>
      %dma_start3A_75 = tpu.memref_squeeze %dma_start3A_74 : memref<1x128x32xf32, #tpu.memory_space<vmem>> -> memref<128x32xf32, #tpu.memory_space<vmem>>
      %dma_start3A_76 = tpu.memref_slice %arg6[%multiple_of3A_13] : memref<25600xi32, #tpu.memory_space<vmem>> -> memref<128xi32, #tpu.memory_space<vmem>>
      %dma_start3A_77 = arith.constant 0 : i32
      %dma_start3A_78 = arith.constant 0 : i32
      %dma_start3A_79 = tpu.memref_slice %arg4[%dma_start3A_77, %dma_start3A_78] : memref<4000000x32xf32, #tpu.memory_space<hbm>> -> memref<4000000x32xf32, #tpu.memory_space<hbm>>
      tpu.enqueue_indirect_dma source(%dma_start3A_79 : memref<4000000x32xf32, #tpu.memory_space<hbm>>) target(%dma_start3A_75 : memref<128x32xf32, #tpu.memory_space<vmem>>) offsets(%dma_start3A_76 : memref<128xi32, #tpu.memory_space<vmem>>) semaphore(%arg10 : memref<!tpu.dma_semaphore, #tpu.memory_space<semaphore_mem>>)
      %dma_start3A_80 = arith.constant 0 : i32
      %dma_start3A_81 = arith.constant 128 : i32
      %dma_start3A_82 = arith.constant 0 : i32
      %dma_start3A_83 = tpu.memref_slice %arg8[%dma_start3A_80, %dma_start3A_81, %dma_start3A_82] : memref<2x200x32xf32, #tpu.memory_space<vmem>> -> memref<1x72x32xf32, #tpu.memory_space<vmem>>
      %dma_start3A_84 = tpu.memref_squeeze %dma_start3A_83 : memref<1x72x32xf32, #tpu.memory_space<vmem>> -> memref<72x32xf32, #tpu.memory_space<vmem>>
      %dma_start3A_85 = tpu.memref_slice %arg6[%multiple_of3A_15] : memref<25600xi32, #tpu.memory_space<vmem>> -> memref<72xi32, #tpu.memory_space<vmem>>
      %dma_start3A_86 = arith.constant 0 : i32
      %dma_start3A_87 = arith.constant 0 : i32
      %dma_start3A_88 = tpu.memref_slice %arg4[%dma_start3A_86, %dma_start3A_87] : memref<4000000x32xf32, #tpu.memory_space<hbm>> -> memref<4000000x32xf32, #tpu.memory_space<hbm>>
      tpu.enqueue_indirect_dma source(%dma_start3A_88 : memref<4000000x32xf32, #tpu.memory_space<hbm>>) target(%dma_start3A_84 : memref<72x32xf32, #tpu.memory_space<vmem>>) offsets(%dma_start3A_85 : memref<72xi32, #tpu.memory_space<vmem>>) semaphore(%arg10 : memref<!tpu.dma_semaphore, #tpu.memory_space<semaphore_mem>>)
    } else {
    }
    %scan3A = arith.constant 0 : i32
    %scan3A_67 = arith.constant 64 : i32
    %scan3A_68 = arith.addi %scan3A, %scan3A_67 : i32
    %scan3A_69 = arith.constant 1 : i32
    %scan3A_70 = scf.for %scan3A_72 = %scan3A to %scan3A_68 step %scan3A_69 iter_args(%scan3A_73 = %reduce_sum3A_11) -> (i32)  : i32 {
      %mul3A_74 = arith.constant 2 : i32
      %mul3A_75 = arith.muli %scan3A_72, %mul3A_74 : i32
      %add3A_76 = arith.constant 1 : i32
      %add3A_77 = arith.addi %mul3A_75, %add3A_76 : i32
      %jit3A_78 = arith.constant 16 : i32
      %div3A = arith.divsi %add3A_77, %jit3A_78 : i32
      %sign3A = arith.constant 0 : i32
      %sign3A_79 = arith.cmpi sgt, %add3A_77, %sign3A : i32
      %sign3A_80 = arith.extui %sign3A_79 : i1 to i32
      %sign3A_81 = arith.constant 0 : i32
      %sign3A_82 = arith.cmpi slt, %add3A_77, %sign3A_81 : i32
      %sign3A_83 = arith.extui %sign3A_82 : i1 to i32
      %sign3A_84 = arith.subi %sign3A_80, %sign3A_83 : i32
      %sign3A_85 = arith.constant 0 : i32
      %sign3A_86 = arith.cmpi sgt, %jit3A_78, %sign3A_85 : i32
      %sign3A_87 = arith.extui %sign3A_86 : i1 to i32
      %sign3A_88 = arith.constant 0 : i32
      %sign3A_89 = arith.cmpi slt, %jit3A_78, %sign3A_88 : i32
      %sign3A_90 = arith.extui %sign3A_89 : i1 to i32
      %sign3A_91 = arith.subi %sign3A_87, %sign3A_90 : i32
      %ne3A = arith.cmpi ne, %sign3A_84, %sign3A_91 : i32
      %rem3A = arith.remsi %add3A_77, %jit3A_78 : i32
      %ne3A_92 = arith.constant 0 : i32
      %ne3A_93 = arith.cmpi ne, %rem3A, %ne3A_92 : i32
      %and3A_94 = arith.andi %ne3A, %ne3A_93 : i1
      %sub3A_95 = arith.constant 1 : i32
      %sub3A_96 = arith.subi %div3A, %sub3A_95 : i32
      %select_n3A_97 = arith.select %and3A_94, %sub3A_96, %div3A : i32
      %mul3A_98 = arith.constant 16 : i32
      %mul3A_99 = arith.muli %select_n3A_97, %mul3A_98 : i32
      %multiple_of3A_100 = tpu.assume_multiple %mul3A_99, 16 : i32
      %sub3A_101 = arith.subi %add3A_77, %multiple_of3A_100 : i32
      %get3A_102 = arith.index_cast %multiple_of3A_100 : i32 to index
      %get3A_103 = tpu.vector_load %arg7[%get3A_102] {strides = array<i32>} : memref<128xi32, #tpu.memory_space<vmem>>, vector<16xi32>,
      %iota3A_104 = tpu.iota {dimensions = array<i32: 0>} : vector<16xi32>
      %eq3A_105 = vector.broadcast %sub3A_101 : i32 to vector<16xi32>
      %eq3A_106 = arith.cmpi eq, %iota3A_104, %eq3A_105 : vector<16xi32>
      %jit3A_107 = arith.constant 0 : i32
      %broadcast_in_dim3A_108 = vector.broadcast %jit3A_107 : i32 to vector<16xi32>
      %select_n3A_109 = arith.select %eq3A_106, %get3A_103, %broadcast_in_dim3A_108 : vector<16xi1>, vector<16xi32>
      %reduce_sum3A_110 = arith.constant true
      %reduce_sum3A_111 = vector.broadcast %reduce_sum3A_110 : i1 to vector<16xi1>
      %reduce_sum3A_112 = tpu.scan <sum>, %select_n3A_109 masked %reduce_sum3A_111 : vector<16xi32>, vector<16xi1> -> vector<16xi32>
      %reduce_sum3A_113 = vector.extract %reduce_sum3A_112[15] : i32 from vector<16xi32>
      %add3A_114 = arith.constant 1 : i32
      %add3A_115 = arith.addi %mul3A_75, %add3A_114 : i32
      %mul3A_116 = arith.constant 200 : i32
      %mul3A_117 = arith.muli %add3A_115, %mul3A_116 : i32
      %multiple_of3A_118 = tpu.assume_multiple %mul3A_117, 8 : i32
      %mul3A_119 = arith.constant 200 : i32
      %mul3A_120 = arith.muli %add3A_115, %mul3A_119 : i32
      %add3A_121 = arith.constant 128 : i32
      %add3A_122 = arith.addi %mul3A_120, %add3A_121 : i32
      %multiple_of3A_123 = tpu.assume_multiple %add3A_122, 8 : i32
      %gt3A_124 = arith.constant 0 : i32
      %gt3A_125 = arith.cmpi sgt, %reduce_sum3A_113, %gt3A_124 : i32
      %le3A_126 = arith.constant 32 : i32
      %le3A_127 = arith.cmpi sle, %reduce_sum3A_113, %le3A_126 : i32
      %and3A_128 = arith.andi %gt3A_125, %le3A_127 : i1
      %convert_element_type3A_129 = arith.extui %and3A_128 : i1 to i32
      %cond3A_130 = arith.constant 0 : i32
      %cond3A_131 = arith.cmpi ne, %convert_element_type3A_129, %cond3A_130 : i32
      scf.if %cond3A_131 {
        %dma_start3A = arith.constant 1 : i32
        %dma_start3A_464 = arith.constant 0 : i32
        %dma_start3A_465 = arith.constant 0 : i32
        %dma_start3A_466 = tpu.memref_slice %arg8[%dma_start3A, %dma_start3A_464, %dma_start3A_465] : memref<2x200x32xf32, #tpu.memory_space<vmem>> -> memref<1x32x32xf32, #tpu.memory_space<vmem>>
        %dma_start3A_467 = tpu.memref_squeeze %dma_start3A_466 : memref<1x32x32xf32, #tpu.memory_space<vmem>> -> memref<32x32xf32, #tpu.memory_space<vmem>>
        %dma_start3A_468 = tpu.memref_slice %arg6[%multiple_of3A_118] : memref<25600xi32, #tpu.memory_space<vmem>> -> memref<32xi32, #tpu.memory_space<vmem>>
        %dma_start3A_469 = arith.constant 0 : i32
        %dma_start3A_470 = arith.constant 0 : i32
        %dma_start3A_471 = tpu.memref_slice %arg4[%dma_start3A_469, %dma_start3A_470] : memref<4000000x32xf32, #tpu.memory_space<hbm>> -> memref<4000000x32xf32, #tpu.memory_space<hbm>>
        tpu.enqueue_indirect_dma source(%dma_start3A_471 : memref<4000000x32xf32, #tpu.memory_space<hbm>>) target(%dma_start3A_467 : memref<32x32xf32, #tpu.memory_space<vmem>>) offsets(%dma_start3A_468 : memref<32xi32, #tpu.memory_space<vmem>>) semaphore(%arg11 : memref<!tpu.dma_semaphore, #tpu.memory_space<semaphore_mem>>)
      } else {
      }
      %gt3A_132 = arith.constant 32 : i32
      %gt3A_133 = arith.cmpi sgt, %reduce_sum3A_113, %gt3A_132 : i32
      %le3A_134 = arith.constant 64 : i32
      %le3A_135 = arith.cmpi sle, %reduce_sum3A_113, %le3A_134 : i32
      %and3A_136 = arith.andi %gt3A_133, %le3A_135 : i1
      %convert_element_type3A_137 = arith.extui %and3A_136 : i1 to i32
      %cond3A_138 = arith.constant 0 : i32
      %cond3A_139 = arith.cmpi ne, %convert_element_type3A_137, %cond3A_138 : i32
      scf.if %cond3A_139 {
        %dma_start3A = arith.constant 1 : i32
        %dma_start3A_464 = arith.constant 0 : i32
        %dma_start3A_465 = arith.constant 0 : i32
        %dma_start3A_466 = tpu.memref_slice %arg8[%dma_start3A, %dma_start3A_464, %dma_start3A_465] : memref<2x200x32xf32, #tpu.memory_space<vmem>> -> memref<1x64x32xf32, #tpu.memory_space<vmem>>
        %dma_start3A_467 = tpu.memref_squeeze %dma_start3A_466 : memref<1x64x32xf32, #tpu.memory_space<vmem>> -> memref<64x32xf32, #tpu.memory_space<vmem>>
        %dma_start3A_468 = tpu.memref_slice %arg6[%multiple_of3A_118] : memref<25600xi32, #tpu.memory_space<vmem>> -> memref<64xi32, #tpu.memory_space<vmem>>
        %dma_start3A_469 = arith.constant 0 : i32
        %dma_start3A_470 = arith.constant 0 : i32
        %dma_start3A_471 = tpu.memref_slice %arg4[%dma_start3A_469, %dma_start3A_470] : memref<4000000x32xf32, #tpu.memory_space<hbm>> -> memref<4000000x32xf32, #tpu.memory_space<hbm>>
        tpu.enqueue_indirect_dma source(%dma_start3A_471 : memref<4000000x32xf32, #tpu.memory_space<hbm>>) target(%dma_start3A_467 : memref<64x32xf32, #tpu.memory_space<vmem>>) offsets(%dma_start3A_468 : memref<64xi32, #tpu.memory_space<vmem>>) semaphore(%arg11 : memref<!tpu.dma_semaphore, #tpu.memory_space<semaphore_mem>>)
      } else {
      }
      %gt3A_140 = arith.constant 64 : i32
      %gt3A_141 = arith.cmpi sgt, %reduce_sum3A_113, %gt3A_140 : i32
      %le3A_142 = arith.constant 96 : i32
      %le3A_143 = arith.cmpi sle, %reduce_sum3A_113, %le3A_142 : i32
      %and3A_144 = arith.andi %gt3A_141, %le3A_143 : i1
      %convert_element_type3A_145 = arith.extui %and3A_144 : i1 to i32
      %cond3A_146 = arith.constant 0 : i32
      %cond3A_147 = arith.cmpi ne, %convert_element_type3A_145, %cond3A_146 : i32
      scf.if %cond3A_147 {
        %dma_start3A = arith.constant 1 : i32
        %dma_start3A_464 = arith.constant 0 : i32
        %dma_start3A_465 = arith.constant 0 : i32
        %dma_start3A_466 = tpu.memref_slice %arg8[%dma_start3A, %dma_start3A_464, %dma_start3A_465] : memref<2x200x32xf32, #tpu.memory_space<vmem>> -> memref<1x96x32xf32, #tpu.memory_space<vmem>>
        %dma_start3A_467 = tpu.memref_squeeze %dma_start3A_466 : memref<1x96x32xf32, #tpu.memory_space<vmem>> -> memref<96x32xf32, #tpu.memory_space<vmem>>
        %dma_start3A_468 = tpu.memref_slice %arg6[%multiple_of3A_118] : memref<25600xi32, #tpu.memory_space<vmem>> -> memref<96xi32, #tpu.memory_space<vmem>>
        %dma_start3A_469 = arith.constant 0 : i32
        %dma_start3A_470 = arith.constant 0 : i32
        %dma_start3A_471 = tpu.memref_slice %arg4[%dma_start3A_469, %dma_start3A_470] : memref<4000000x32xf32, #tpu.memory_space<hbm>> -> memref<4000000x32xf32, #tpu.memory_space<hbm>>
        tpu.enqueue_indirect_dma source(%dma_start3A_471 : memref<4000000x32xf32, #tpu.memory_space<hbm>>) target(%dma_start3A_467 : memref<96x32xf32, #tpu.memory_space<vmem>>) offsets(%dma_start3A_468 : memref<96xi32, #tpu.memory_space<vmem>>) semaphore(%arg11 : memref<!tpu.dma_semaphore, #tpu.memory_space<semaphore_mem>>)
      } else {
      }
      %gt3A_148 = arith.constant 96 : i32
      %gt3A_149 = arith.cmpi sgt, %reduce_sum3A_113, %gt3A_148 : i32
      %le3A_150 = arith.constant 128 : i32
      %le3A_151 = arith.cmpi sle, %reduce_sum3A_113, %le3A_150 : i32
      %and3A_152 = arith.andi %gt3A_149, %le3A_151 : i1
      %convert_element_type3A_153 = arith.extui %and3A_152 : i1 to i32
      %cond3A_154 = arith.constant 0 : i32
      %cond3A_155 = arith.cmpi ne, %convert_element_type3A_153, %cond3A_154 : i32
      scf.if %cond3A_155 {
        %dma_start3A = arith.constant 1 : i32
        %dma_start3A_464 = arith.constant 0 : i32
        %dma_start3A_465 = arith.constant 0 : i32
        %dma_start3A_466 = tpu.memref_slice %arg8[%dma_start3A, %dma_start3A_464, %dma_start3A_465] : memref<2x200x32xf32, #tpu.memory_space<vmem>> -> memref<1x128x32xf32, #tpu.memory_space<vmem>>
        %dma_start3A_467 = tpu.memref_squeeze %dma_start3A_466 : memref<1x128x32xf32, #tpu.memory_space<vmem>> -> memref<128x32xf32, #tpu.memory_space<vmem>>
        %dma_start3A_468 = tpu.memref_slice %arg6[%multiple_of3A_118] : memref<25600xi32, #tpu.memory_space<vmem>> -> memref<128xi32, #tpu.memory_space<vmem>>
        %dma_start3A_469 = arith.constant 0 : i32
        %dma_start3A_470 = arith.constant 0 : i32
        %dma_start3A_471 = tpu.memref_slice %arg4[%dma_start3A_469, %dma_start3A_470] : memref<4000000x32xf32, #tpu.memory_space<hbm>> -> memref<4000000x32xf32, #tpu.memory_space<hbm>>
        tpu.enqueue_indirect_dma source(%dma_start3A_471 : memref<4000000x32xf32, #tpu.memory_space<hbm>>) target(%dma_start3A_467 : memref<128x32xf32, #tpu.memory_space<vmem>>) offsets(%dma_start3A_468 : memref<128xi32, #tpu.memory_space<vmem>>) semaphore(%arg11 : memref<!tpu.dma_semaphore, #tpu.memory_space<semaphore_mem>>)
      } else {
      }
      %gt3A_156 = arith.constant 128 : i32
      %gt3A_157 = arith.cmpi sgt, %reduce_sum3A_113, %gt3A_156 : i32
      %le3A_158 = arith.constant 160 : i32
      %le3A_159 = arith.cmpi sle, %reduce_sum3A_113, %le3A_158 : i32
      %and3A_160 = arith.andi %gt3A_157, %le3A_159 : i1
      %convert_element_type3A_161 = arith.extui %and3A_160 : i1 to i32
      %cond3A_162 = arith.constant 0 : i32
      %cond3A_163 = arith.cmpi ne, %convert_element_type3A_161, %cond3A_162 : i32
      scf.if %cond3A_163 {
        %dma_start3A = arith.constant 1 : i32
        %dma_start3A_464 = arith.constant 0 : i32
        %dma_start3A_465 = arith.constant 0 : i32
        %dma_start3A_466 = tpu.memref_slice %arg8[%dma_start3A, %dma_start3A_464, %dma_start3A_465] : memref<2x200x32xf32, #tpu.memory_space<vmem>> -> memref<1x128x32xf32, #tpu.memory_space<vmem>>
        %dma_start3A_467 = tpu.memref_squeeze %dma_start3A_466 : memref<1x128x32xf32, #tpu.memory_space<vmem>> -> memref<128x32xf32, #tpu.memory_space<vmem>>
        %dma_start3A_468 = tpu.memref_slice %arg6[%multiple_of3A_118] : memref<25600xi32, #tpu.memory_space<vmem>> -> memref<128xi32, #tpu.memory_space<vmem>>
        %dma_start3A_469 = arith.constant 0 : i32
        %dma_start3A_470 = arith.constant 0 : i32
        %dma_start3A_471 = tpu.memref_slice %arg4[%dma_start3A_469, %dma_start3A_470] : memref<4000000x32xf32, #tpu.memory_space<hbm>> -> memref<4000000x32xf32, #tpu.memory_space<hbm>>
        tpu.enqueue_indirect_dma source(%dma_start3A_471 : memref<4000000x32xf32, #tpu.memory_space<hbm>>) target(%dma_start3A_467 : memref<128x32xf32, #tpu.memory_space<vmem>>) offsets(%dma_start3A_468 : memref<128xi32, #tpu.memory_space<vmem>>) semaphore(%arg11 : memref<!tpu.dma_semaphore, #tpu.memory_space<semaphore_mem>>)
        %dma_start3A_472 = arith.constant 1 : i32
        %dma_start3A_473 = arith.constant 128 : i32
        %dma_start3A_474 = arith.constant 0 : i32
        %dma_start3A_475 = tpu.memref_slice %arg8[%dma_start3A_472, %dma_start3A_473, %dma_start3A_474] : memref<2x200x32xf32, #tpu.memory_space<vmem>> -> memref<1x32x32xf32, #tpu.memory_space<vmem>>
        %dma_start3A_476 = tpu.memref_squeeze %dma_start3A_475 : memref<1x32x32xf32, #tpu.memory_space<vmem>> -> memref<32x32xf32, #tpu.memory_space<vmem>>
        %dma_start3A_477 = tpu.memref_slice %arg6[%multiple_of3A_123] : memref<25600xi32, #tpu.memory_space<vmem>> -> memref<32xi32, #tpu.memory_space<vmem>>
        %dma_start3A_478 = arith.constant 0 : i32
        %dma_start3A_479 = arith.constant 0 : i32
        %dma_start3A_480 = tpu.memref_slice %arg4[%dma_start3A_478, %dma_start3A_479] : memref<4000000x32xf32, #tpu.memory_space<hbm>> -> memref<4000000x32xf32, #tpu.memory_space<hbm>>
        tpu.enqueue_indirect_dma source(%dma_start3A_480 : memref<4000000x32xf32, #tpu.memory_space<hbm>>) target(%dma_start3A_476 : memref<32x32xf32, #tpu.memory_space<vmem>>) offsets(%dma_start3A_477 : memref<32xi32, #tpu.memory_space<vmem>>) semaphore(%arg11 : memref<!tpu.dma_semaphore, #tpu.memory_space<semaphore_mem>>)
      } else {
      }
      %gt3A_164 = arith.constant 160 : i32
      %gt3A_165 = arith.cmpi sgt, %reduce_sum3A_113, %gt3A_164 : i32
      %le3A_166 = arith.constant 192 : i32
      %le3A_167 = arith.cmpi sle, %reduce_sum3A_113, %le3A_166 : i32
      %and3A_168 = arith.andi %gt3A_165, %le3A_167 : i1
      %convert_element_type3A_169 = arith.extui %and3A_168 : i1 to i32
      %cond3A_170 = arith.constant 0 : i32
      %cond3A_171 = arith.cmpi ne, %convert_element_type3A_169, %cond3A_170 : i32
      scf.if %cond3A_171 {
        %dma_start3A = arith.constant 1 : i32
        %dma_start3A_464 = arith.constant 0 : i32
        %dma_start3A_465 = arith.constant 0 : i32
        %dma_start3A_466 = tpu.memref_slice %arg8[%dma_start3A, %dma_start3A_464, %dma_start3A_465] : memref<2x200x32xf32, #tpu.memory_space<vmem>> -> memref<1x128x32xf32, #tpu.memory_space<vmem>>
        %dma_start3A_467 = tpu.memref_squeeze %dma_start3A_466 : memref<1x128x32xf32, #tpu.memory_space<vmem>> -> memref<128x32xf32, #tpu.memory_space<vmem>>
        %dma_start3A_468 = tpu.memref_slice %arg6[%multiple_of3A_118] : memref<25600xi32, #tpu.memory_space<vmem>> -> memref<128xi32, #tpu.memory_space<vmem>>
        %dma_start3A_469 = arith.constant 0 : i32
        %dma_start3A_470 = arith.constant 0 : i32
        %dma_start3A_471 = tpu.memref_slice %arg4[%dma_start3A_469, %dma_start3A_470] : memref<4000000x32xf32, #tpu.memory_space<hbm>> -> memref<4000000x32xf32, #tpu.memory_space<hbm>>
        tpu.enqueue_indirect_dma source(%dma_start3A_471 : memref<4000000x32xf32, #tpu.memory_space<hbm>>) target(%dma_start3A_467 : memref<128x32xf32, #tpu.memory_space<vmem>>) offsets(%dma_start3A_468 : memref<128xi32, #tpu.memory_space<vmem>>) semaphore(%arg11 : memref<!tpu.dma_semaphore, #tpu.memory_space<semaphore_mem>>)
        %dma_start3A_472 = arith.constant 1 : i32
        %dma_start3A_473 = arith.constant 128 : i32
        %dma_start3A_474 = arith.constant 0 : i32
        %dma_start3A_475 = tpu.memref_slice %arg8[%dma_start3A_472, %dma_start3A_473, %dma_start3A_474] : memref<2x200x32xf32, #tpu.memory_space<vmem>> -> memref<1x64x32xf32, #tpu.memory_space<vmem>>
        %dma_start3A_476 = tpu.memref_squeeze %dma_start3A_475 : memref<1x64x32xf32, #tpu.memory_space<vmem>> -> memref<64x32xf32, #tpu.memory_space<vmem>>
        %dma_start3A_477 = tpu.memref_slice %arg6[%multiple_of3A_123] : memref<25600xi32, #tpu.memory_space<vmem>> -> memref<64xi32, #tpu.memory_space<vmem>>
        %dma_start3A_478 = arith.constant 0 : i32
        %dma_start3A_479 = arith.constant 0 : i32
        %dma_start3A_480 = tpu.memref_slice %arg4[%dma_start3A_478, %dma_start3A_479] : memref<4000000x32xf32, #tpu.memory_space<hbm>> -> memref<4000000x32xf32, #tpu.memory_space<hbm>>
        tpu.enqueue_indirect_dma source(%dma_start3A_480 : memref<4000000x32xf32, #tpu.memory_space<hbm>>) target(%dma_start3A_476 : memref<64x32xf32, #tpu.memory_space<vmem>>) offsets(%dma_start3A_477 : memref<64xi32, #tpu.memory_space<vmem>>) semaphore(%arg11 : memref<!tpu.dma_semaphore, #tpu.memory_space<semaphore_mem>>)
      } else {
      }
      %gt3A_172 = arith.constant 192 : i32
      %gt3A_173 = arith.cmpi sgt, %reduce_sum3A_113, %gt3A_172 : i32
      %le3A_174 = arith.constant 200 : i32
      %le3A_175 = arith.cmpi sle, %reduce_sum3A_113, %le3A_174 : i32
      %and3A_176 = arith.andi %gt3A_173, %le3A_175 : i1
      %convert_element_type3A_177 = arith.extui %and3A_176 : i1 to i32
      %cond3A_178 = arith.constant 0 : i32
      %cond3A_179 = arith.cmpi ne, %convert_element_type3A_177, %cond3A_178 : i32
      scf.if %cond3A_179 {
        %dma_start3A = arith.constant 1 : i32
        %dma_start3A_464 = arith.constant 0 : i32
        %dma_start3A_465 = arith.constant 0 : i32
        %dma_start3A_466 = tpu.memref_slice %arg8[%dma_start3A, %dma_start3A_464, %dma_start3A_465] : memref<2x200x32xf32, #tpu.memory_space<vmem>> -> memref<1x128x32xf32, #tpu.memory_space<vmem>>
        %dma_start3A_467 = tpu.memref_squeeze %dma_start3A_466 : memref<1x128x32xf32, #tpu.memory_space<vmem>> -> memref<128x32xf32, #tpu.memory_space<vmem>>
        %dma_start3A_468 = tpu.memref_slice %arg6[%multiple_of3A_118] : memref<25600xi32, #tpu.memory_space<vmem>> -> memref<128xi32, #tpu.memory_space<vmem>>
        %dma_start3A_469 = arith.constant 0 : i32
        %dma_start3A_470 = arith.constant 0 : i32
        %dma_start3A_471 = tpu.memref_slice %arg4[%dma_start3A_469, %dma_start3A_470] : memref<4000000x32xf32, #tpu.memory_space<hbm>> -> memref<4000000x32xf32, #tpu.memory_space<hbm>>
        tpu.enqueue_indirect_dma source(%dma_start3A_471 : memref<4000000x32xf32, #tpu.memory_space<hbm>>) target(%dma_start3A_467 : memref<128x32xf32, #tpu.memory_space<vmem>>) offsets(%dma_start3A_468 : memref<128xi32, #tpu.memory_space<vmem>>) semaphore(%arg11 : memref<!tpu.dma_semaphore, #tpu.memory_space<semaphore_mem>>)
        %dma_start3A_472 = arith.constant 1 : i32
        %dma_start3A_473 = arith.constant 128 : i32
        %dma_start3A_474 = arith.constant 0 : i32
        %dma_start3A_475 = tpu.memref_slice %arg8[%dma_start3A_472, %dma_start3A_473, %dma_start3A_474] : memref<2x200x32xf32, #tpu.memory_space<vmem>> -> memref<1x72x32xf32, #tpu.memory_space<vmem>>
        %dma_start3A_476 = tpu.memref_squeeze %dma_start3A_475 : memref<1x72x32xf32, #tpu.memory_space<vmem>> -> memref<72x32xf32, #tpu.memory_space<vmem>>
        %dma_start3A_477 = tpu.memref_slice %arg6[%multiple_of3A_123] : memref<25600xi32, #tpu.memory_space<vmem>> -> memref<72xi32, #tpu.memory_space<vmem>>
        %dma_start3A_478 = arith.constant 0 : i32
        %dma_start3A_479 = arith.constant 0 : i32
        %dma_start3A_480 = tpu.memref_slice %arg4[%dma_start3A_478, %dma_start3A_479] : memref<4000000x32xf32, #tpu.memory_space<hbm>> -> memref<4000000x32xf32, #tpu.memory_space<hbm>>
        tpu.enqueue_indirect_dma source(%dma_start3A_480 : memref<4000000x32xf32, #tpu.memory_space<hbm>>) target(%dma_start3A_476 : memref<72x32xf32, #tpu.memory_space<vmem>>) offsets(%dma_start3A_477 : memref<72xi32, #tpu.memory_space<vmem>>) semaphore(%arg11 : memref<!tpu.dma_semaphore, #tpu.memory_space<semaphore_mem>>)
      } else {
      }
      %mul3A_180 = arith.constant 200 : i32
      %mul3A_181 = arith.muli %mul3A_75, %mul3A_180 : i32
      %multiple_of3A_182 = tpu.assume_multiple %mul3A_181, 8 : i32
      %mul3A_183 = arith.constant 200 : i32
      %mul3A_184 = arith.muli %mul3A_75, %mul3A_183 : i32
      %add3A_185 = arith.constant 128 : i32
      %add3A_186 = arith.addi %mul3A_184, %add3A_185 : i32
      %multiple_of3A_187 = tpu.assume_multiple %add3A_186, 8 : i32
      %gt3A_188 = arith.constant 0 : i32
      %gt3A_189 = arith.cmpi sgt, %scan3A_73, %gt3A_188 : i32
      %le3A_190 = arith.constant 32 : i32
      %le3A_191 = arith.cmpi sle, %scan3A_73, %le3A_190 : i32
      %and3A_192 = arith.andi %gt3A_189, %le3A_191 : i1
      %convert_element_type3A_193 = arith.extui %and3A_192 : i1 to i32
      %cond3A_194 = arith.constant 0 : i32
      %cond3A_195 = arith.cmpi ne, %convert_element_type3A_193, %cond3A_194 : i32
      scf.if %cond3A_195 {
        %dma_wait3A = arith.constant 0 : i32
        %dma_wait3A_464 = arith.constant 0 : i32
        %dma_wait3A_465 = arith.constant 0 : i32
        %dma_wait3A_466 = tpu.memref_slice %arg8[%dma_wait3A, %dma_wait3A_464, %dma_wait3A_465] : memref<2x200x32xf32, #tpu.memory_space<vmem>> -> memref<1x32x32xf32, #tpu.memory_space<vmem>>
        %dma_wait3A_467 = tpu.memref_squeeze %dma_wait3A_466 : memref<1x32x32xf32, #tpu.memory_space<vmem>> -> memref<32x32xf32, #tpu.memory_space<vmem>>
        %dma_wait3A_468 = tpu.memref_slice %arg6[%multiple_of3A_182] : memref<25600xi32, #tpu.memory_space<vmem>> -> memref<32xi32, #tpu.memory_space<vmem>>
        %dma_wait3A_469 = arith.constant 0 : i32
        %dma_wait3A_470 = arith.constant 0 : i32
        %dma_wait3A_471 = tpu.memref_slice %arg4[%dma_wait3A_469, %dma_wait3A_470] : memref<4000000x32xf32, #tpu.memory_space<hbm>> -> memref<4000000x32xf32, #tpu.memory_space<hbm>>
        tpu.wait_indirect_dma semaphore(%arg10 : memref<!tpu.dma_semaphore, #tpu.memory_space<semaphore_mem>>) src(%dma_wait3A_471 : memref<4000000x32xf32, #tpu.memory_space<hbm>>) dst(%dma_wait3A_467 : memref<32x32xf32, #tpu.memory_space<vmem>>)
      } else {
      }
      %gt3A_196 = arith.constant 32 : i32
      %gt3A_197 = arith.cmpi sgt, %scan3A_73, %gt3A_196 : i32
      %le3A_198 = arith.constant 64 : i32
      %le3A_199 = arith.cmpi sle, %scan3A_73, %le3A_198 : i32
      %and3A_200 = arith.andi %gt3A_197, %le3A_199 : i1
      %convert_element_type3A_201 = arith.extui %and3A_200 : i1 to i32
      %cond3A_202 = arith.constant 0 : i32
      %cond3A_203 = arith.cmpi ne, %convert_element_type3A_201, %cond3A_202 : i32
      scf.if %cond3A_203 {
        %dma_wait3A = arith.constant 0 : i32
        %dma_wait3A_464 = arith.constant 0 : i32
        %dma_wait3A_465 = arith.constant 0 : i32
        %dma_wait3A_466 = tpu.memref_slice %arg8[%dma_wait3A, %dma_wait3A_464, %dma_wait3A_465] : memref<2x200x32xf32, #tpu.memory_space<vmem>> -> memref<1x64x32xf32, #tpu.memory_space<vmem>>
        %dma_wait3A_467 = tpu.memref_squeeze %dma_wait3A_466 : memref<1x64x32xf32, #tpu.memory_space<vmem>> -> memref<64x32xf32, #tpu.memory_space<vmem>>
        %dma_wait3A_468 = tpu.memref_slice %arg6[%multiple_of3A_182] : memref<25600xi32, #tpu.memory_space<vmem>> -> memref<64xi32, #tpu.memory_space<vmem>>
        %dma_wait3A_469 = arith.constant 0 : i32
        %dma_wait3A_470 = arith.constant 0 : i32
        %dma_wait3A_471 = tpu.memref_slice %arg4[%dma_wait3A_469, %dma_wait3A_470] : memref<4000000x32xf32, #tpu.memory_space<hbm>> -> memref<4000000x32xf32, #tpu.memory_space<hbm>>
        tpu.wait_indirect_dma semaphore(%arg10 : memref<!tpu.dma_semaphore, #tpu.memory_space<semaphore_mem>>) src(%dma_wait3A_471 : memref<4000000x32xf32, #tpu.memory_space<hbm>>) dst(%dma_wait3A_467 : memref<64x32xf32, #tpu.memory_space<vmem>>)
      } else {
      }
      %gt3A_204 = arith.constant 64 : i32
      %gt3A_205 = arith.cmpi sgt, %scan3A_73, %gt3A_204 : i32
      %le3A_206 = arith.constant 96 : i32
      %le3A_207 = arith.cmpi sle, %scan3A_73, %le3A_206 : i32
      %and3A_208 = arith.andi %gt3A_205, %le3A_207 : i1
      %convert_element_type3A_209 = arith.extui %and3A_208 : i1 to i32
      %cond3A_210 = arith.constant 0 : i32
      %cond3A_211 = arith.cmpi ne, %convert_element_type3A_209, %cond3A_210 : i32
      scf.if %cond3A_211 {
        %dma_wait3A = arith.constant 0 : i32
        %dma_wait3A_464 = arith.constant 0 : i32
        %dma_wait3A_465 = arith.constant 0 : i32
        %dma_wait3A_466 = tpu.memref_slice %arg8[%dma_wait3A, %dma_wait3A_464, %dma_wait3A_465] : memref<2x200x32xf32, #tpu.memory_space<vmem>> -> memref<1x96x32xf32, #tpu.memory_space<vmem>>
        %dma_wait3A_467 = tpu.memref_squeeze %dma_wait3A_466 : memref<1x96x32xf32, #tpu.memory_space<vmem>> -> memref<96x32xf32, #tpu.memory_space<vmem>>
        %dma_wait3A_468 = tpu.memref_slice %arg6[%multiple_of3A_182] : memref<25600xi32, #tpu.memory_space<vmem>> -> memref<96xi32, #tpu.memory_space<vmem>>
        %dma_wait3A_469 = arith.constant 0 : i32
        %dma_wait3A_470 = arith.constant 0 : i32
        %dma_wait3A_471 = tpu.memref_slice %arg4[%dma_wait3A_469, %dma_wait3A_470] : memref<4000000x32xf32, #tpu.memory_space<hbm>> -> memref<4000000x32xf32, #tpu.memory_space<hbm>>
        tpu.wait_indirect_dma semaphore(%arg10 : memref<!tpu.dma_semaphore, #tpu.memory_space<semaphore_mem>>) src(%dma_wait3A_471 : memref<4000000x32xf32, #tpu.memory_space<hbm>>) dst(%dma_wait3A_467 : memref<96x32xf32, #tpu.memory_space<vmem>>)
      } else {
      }
      %gt3A_212 = arith.constant 96 : i32
      %gt3A_213 = arith.cmpi sgt, %scan3A_73, %gt3A_212 : i32
      %le3A_214 = arith.constant 128 : i32
      %le3A_215 = arith.cmpi sle, %scan3A_73, %le3A_214 : i32
      %and3A_216 = arith.andi %gt3A_213, %le3A_215 : i1
      %convert_element_type3A_217 = arith.extui %and3A_216 : i1 to i32
      %cond3A_218 = arith.constant 0 : i32
      %cond3A_219 = arith.cmpi ne, %convert_element_type3A_217, %cond3A_218 : i32
      scf.if %cond3A_219 {
        %dma_wait3A = arith.constant 0 : i32
        %dma_wait3A_464 = arith.constant 0 : i32
        %dma_wait3A_465 = arith.constant 0 : i32
        %dma_wait3A_466 = tpu.memref_slice %arg8[%dma_wait3A, %dma_wait3A_464, %dma_wait3A_465] : memref<2x200x32xf32, #tpu.memory_space<vmem>> -> memref<1x128x32xf32, #tpu.memory_space<vmem>>
        %dma_wait3A_467 = tpu.memref_squeeze %dma_wait3A_466 : memref<1x128x32xf32, #tpu.memory_space<vmem>> -> memref<128x32xf32, #tpu.memory_space<vmem>>
        %dma_wait3A_468 = tpu.memref_slice %arg6[%multiple_of3A_182] : memref<25600xi32, #tpu.memory_space<vmem>> -> memref<128xi32, #tpu.memory_space<vmem>>
        %dma_wait3A_469 = arith.constant 0 : i32
        %dma_wait3A_470 = arith.constant 0 : i32
        %dma_wait3A_471 = tpu.memref_slice %arg4[%dma_wait3A_469, %dma_wait3A_470] : memref<4000000x32xf32, #tpu.memory_space<hbm>> -> memref<4000000x32xf32, #tpu.memory_space<hbm>>
        tpu.wait_indirect_dma semaphore(%arg10 : memref<!tpu.dma_semaphore, #tpu.memory_space<semaphore_mem>>) src(%dma_wait3A_471 : memref<4000000x32xf32, #tpu.memory_space<hbm>>) dst(%dma_wait3A_467 : memref<128x32xf32, #tpu.memory_space<vmem>>)
      } else {
      }
      %gt3A_220 = arith.constant 128 : i32
      %gt3A_221 = arith.cmpi sgt, %scan3A_73, %gt3A_220 : i32
      %le3A_222 = arith.constant 160 : i32
      %le3A_223 = arith.cmpi sle, %scan3A_73, %le3A_222 : i32
      %and3A_224 = arith.andi %gt3A_221, %le3A_223 : i1
      %convert_element_type3A_225 = arith.extui %and3A_224 : i1 to i32
      %cond3A_226 = arith.constant 0 : i32
      %cond3A_227 = arith.cmpi ne, %convert_element_type3A_225, %cond3A_226 : i32
      scf.if %cond3A_227 {
        %dma_wait3A = arith.constant 0 : i32
        %dma_wait3A_464 = arith.constant 0 : i32
        %dma_wait3A_465 = arith.constant 0 : i32
        %dma_wait3A_466 = tpu.memref_slice %arg8[%dma_wait3A, %dma_wait3A_464, %dma_wait3A_465] : memref<2x200x32xf32, #tpu.memory_space<vmem>> -> memref<1x128x32xf32, #tpu.memory_space<vmem>>
        %dma_wait3A_467 = tpu.memref_squeeze %dma_wait3A_466 : memref<1x128x32xf32, #tpu.memory_space<vmem>> -> memref<128x32xf32, #tpu.memory_space<vmem>>
        %dma_wait3A_468 = tpu.memref_slice %arg6[%multiple_of3A_182] : memref<25600xi32, #tpu.memory_space<vmem>> -> memref<128xi32, #tpu.memory_space<vmem>>
        %dma_wait3A_469 = arith.constant 0 : i32
        %dma_wait3A_470 = arith.constant 0 : i32
        %dma_wait3A_471 = tpu.memref_slice %arg4[%dma_wait3A_469, %dma_wait3A_470] : memref<4000000x32xf32, #tpu.memory_space<hbm>> -> memref<4000000x32xf32, #tpu.memory_space<hbm>>
        tpu.wait_indirect_dma semaphore(%arg10 : memref<!tpu.dma_semaphore, #tpu.memory_space<semaphore_mem>>) src(%dma_wait3A_471 : memref<4000000x32xf32, #tpu.memory_space<hbm>>) dst(%dma_wait3A_467 : memref<128x32xf32, #tpu.memory_space<vmem>>)
        %dma_wait3A_472 = arith.constant 0 : i32
        %dma_wait3A_473 = arith.constant 128 : i32
        %dma_wait3A_474 = arith.constant 0 : i32
        %dma_wait3A_475 = tpu.memref_slice %arg8[%dma_wait3A_472, %dma_wait3A_473, %dma_wait3A_474] : memref<2x200x32xf32, #tpu.memory_space<vmem>> -> memref<1x32x32xf32, #tpu.memory_space<vmem>>
        %dma_wait3A_476 = tpu.memref_squeeze %dma_wait3A_475 : memref<1x32x32xf32, #tpu.memory_space<vmem>> -> memref<32x32xf32, #tpu.memory_space<vmem>>
        %dma_wait3A_477 = tpu.memref_slice %arg6[%multiple_of3A_187] : memref<25600xi32, #tpu.memory_space<vmem>> -> memref<32xi32, #tpu.memory_space<vmem>>
        %dma_wait3A_478 = arith.constant 0 : i32
        %dma_wait3A_479 = arith.constant 0 : i32
        %dma_wait3A_480 = tpu.memref_slice %arg4[%dma_wait3A_478, %dma_wait3A_479] : memref<4000000x32xf32, #tpu.memory_space<hbm>> -> memref<4000000x32xf32, #tpu.memory_space<hbm>>
        tpu.wait_indirect_dma semaphore(%arg10 : memref<!tpu.dma_semaphore, #tpu.memory_space<semaphore_mem>>) src(%dma_wait3A_480 : memref<4000000x32xf32, #tpu.memory_space<hbm>>) dst(%dma_wait3A_476 : memref<32x32xf32, #tpu.memory_space<vmem>>)
      } else {
      }
      %gt3A_228 = arith.constant 160 : i32
      %gt3A_229 = arith.cmpi sgt, %scan3A_73, %gt3A_228 : i32
      %le3A_230 = arith.constant 192 : i32
      %le3A_231 = arith.cmpi sle, %scan3A_73, %le3A_230 : i32
      %and3A_232 = arith.andi %gt3A_229, %le3A_231 : i1
      %convert_element_type3A_233 = arith.extui %and3A_232 : i1 to i32
      %cond3A_234 = arith.constant 0 : i32
      %cond3A_235 = arith.cmpi ne, %convert_element_type3A_233, %cond3A_234 : i32
      scf.if %cond3A_235 {
        %dma_wait3A = arith.constant 0 : i32
        %dma_wait3A_464 = arith.constant 0 : i32
        %dma_wait3A_465 = arith.constant 0 : i32
        %dma_wait3A_466 = tpu.memref_slice %arg8[%dma_wait3A, %dma_wait3A_464, %dma_wait3A_465] : memref<2x200x32xf32, #tpu.memory_space<vmem>> -> memref<1x128x32xf32, #tpu.memory_space<vmem>>
        %dma_wait3A_467 = tpu.memref_squeeze %dma_wait3A_466 : memref<1x128x32xf32, #tpu.memory_space<vmem>> -> memref<128x32xf32, #tpu.memory_space<vmem>>
        %dma_wait3A_468 = tpu.memref_slice %arg6[%multiple_of3A_182] : memref<25600xi32, #tpu.memory_space<vmem>> -> memref<128xi32, #tpu.memory_space<vmem>>
        %dma_wait3A_469 = arith.constant 0 : i32
        %dma_wait3A_470 = arith.constant 0 : i32
        %dma_wait3A_471 = tpu.memref_slice %arg4[%dma_wait3A_469, %dma_wait3A_470] : memref<4000000x32xf32, #tpu.memory_space<hbm>> -> memref<4000000x32xf32, #tpu.memory_space<hbm>>
        tpu.wait_indirect_dma semaphore(%arg10 : memref<!tpu.dma_semaphore, #tpu.memory_space<semaphore_mem>>) src(%dma_wait3A_471 : memref<4000000x32xf32, #tpu.memory_space<hbm>>) dst(%dma_wait3A_467 : memref<128x32xf32, #tpu.memory_space<vmem>>)
        %dma_wait3A_472 = arith.constant 0 : i32
        %dma_wait3A_473 = arith.constant 128 : i32
        %dma_wait3A_474 = arith.constant 0 : i32
        %dma_wait3A_475 = tpu.memref_slice %arg8[%dma_wait3A_472, %dma_wait3A_473, %dma_wait3A_474] : memref<2x200x32xf32, #tpu.memory_space<vmem>> -> memref<1x64x32xf32, #tpu.memory_space<vmem>>
        %dma_wait3A_476 = tpu.memref_squeeze %dma_wait3A_475 : memref<1x64x32xf32, #tpu.memory_space<vmem>> -> memref<64x32xf32, #tpu.memory_space<vmem>>
        %dma_wait3A_477 = tpu.memref_slice %arg6[%multiple_of3A_187] : memref<25600xi32, #tpu.memory_space<vmem>> -> memref<64xi32, #tpu.memory_space<vmem>>
        %dma_wait3A_478 = arith.constant 0 : i32
        %dma_wait3A_479 = arith.constant 0 : i32
        %dma_wait3A_480 = tpu.memref_slice %arg4[%dma_wait3A_478, %dma_wait3A_479] : memref<4000000x32xf32, #tpu.memory_space<hbm>> -> memref<4000000x32xf32, #tpu.memory_space<hbm>>
        tpu.wait_indirect_dma semaphore(%arg10 : memref<!tpu.dma_semaphore, #tpu.memory_space<semaphore_mem>>) src(%dma_wait3A_480 : memref<4000000x32xf32, #tpu.memory_space<hbm>>) dst(%dma_wait3A_476 : memref<64x32xf32, #tpu.memory_space<vmem>>)
      } else {
      }
      %gt3A_236 = arith.constant 192 : i32
      %gt3A_237 = arith.cmpi sgt, %scan3A_73, %gt3A_236 : i32
      %le3A_238 = arith.constant 200 : i32
      %le3A_239 = arith.cmpi sle, %scan3A_73, %le3A_238 : i32
      %and3A_240 = arith.andi %gt3A_237, %le3A_239 : i1
      %convert_element_type3A_241 = arith.extui %and3A_240 : i1 to i32
      %cond3A_242 = arith.constant 0 : i32
      %cond3A_243 = arith.cmpi ne, %convert_element_type3A_241, %cond3A_242 : i32
      scf.if %cond3A_243 {
        %dma_wait3A = arith.constant 0 : i32
        %dma_wait3A_464 = arith.constant 0 : i32
        %dma_wait3A_465 = arith.constant 0 : i32
        %dma_wait3A_466 = tpu.memref_slice %arg8[%dma_wait3A, %dma_wait3A_464, %dma_wait3A_465] : memref<2x200x32xf32, #tpu.memory_space<vmem>> -> memref<1x128x32xf32, #tpu.memory_space<vmem>>
        %dma_wait3A_467 = tpu.memref_squeeze %dma_wait3A_466 : memref<1x128x32xf32, #tpu.memory_space<vmem>> -> memref<128x32xf32, #tpu.memory_space<vmem>>
        %dma_wait3A_468 = tpu.memref_slice %arg6[%multiple_of3A_182] : memref<25600xi32, #tpu.memory_space<vmem>> -> memref<128xi32, #tpu.memory_space<vmem>>
        %dma_wait3A_469 = arith.constant 0 : i32
        %dma_wait3A_470 = arith.constant 0 : i32
        %dma_wait3A_471 = tpu.memref_slice %arg4[%dma_wait3A_469, %dma_wait3A_470] : memref<4000000x32xf32, #tpu.memory_space<hbm>> -> memref<4000000x32xf32, #tpu.memory_space<hbm>>
        tpu.wait_indirect_dma semaphore(%arg10 : memref<!tpu.dma_semaphore, #tpu.memory_space<semaphore_mem>>) src(%dma_wait3A_471 : memref<4000000x32xf32, #tpu.memory_space<hbm>>) dst(%dma_wait3A_467 : memref<128x32xf32, #tpu.memory_space<vmem>>)
        %dma_wait3A_472 = arith.constant 0 : i32
        %dma_wait3A_473 = arith.constant 128 : i32
        %dma_wait3A_474 = arith.constant 0 : i32
        %dma_wait3A_475 = tpu.memref_slice %arg8[%dma_wait3A_472, %dma_wait3A_473, %dma_wait3A_474] : memref<2x200x32xf32, #tpu.memory_space<vmem>> -> memref<1x72x32xf32, #tpu.memory_space<vmem>>
        %dma_wait3A_476 = tpu.memref_squeeze %dma_wait3A_475 : memref<1x72x32xf32, #tpu.memory_space<vmem>> -> memref<72x32xf32, #tpu.memory_space<vmem>>
        %dma_wait3A_477 = tpu.memref_slice %arg6[%multiple_of3A_187] : memref<25600xi32, #tpu.memory_space<vmem>> -> memref<72xi32, #tpu.memory_space<vmem>>
        %dma_wait3A_478 = arith.constant 0 : i32
        %dma_wait3A_479 = arith.constant 0 : i32
        %dma_wait3A_480 = tpu.memref_slice %arg4[%dma_wait3A_478, %dma_wait3A_479] : memref<4000000x32xf32, #tpu.memory_space<hbm>> -> memref<4000000x32xf32, #tpu.memory_space<hbm>>
        tpu.wait_indirect_dma semaphore(%arg10 : memref<!tpu.dma_semaphore, #tpu.memory_space<semaphore_mem>>) src(%dma_wait3A_480 : memref<4000000x32xf32, #tpu.memory_space<hbm>>) dst(%dma_wait3A_476 : memref<72x32xf32, #tpu.memory_space<vmem>>)
      } else {
      }
      %add3A_244 = arith.constant 15 : i32
      %add3A_245 = arith.addi %scan3A_73, %add3A_244 : i32
      %jit3A_246 = arith.constant 16 : i32
      %div3A_247 = arith.divsi %add3A_245, %jit3A_246 : i32
      %sign3A_248 = arith.constant 0 : i32
      %sign3A_249 = arith.cmpi sgt, %add3A_245, %sign3A_248 : i32
      %sign3A_250 = arith.extui %sign3A_249 : i1 to i32
      %sign3A_251 = arith.constant 0 : i32
      %sign3A_252 = arith.cmpi slt, %add3A_245, %sign3A_251 : i32
      %sign3A_253 = arith.extui %sign3A_252 : i1 to i32
      %sign3A_254 = arith.subi %sign3A_250, %sign3A_253 : i32
      %sign3A_255 = arith.constant 0 : i32
      %sign3A_256 = arith.cmpi sgt, %jit3A_246, %sign3A_255 : i32
      %sign3A_257 = arith.extui %sign3A_256 : i1 to i32
      %sign3A_258 = arith.constant 0 : i32
      %sign3A_259 = arith.cmpi slt, %jit3A_246, %sign3A_258 : i32
      %sign3A_260 = arith.extui %sign3A_259 : i1 to i32
      %sign3A_261 = arith.subi %sign3A_257, %sign3A_260 : i32
      %ne3A_262 = arith.cmpi ne, %sign3A_254, %sign3A_261 : i32
      %rem3A_263 = arith.remsi %add3A_245, %jit3A_246 : i32
      %ne3A_264 = arith.constant 0 : i32
      %ne3A_265 = arith.cmpi ne, %rem3A_263, %ne3A_264 : i32
      %and3A_266 = arith.andi %ne3A_262, %ne3A_265 : i1
      %sub3A_267 = arith.constant 1 : i32
      %sub3A_268 = arith.subi %div3A_247, %sub3A_267 : i32
      %select_n3A_269 = arith.select %and3A_266, %sub3A_268, %div3A_247 : i32
      %broadcast_in_dim3A_270 = arith.constant 0.000000e+00 : f32
      %broadcast_in_dim3A_271 = vector.broadcast %broadcast_in_dim3A_270 : f32 to vector<16xf32>
      %while3A = arith.constant 0 : i32
      %while3A_272 = arith.subi %select_n3A_269, %while3A : i32
      %while3A_273 = arith.addi %while3A, %while3A_272 : i32
      %while3A_274 = arith.constant 1 : i32
      %while3A_275 = arith.divsi %while3A_272, %while3A_274 : i32
      %while3A_276 = arith.muli %while3A_275, %while3A_274 : i32
      %while3A_277 = arith.addi %while3A, %while3A_276 : i32
      %while3A_278 = arith.constant 1 : i32
      %while3A_279:2 = scf.for %while3A_464 = %while3A to %while3A_277 step %while3A_278 iter_args(%while3A_465 = %broadcast_in_dim3A_271, %while3A_466 = %broadcast_in_dim3A_271) -> (vector<16xf32>, vector<16xf32>)  : i32 {
        %mul3A_467 = arith.constant 16 : i32
        %mul3A_468 = arith.muli %while3A_464, %mul3A_467 : i32
        %add3A_469 = arith.constant 0 : i32
        %add3A_470 = arith.addi %mul3A_468, %add3A_469 : i32
        %get3A_471 = arith.constant 0 : i32
        %get3A_472 = arith.index_cast %get3A_471 : i32 to index
        %get3A_473 = arith.index_cast %add3A_470 : i32 to index
        %get3A_474 = arith.constant 0 : index
        %get3A_475 = tpu.vector_load %arg8[%get3A_472, %get3A_473, %get3A_474] {strides = array<i32>} : memref<2x200x32xf32, #tpu.memory_space<vmem>>, vector<16xf32>,
        %add3A_476 = arith.addf %while3A_465, %get3A_475 : vector<16xf32>
        %add3A_477 = arith.constant 1 : i32
        %add3A_478 = arith.addi %mul3A_468, %add3A_477 : i32
        %get3A_479 = arith.constant 0 : i32
        %get3A_480 = arith.index_cast %get3A_479 : i32 to index
        %get3A_481 = arith.index_cast %add3A_478 : i32 to index
        %get3A_482 = arith.constant 0 : index
        %get3A_483 = tpu.vector_load %arg8[%get3A_480, %get3A_481, %get3A_482] {strides = array<i32>} : memref<2x200x32xf32, #tpu.memory_space<vmem>>, vector<16xf32>,
        %add3A_484 = arith.addf %add3A_476, %get3A_483 : vector<16xf32>
        %add3A_485 = arith.constant 2 : i32
        %add3A_486 = arith.addi %mul3A_468, %add3A_485 : i32
        %get3A_487 = arith.constant 0 : i32
        %get3A_488 = arith.index_cast %get3A_487 : i32 to index
        %get3A_489 = arith.index_cast %add3A_486 : i32 to index
        %get3A_490 = arith.constant 0 : index
        %get3A_491 = tpu.vector_load %arg8[%get3A_488, %get3A_489, %get3A_490] {strides = array<i32>} : memref<2x200x32xf32, #tpu.memory_space<vmem>>, vector<16xf32>,
        %add3A_492 = arith.addf %add3A_484, %get3A_491 : vector<16xf32>
        %add3A_493 = arith.constant 3 : i32
        %add3A_494 = arith.addi %mul3A_468, %add3A_493 : i32
        %get3A_495 = arith.constant 0 : i32
        %get3A_496 = arith.index_cast %get3A_495 : i32 to index
        %get3A_497 = arith.index_cast %add3A_494 : i32 to index
        %get3A_498 = arith.constant 0 : index
        %get3A_499 = tpu.vector_load %arg8[%get3A_496, %get3A_497, %get3A_498] {strides = array<i32>} : memref<2x200x32xf32, #tpu.memory_space<vmem>>, vector<16xf32>,
        %add3A_500 = arith.addf %add3A_492, %get3A_499 : vector<16xf32>
        %add3A_501 = arith.constant 4 : i32
        %add3A_502 = arith.addi %mul3A_468, %add3A_501 : i32
        %get3A_503 = arith.constant 0 : i32
        %get3A_504 = arith.index_cast %get3A_503 : i32 to index
        %get3A_505 = arith.index_cast %add3A_502 : i32 to index
        %get3A_506 = arith.constant 0 : index
        %get3A_507 = tpu.vector_load %arg8[%get3A_504, %get3A_505, %get3A_506] {strides = array<i32>} : memref<2x200x32xf32, #tpu.memory_space<vmem>>, vector<16xf32>,
        %add3A_508 = arith.addf %add3A_500, %get3A_507 : vector<16xf32>
        %add3A_509 = arith.constant 5 : i32
        %add3A_510 = arith.addi %mul3A_468, %add3A_509 : i32
        %get3A_511 = arith.constant 0 : i32
        %get3A_512 = arith.index_cast %get3A_511 : i32 to index
        %get3A_513 = arith.index_cast %add3A_510 : i32 to index
        %get3A_514 = arith.constant 0 : index
        %get3A_515 = tpu.vector_load %arg8[%get3A_512, %get3A_513, %get3A_514] {strides = array<i32>} : memref<2x200x32xf32, #tpu.memory_space<vmem>>, vector<16xf32>,
        %add3A_516 = arith.addf %add3A_508, %get3A_515 : vector<16xf32>
        %add3A_517 = arith.constant 6 : i32
        %add3A_518 = arith.addi %mul3A_468, %add3A_517 : i32
        %get3A_519 = arith.constant 0 : i32
        %get3A_520 = arith.index_cast %get3A_519 : i32 to index
        %get3A_521 = arith.index_cast %add3A_518 : i32 to index
        %get3A_522 = arith.constant 0 : index
        %get3A_523 = tpu.vector_load %arg8[%get3A_520, %get3A_521, %get3A_522] {strides = array<i32>} : memref<2x200x32xf32, #tpu.memory_space<vmem>>, vector<16xf32>,
        %add3A_524 = arith.addf %add3A_516, %get3A_523 : vector<16xf32>
        %add3A_525 = arith.constant 7 : i32
        %add3A_526 = arith.addi %mul3A_468, %add3A_525 : i32
        %get3A_527 = arith.constant 0 : i32
        %get3A_528 = arith.index_cast %get3A_527 : i32 to index
        %get3A_529 = arith.index_cast %add3A_526 : i32 to index
        %get3A_530 = arith.constant 0 : index
        %get3A_531 = tpu.vector_load %arg8[%get3A_528, %get3A_529, %get3A_530] {strides = array<i32>} : memref<2x200x32xf32, #tpu.memory_space<vmem>>, vector<16xf32>,
        %add3A_532 = arith.addf %add3A_524, %get3A_531 : vector<16xf32>
        %add3A_533 = arith.constant 8 : i32
        %add3A_534 = arith.addi %mul3A_468, %add3A_533 : i32
        %get3A_535 = arith.constant 0 : i32
        %get3A_536 = arith.index_cast %get3A_535 : i32 to index
        %get3A_537 = arith.index_cast %add3A_534 : i32 to index
        %get3A_538 = arith.constant 0 : index
        %get3A_539 = tpu.vector_load %arg8[%get3A_536, %get3A_537, %get3A_538] {strides = array<i32>} : memref<2x200x32xf32, #tpu.memory_space<vmem>>, vector<16xf32>,
        %add3A_540 = arith.addf %add3A_532, %get3A_539 : vector<16xf32>
        %add3A_541 = arith.constant 9 : i32
        %add3A_542 = arith.addi %mul3A_468, %add3A_541 : i32
        %get3A_543 = arith.constant 0 : i32
        %get3A_544 = arith.index_cast %get3A_543 : i32 to index
        %get3A_545 = arith.index_cast %add3A_542 : i32 to index
        %get3A_546 = arith.constant 0 : index
        %get3A_547 = tpu.vector_load %arg8[%get3A_544, %get3A_545, %get3A_546] {strides = array<i32>} : memref<2x200x32xf32, #tpu.memory_space<vmem>>, vector<16xf32>,
        %add3A_548 = arith.addf %add3A_540, %get3A_547 : vector<16xf32>
        %add3A_549 = arith.constant 10 : i32
        %add3A_550 = arith.addi %mul3A_468, %add3A_549 : i32
        %get3A_551 = arith.constant 0 : i32
        %get3A_552 = arith.index_cast %get3A_551 : i32 to index
        %get3A_553 = arith.index_cast %add3A_550 : i32 to index
        %get3A_554 = arith.constant 0 : index
        %get3A_555 = tpu.vector_load %arg8[%get3A_552, %get3A_553, %get3A_554] {strides = array<i32>} : memref<2x200x32xf32, #tpu.memory_space<vmem>>, vector<16xf32>,
        %add3A_556 = arith.addf %add3A_548, %get3A_555 : vector<16xf32>
        %add3A_557 = arith.constant 11 : i32
        %add3A_558 = arith.addi %mul3A_468, %add3A_557 : i32
        %get3A_559 = arith.constant 0 : i32
        %get3A_560 = arith.index_cast %get3A_559 : i32 to index
        %get3A_561 = arith.index_cast %add3A_558 : i32 to index
        %get3A_562 = arith.constant 0 : index
        %get3A_563 = tpu.vector_load %arg8[%get3A_560, %get3A_561, %get3A_562] {strides = array<i32>} : memref<2x200x32xf32, #tpu.memory_space<vmem>>, vector<16xf32>,
        %add3A_564 = arith.addf %add3A_556, %get3A_563 : vector<16xf32>
        %add3A_565 = arith.constant 12 : i32
        %add3A_566 = arith.addi %mul3A_468, %add3A_565 : i32
        %get3A_567 = arith.constant 0 : i32
        %get3A_568 = arith.index_cast %get3A_567 : i32 to index
        %get3A_569 = arith.index_cast %add3A_566 : i32 to index
        %get3A_570 = arith.constant 0 : index
        %get3A_571 = tpu.vector_load %arg8[%get3A_568, %get3A_569, %get3A_570] {strides = array<i32>} : memref<2x200x32xf32, #tpu.memory_space<vmem>>, vector<16xf32>,
        %add3A_572 = arith.addf %add3A_564, %get3A_571 : vector<16xf32>
        %add3A_573 = arith.constant 13 : i32
        %add3A_574 = arith.addi %mul3A_468, %add3A_573 : i32
        %get3A_575 = arith.constant 0 : i32
        %get3A_576 = arith.index_cast %get3A_575 : i32 to index
        %get3A_577 = arith.index_cast %add3A_574 : i32 to index
        %get3A_578 = arith.constant 0 : index
        %get3A_579 = tpu.vector_load %arg8[%get3A_576, %get3A_577, %get3A_578] {strides = array<i32>} : memref<2x200x32xf32, #tpu.memory_space<vmem>>, vector<16xf32>,
        %add3A_580 = arith.addf %add3A_572, %get3A_579 : vector<16xf32>
        %add3A_581 = arith.constant 14 : i32
        %add3A_582 = arith.addi %mul3A_468, %add3A_581 : i32
        %get3A_583 = arith.constant 0 : i32
        %get3A_584 = arith.index_cast %get3A_583 : i32 to index
        %get3A_585 = arith.index_cast %add3A_582 : i32 to index
        %get3A_586 = arith.constant 0 : index
        %get3A_587 = tpu.vector_load %arg8[%get3A_584, %get3A_585, %get3A_586] {strides = array<i32>} : memref<2x200x32xf32, #tpu.memory_space<vmem>>, vector<16xf32>,
        %add3A_588 = arith.addf %add3A_580, %get3A_587 : vector<16xf32>
        %add3A_589 = arith.constant 15 : i32
        %add3A_590 = arith.addi %mul3A_468, %add3A_589 : i32
        %get3A_591 = arith.constant 0 : i32
        %get3A_592 = arith.index_cast %get3A_591 : i32 to index
        %get3A_593 = arith.index_cast %add3A_590 : i32 to index
        %get3A_594 = arith.constant 0 : index
        %get3A_595 = tpu.vector_load %arg8[%get3A_592, %get3A_593, %get3A_594] {strides = array<i32>} : memref<2x200x32xf32, #tpu.memory_space<vmem>>, vector<16xf32>,
        %add3A_596 = arith.addf %add3A_588, %get3A_595 : vector<16xf32>
        %add3A_597 = arith.constant 0 : i32
        %add3A_598 = arith.addi %mul3A_468, %add3A_597 : i32
        %get3A_599 = arith.constant 0 : i32
        %get3A_600 = arith.index_cast %get3A_599 : i32 to index
        %get3A_601 = arith.index_cast %add3A_598 : i32 to index
        %get3A_602 = arith.constant 16 : index
        %get3A_603 = tpu.vector_load %arg8[%get3A_600, %get3A_601, %get3A_602] {strides = array<i32>} : memref<2x200x32xf32, #tpu.memory_space<vmem>>, vector<16xf32>,
        %add3A_604 = arith.addf %while3A_466, %get3A_603 : vector<16xf32>
        %add3A_605 = arith.constant 1 : i32
        %add3A_606 = arith.addi %mul3A_468, %add3A_605 : i32
        %get3A_607 = arith.constant 0 : i32
        %get3A_608 = arith.index_cast %get3A_607 : i32 to index
        %get3A_609 = arith.index_cast %add3A_606 : i32 to index
        %get3A_610 = arith.constant 16 : index
        %get3A_611 = tpu.vector_load %arg8[%get3A_608, %get3A_609, %get3A_610] {strides = array<i32>} : memref<2x200x32xf32, #tpu.memory_space<vmem>>, vector<16xf32>,
        %add3A_612 = arith.addf %add3A_604, %get3A_611 : vector<16xf32>
        %add3A_613 = arith.constant 2 : i32
        %add3A_614 = arith.addi %mul3A_468, %add3A_613 : i32
        %get3A_615 = arith.constant 0 : i32
        %get3A_616 = arith.index_cast %get3A_615 : i32 to index
        %get3A_617 = arith.index_cast %add3A_614 : i32 to index
        %get3A_618 = arith.constant 16 : index
        %get3A_619 = tpu.vector_load %arg8[%get3A_616, %get3A_617, %get3A_618] {strides = array<i32>} : memref<2x200x32xf32, #tpu.memory_space<vmem>>, vector<16xf32>,
        %add3A_620 = arith.addf %add3A_612, %get3A_619 : vector<16xf32>
        %add3A_621 = arith.constant 3 : i32
        %add3A_622 = arith.addi %mul3A_468, %add3A_621 : i32
        %get3A_623 = arith.constant 0 : i32
        %get3A_624 = arith.index_cast %get3A_623 : i32 to index
        %get3A_625 = arith.index_cast %add3A_622 : i32 to index
        %get3A_626 = arith.constant 16 : index
        %get3A_627 = tpu.vector_load %arg8[%get3A_624, %get3A_625, %get3A_626] {strides = array<i32>} : memref<2x200x32xf32, #tpu.memory_space<vmem>>, vector<16xf32>,
        %add3A_628 = arith.addf %add3A_620, %get3A_627 : vector<16xf32>
        %add3A_629 = arith.constant 4 : i32
        %add3A_630 = arith.addi %mul3A_468, %add3A_629 : i32
        %get3A_631 = arith.constant 0 : i32
        %get3A_632 = arith.index_cast %get3A_631 : i32 to index
        %get3A_633 = arith.index_cast %add3A_630 : i32 to index
        %get3A_634 = arith.constant 16 : index
        %get3A_635 = tpu.vector_load %arg8[%get3A_632, %get3A_633, %get3A_634] {strides = array<i32>} : memref<2x200x32xf32, #tpu.memory_space<vmem>>, vector<16xf32>,
        %add3A_636 = arith.addf %add3A_628, %get3A_635 : vector<16xf32>
        %add3A_637 = arith.constant 5 : i32
        %add3A_638 = arith.addi %mul3A_468, %add3A_637 : i32
        %get3A_639 = arith.constant 0 : i32
        %get3A_640 = arith.index_cast %get3A_639 : i32 to index
        %get3A_641 = arith.index_cast %add3A_638 : i32 to index
        %get3A_642 = arith.constant 16 : index
        %get3A_643 = tpu.vector_load %arg8[%get3A_640, %get3A_641, %get3A_642] {strides = array<i32>} : memref<2x200x32xf32, #tpu.memory_space<vmem>>, vector<16xf32>,
        %add3A_644 = arith.addf %add3A_636, %get3A_643 : vector<16xf32>
        %add3A_645 = arith.constant 6 : i32
        %add3A_646 = arith.addi %mul3A_468, %add3A_645 : i32
        %get3A_647 = arith.constant 0 : i32
        %get3A_648 = arith.index_cast %get3A_647 : i32 to index
        %get3A_649 = arith.index_cast %add3A_646 : i32 to index
        %get3A_650 = arith.constant 16 : index
        %get3A_651 = tpu.vector_load %arg8[%get3A_648, %get3A_649, %get3A_650] {strides = array<i32>} : memref<2x200x32xf32, #tpu.memory_space<vmem>>, vector<16xf32>,
        %add3A_652 = arith.addf %add3A_644, %get3A_651 : vector<16xf32>
        %add3A_653 = arith.constant 7 : i32
        %add3A_654 = arith.addi %mul3A_468, %add3A_653 : i32
        %get3A_655 = arith.constant 0 : i32
        %get3A_656 = arith.index_cast %get3A_655 : i32 to index
        %get3A_657 = arith.index_cast %add3A_654 : i32 to index
        %get3A_658 = arith.constant 16 : index
        %get3A_659 = tpu.vector_load %arg8[%get3A_656, %get3A_657, %get3A_658] {strides = array<i32>} : memref<2x200x32xf32, #tpu.memory_space<vmem>>, vector<16xf32>,
        %add3A_660 = arith.addf %add3A_652, %get3A_659 : vector<16xf32>
        %add3A_661 = arith.constant 8 : i32
        %add3A_662 = arith.addi %mul3A_468, %add3A_661 : i32
        %get3A_663 = arith.constant 0 : i32
        %get3A_664 = arith.index_cast %get3A_663 : i32 to index
        %get3A_665 = arith.index_cast %add3A_662 : i32 to index
        %get3A_666 = arith.constant 16 : index
        %get3A_667 = tpu.vector_load %arg8[%get3A_664, %get3A_665, %get3A_666] {strides = array<i32>} : memref<2x200x32xf32, #tpu.memory_space<vmem>>, vector<16xf32>,
        %add3A_668 = arith.addf %add3A_660, %get3A_667 : vector<16xf32>
        %add3A_669 = arith.constant 9 : i32
        %add3A_670 = arith.addi %mul3A_468, %add3A_669 : i32
        %get3A_671 = arith.constant 0 : i32
        %get3A_672 = arith.index_cast %get3A_671 : i32 to index
        %get3A_673 = arith.index_cast %add3A_670 : i32 to index
        %get3A_674 = arith.constant 16 : index
        %get3A_675 = tpu.vector_load %arg8[%get3A_672, %get3A_673, %get3A_674] {strides = array<i32>} : memref<2x200x32xf32, #tpu.memory_space<vmem>>, vector<16xf32>,
        %add3A_676 = arith.addf %add3A_668, %get3A_675 : vector<16xf32>
        %add3A_677 = arith.constant 10 : i32
        %add3A_678 = arith.addi %mul3A_468, %add3A_677 : i32
        %get3A_679 = arith.constant 0 : i32
        %get3A_680 = arith.index_cast %get3A_679 : i32 to index
        %get3A_681 = arith.index_cast %add3A_678 : i32 to index
        %get3A_682 = arith.constant 16 : index
        %get3A_683 = tpu.vector_load %arg8[%get3A_680, %get3A_681, %get3A_682] {strides = array<i32>} : memref<2x200x32xf32, #tpu.memory_space<vmem>>, vector<16xf32>,
        %add3A_684 = arith.addf %add3A_676, %get3A_683 : vector<16xf32>
        %add3A_685 = arith.constant 11 : i32
        %add3A_686 = arith.addi %mul3A_468, %add3A_685 : i32
        %get3A_687 = arith.constant 0 : i32
        %get3A_688 = arith.index_cast %get3A_687 : i32 to index
        %get3A_689 = arith.index_cast %add3A_686 : i32 to index
        %get3A_690 = arith.constant 16 : index
        %get3A_691 = tpu.vector_load %arg8[%get3A_688, %get3A_689, %get3A_690] {strides = array<i32>} : memref<2x200x32xf32, #tpu.memory_space<vmem>>, vector<16xf32>,
        %add3A_692 = arith.addf %add3A_684, %get3A_691 : vector<16xf32>
        %add3A_693 = arith.constant 12 : i32
        %add3A_694 = arith.addi %mul3A_468, %add3A_693 : i32
        %get3A_695 = arith.constant 0 : i32
        %get3A_696 = arith.index_cast %get3A_695 : i32 to index
        %get3A_697 = arith.index_cast %add3A_694 : i32 to index
        %get3A_698 = arith.constant 16 : index
        %get3A_699 = tpu.vector_load %arg8[%get3A_696, %get3A_697, %get3A_698] {strides = array<i32>} : memref<2x200x32xf32, #tpu.memory_space<vmem>>, vector<16xf32>,
        %add3A_700 = arith.addf %add3A_692, %get3A_699 : vector<16xf32>
        %add3A_701 = arith.constant 13 : i32
        %add3A_702 = arith.addi %mul3A_468, %add3A_701 : i32
        %get3A_703 = arith.constant 0 : i32
        %get3A_704 = arith.index_cast %get3A_703 : i32 to index
        %get3A_705 = arith.index_cast %add3A_702 : i32 to index
        %get3A_706 = arith.constant 16 : index
        %get3A_707 = tpu.vector_load %arg8[%get3A_704, %get3A_705, %get3A_706] {strides = array<i32>} : memref<2x200x32xf32, #tpu.memory_space<vmem>>, vector<16xf32>,
        %add3A_708 = arith.addf %add3A_700, %get3A_707 : vector<16xf32>
        %add3A_709 = arith.constant 14 : i32
        %add3A_710 = arith.addi %mul3A_468, %add3A_709 : i32
        %get3A_711 = arith.constant 0 : i32
        %get3A_712 = arith.index_cast %get3A_711 : i32 to index
        %get3A_713 = arith.index_cast %add3A_710 : i32 to index
        %get3A_714 = arith.constant 16 : index
        %get3A_715 = tpu.vector_load %arg8[%get3A_712, %get3A_713, %get3A_714] {strides = array<i32>} : memref<2x200x32xf32, #tpu.memory_space<vmem>>, vector<16xf32>,
        %add3A_716 = arith.addf %add3A_708, %get3A_715 : vector<16xf32>
        %add3A_717 = arith.constant 15 : i32
        %add3A_718 = arith.addi %mul3A_468, %add3A_717 : i32
        %get3A_719 = arith.constant 0 : i32
        %get3A_720 = arith.index_cast %get3A_719 : i32 to index
        %get3A_721 = arith.index_cast %add3A_718 : i32 to index
        %get3A_722 = arith.constant 16 : index
        %get3A_723 = tpu.vector_load %arg8[%get3A_720, %get3A_721, %get3A_722] {strides = array<i32>} : memref<2x200x32xf32, #tpu.memory_space<vmem>>, vector<16xf32>,
        %add3A_724 = arith.addf %add3A_716, %get3A_723 : vector<16xf32>
        scf.yield %add3A_596, %add3A_724 : vector<16xf32>, vector<16xf32>
      }
      %while3A_280 = arith.constant 1 : i32
      %while3A_281:2 = scf.for %while3A_464 = %while3A_277 to %while3A_273 step %while3A_280 iter_args(%while3A_465 = %while3A_279#0, %while3A_466 = %while3A_279#1) -> (vector<16xf32>, vector<16xf32>)  : i32 {
        %mul3A_467 = arith.constant 16 : i32
        %mul3A_468 = arith.muli %while3A_464, %mul3A_467 : i32
        %add3A_469 = arith.constant 0 : i32
        %add3A_470 = arith.addi %mul3A_468, %add3A_469 : i32
        %get3A_471 = arith.constant 0 : i32
        %get3A_472 = arith.index_cast %get3A_471 : i32 to index
        %get3A_473 = arith.index_cast %add3A_470 : i32 to index
        %get3A_474 = arith.constant 0 : index
        %get3A_475 = tpu.vector_load %arg8[%get3A_472, %get3A_473, %get3A_474] {strides = array<i32>} : memref<2x200x32xf32, #tpu.memory_space<vmem>>, vector<16xf32>,
        %add3A_476 = arith.addf %while3A_465, %get3A_475 : vector<16xf32>
        %add3A_477 = arith.constant 1 : i32
        %add3A_478 = arith.addi %mul3A_468, %add3A_477 : i32
        %get3A_479 = arith.constant 0 : i32
        %get3A_480 = arith.index_cast %get3A_479 : i32 to index
        %get3A_481 = arith.index_cast %add3A_478 : i32 to index
        %get3A_482 = arith.constant 0 : index
        %get3A_483 = tpu.vector_load %arg8[%get3A_480, %get3A_481, %get3A_482] {strides = array<i32>} : memref<2x200x32xf32, #tpu.memory_space<vmem>>, vector<16xf32>,
        %add3A_484 = arith.addf %add3A_476, %get3A_483 : vector<16xf32>
        %add3A_485 = arith.constant 2 : i32
        %add3A_486 = arith.addi %mul3A_468, %add3A_485 : i32
        %get3A_487 = arith.constant 0 : i32
        %get3A_488 = arith.index_cast %get3A_487 : i32 to index
        %get3A_489 = arith.index_cast %add3A_486 : i32 to index
        %get3A_490 = arith.constant 0 : index
        %get3A_491 = tpu.vector_load %arg8[%get3A_488, %get3A_489, %get3A_490] {strides = array<i32>} : memref<2x200x32xf32, #tpu.memory_space<vmem>>, vector<16xf32>,
        %add3A_492 = arith.addf %add3A_484, %get3A_491 : vector<16xf32>
        %add3A_493 = arith.constant 3 : i32
        %add3A_494 = arith.addi %mul3A_468, %add3A_493 : i32
        %get3A_495 = arith.constant 0 : i32
        %get3A_496 = arith.index_cast %get3A_495 : i32 to index
        %get3A_497 = arith.index_cast %add3A_494 : i32 to index
        %get3A_498 = arith.constant 0 : index
        %get3A_499 = tpu.vector_load %arg8[%get3A_496, %get3A_497, %get3A_498] {strides = array<i32>} : memref<2x200x32xf32, #tpu.memory_space<vmem>>, vector<16xf32>,
        %add3A_500 = arith.addf %add3A_492, %get3A_499 : vector<16xf32>
        %add3A_501 = arith.constant 4 : i32
        %add3A_502 = arith.addi %mul3A_468, %add3A_501 : i32
        %get3A_503 = arith.constant 0 : i32
        %get3A_504 = arith.index_cast %get3A_503 : i32 to index
        %get3A_505 = arith.index_cast %add3A_502 : i32 to index
        %get3A_506 = arith.constant 0 : index
        %get3A_507 = tpu.vector_load %arg8[%get3A_504, %get3A_505, %get3A_506] {strides = array<i32>} : memref<2x200x32xf32, #tpu.memory_space<vmem>>, vector<16xf32>,
        %add3A_508 = arith.addf %add3A_500, %get3A_507 : vector<16xf32>
        %add3A_509 = arith.constant 5 : i32
        %add3A_510 = arith.addi %mul3A_468, %add3A_509 : i32
        %get3A_511 = arith.constant 0 : i32
        %get3A_512 = arith.index_cast %get3A_511 : i32 to index
        %get3A_513 = arith.index_cast %add3A_510 : i32 to index
        %get3A_514 = arith.constant 0 : index
        %get3A_515 = tpu.vector_load %arg8[%get3A_512, %get3A_513, %get3A_514] {strides = array<i32>} : memref<2x200x32xf32, #tpu.memory_space<vmem>>, vector<16xf32>,
        %add3A_516 = arith.addf %add3A_508, %get3A_515 : vector<16xf32>
        %add3A_517 = arith.constant 6 : i32
        %add3A_518 = arith.addi %mul3A_468, %add3A_517 : i32
        %get3A_519 = arith.constant 0 : i32
        %get3A_520 = arith.index_cast %get3A_519 : i32 to index
        %get3A_521 = arith.index_cast %add3A_518 : i32 to index
        %get3A_522 = arith.constant 0 : index
        %get3A_523 = tpu.vector_load %arg8[%get3A_520, %get3A_521, %get3A_522] {strides = array<i32>} : memref<2x200x32xf32, #tpu.memory_space<vmem>>, vector<16xf32>,
        %add3A_524 = arith.addf %add3A_516, %get3A_523 : vector<16xf32>
        %add3A_525 = arith.constant 7 : i32
        %add3A_526 = arith.addi %mul3A_468, %add3A_525 : i32
        %get3A_527 = arith.constant 0 : i32
        %get3A_528 = arith.index_cast %get3A_527 : i32 to index
        %get3A_529 = arith.index_cast %add3A_526 : i32 to index
        %get3A_530 = arith.constant 0 : index
        %get3A_531 = tpu.vector_load %arg8[%get3A_528, %get3A_529, %get3A_530] {strides = array<i32>} : memref<2x200x32xf32, #tpu.memory_space<vmem>>, vector<16xf32>,
        %add3A_532 = arith.addf %add3A_524, %get3A_531 : vector<16xf32>
        %add3A_533 = arith.constant 8 : i32
        %add3A_534 = arith.addi %mul3A_468, %add3A_533 : i32
        %get3A_535 = arith.constant 0 : i32
        %get3A_536 = arith.index_cast %get3A_535 : i32 to index
        %get3A_537 = arith.index_cast %add3A_534 : i32 to index
        %get3A_538 = arith.constant 0 : index
        %get3A_539 = tpu.vector_load %arg8[%get3A_536, %get3A_537, %get3A_538] {strides = array<i32>} : memref<2x200x32xf32, #tpu.memory_space<vmem>>, vector<16xf32>,
        %add3A_540 = arith.addf %add3A_532, %get3A_539 : vector<16xf32>
        %add3A_541 = arith.constant 9 : i32
        %add3A_542 = arith.addi %mul3A_468, %add3A_541 : i32
        %get3A_543 = arith.constant 0 : i32
        %get3A_544 = arith.index_cast %get3A_543 : i32 to index
        %get3A_545 = arith.index_cast %add3A_542 : i32 to index
        %get3A_546 = arith.constant 0 : index
        %get3A_547 = tpu.vector_load %arg8[%get3A_544, %get3A_545, %get3A_546] {strides = array<i32>} : memref<2x200x32xf32, #tpu.memory_space<vmem>>, vector<16xf32>,
        %add3A_548 = arith.addf %add3A_540, %get3A_547 : vector<16xf32>
        %add3A_549 = arith.constant 10 : i32
        %add3A_550 = arith.addi %mul3A_468, %add3A_549 : i32
        %get3A_551 = arith.constant 0 : i32
        %get3A_552 = arith.index_cast %get3A_551 : i32 to index
        %get3A_553 = arith.index_cast %add3A_550 : i32 to index
        %get3A_554 = arith.constant 0 : index
        %get3A_555 = tpu.vector_load %arg8[%get3A_552, %get3A_553, %get3A_554] {strides = array<i32>} : memref<2x200x32xf32, #tpu.memory_space<vmem>>, vector<16xf32>,
        %add3A_556 = arith.addf %add3A_548, %get3A_555 : vector<16xf32>
        %add3A_557 = arith.constant 11 : i32
        %add3A_558 = arith.addi %mul3A_468, %add3A_557 : i32
        %get3A_559 = arith.constant 0 : i32
        %get3A_560 = arith.index_cast %get3A_559 : i32 to index
        %get3A_561 = arith.index_cast %add3A_558 : i32 to index
        %get3A_562 = arith.constant 0 : index
        %get3A_563 = tpu.vector_load %arg8[%get3A_560, %get3A_561, %get3A_562] {strides = array<i32>} : memref<2x200x32xf32, #tpu.memory_space<vmem>>, vector<16xf32>,
        %add3A_564 = arith.addf %add3A_556, %get3A_563 : vector<16xf32>
        %add3A_565 = arith.constant 12 : i32
        %add3A_566 = arith.addi %mul3A_468, %add3A_565 : i32
        %get3A_567 = arith.constant 0 : i32
        %get3A_568 = arith.index_cast %get3A_567 : i32 to index
        %get3A_569 = arith.index_cast %add3A_566 : i32 to index
        %get3A_570 = arith.constant 0 : index
        %get3A_571 = tpu.vector_load %arg8[%get3A_568, %get3A_569, %get3A_570] {strides = array<i32>} : memref<2x200x32xf32, #tpu.memory_space<vmem>>, vector<16xf32>,
        %add3A_572 = arith.addf %add3A_564, %get3A_571 : vector<16xf32>
        %add3A_573 = arith.constant 13 : i32
        %add3A_574 = arith.addi %mul3A_468, %add3A_573 : i32
        %get3A_575 = arith.constant 0 : i32
        %get3A_576 = arith.index_cast %get3A_575 : i32 to index
        %get3A_577 = arith.index_cast %add3A_574 : i32 to index
        %get3A_578 = arith.constant 0 : index
        %get3A_579 = tpu.vector_load %arg8[%get3A_576, %get3A_577, %get3A_578] {strides = array<i32>} : memref<2x200x32xf32, #tpu.memory_space<vmem>>, vector<16xf32>,
        %add3A_580 = arith.addf %add3A_572, %get3A_579 : vector<16xf32>
        %add3A_581 = arith.constant 14 : i32
        %add3A_582 = arith.addi %mul3A_468, %add3A_581 : i32
        %get3A_583 = arith.constant 0 : i32
        %get3A_584 = arith.index_cast %get3A_583 : i32 to index
        %get3A_585 = arith.index_cast %add3A_582 : i32 to index
        %get3A_586 = arith.constant 0 : index
        %get3A_587 = tpu.vector_load %arg8[%get3A_584, %get3A_585, %get3A_586] {strides = array<i32>} : memref<2x200x32xf32, #tpu.memory_space<vmem>>, vector<16xf32>,
        %add3A_588 = arith.addf %add3A_580, %get3A_587 : vector<16xf32>
        %add3A_589 = arith.constant 15 : i32
        %add3A_590 = arith.addi %mul3A_468, %add3A_589 : i32
        %get3A_591 = arith.constant 0 : i32
        %get3A_592 = arith.index_cast %get3A_591 : i32 to index
        %get3A_593 = arith.index_cast %add3A_590 : i32 to index
        %get3A_594 = arith.constant 0 : index
        %get3A_595 = tpu.vector_load %arg8[%get3A_592, %get3A_593, %get3A_594] {strides = array<i32>} : memref<2x200x32xf32, #tpu.memory_space<vmem>>, vector<16xf32>,
        %add3A_596 = arith.addf %add3A_588, %get3A_595 : vector<16xf32>
        %add3A_597 = arith.constant 0 : i32
        %add3A_598 = arith.addi %mul3A_468, %add3A_597 : i32
        %get3A_599 = arith.constant 0 : i32
        %get3A_600 = arith.index_cast %get3A_599 : i32 to index
        %get3A_601 = arith.index_cast %add3A_598 : i32 to index
        %get3A_602 = arith.constant 16 : index
        %get3A_603 = tpu.vector_load %arg8[%get3A_600, %get3A_601, %get3A_602] {strides = array<i32>} : memref<2x200x32xf32, #tpu.memory_space<vmem>>, vector<16xf32>,
        %add3A_604 = arith.addf %while3A_466, %get3A_603 : vector<16xf32>
        %add3A_605 = arith.constant 1 : i32
        %add3A_606 = arith.addi %mul3A_468, %add3A_605 : i32
        %get3A_607 = arith.constant 0 : i32
        %get3A_608 = arith.index_cast %get3A_607 : i32 to index
        %get3A_609 = arith.index_cast %add3A_606 : i32 to index
        %get3A_610 = arith.constant 16 : index
        %get3A_611 = tpu.vector_load %arg8[%get3A_608, %get3A_609, %get3A_610] {strides = array<i32>} : memref<2x200x32xf32, #tpu.memory_space<vmem>>, vector<16xf32>,
        %add3A_612 = arith.addf %add3A_604, %get3A_611 : vector<16xf32>
        %add3A_613 = arith.constant 2 : i32
        %add3A_614 = arith.addi %mul3A_468, %add3A_613 : i32
        %get3A_615 = arith.constant 0 : i32
        %get3A_616 = arith.index_cast %get3A_615 : i32 to index
        %get3A_617 = arith.index_cast %add3A_614 : i32 to index
        %get3A_618 = arith.constant 16 : index
        %get3A_619 = tpu.vector_load %arg8[%get3A_616, %get3A_617, %get3A_618] {strides = array<i32>} : memref<2x200x32xf32, #tpu.memory_space<vmem>>, vector<16xf32>,
        %add3A_620 = arith.addf %add3A_612, %get3A_619 : vector<16xf32>
        %add3A_621 = arith.constant 3 : i32
        %add3A_622 = arith.addi %mul3A_468, %add3A_621 : i32
        %get3A_623 = arith.constant 0 : i32
        %get3A_624 = arith.index_cast %get3A_623 : i32 to index
        %get3A_625 = arith.index_cast %add3A_622 : i32 to index
        %get3A_626 = arith.constant 16 : index
        %get3A_627 = tpu.vector_load %arg8[%get3A_624, %get3A_625, %get3A_626] {strides = array<i32>} : memref<2x200x32xf32, #tpu.memory_space<vmem>>, vector<16xf32>,
        %add3A_628 = arith.addf %add3A_620, %get3A_627 : vector<16xf32>
        %add3A_629 = arith.constant 4 : i32
        %add3A_630 = arith.addi %mul3A_468, %add3A_629 : i32
        %get3A_631 = arith.constant 0 : i32
        %get3A_632 = arith.index_cast %get3A_631 : i32 to index
        %get3A_633 = arith.index_cast %add3A_630 : i32 to index
        %get3A_634 = arith.constant 16 : index
        %get3A_635 = tpu.vector_load %arg8[%get3A_632, %get3A_633, %get3A_634] {strides = array<i32>} : memref<2x200x32xf32, #tpu.memory_space<vmem>>, vector<16xf32>,
        %add3A_636 = arith.addf %add3A_628, %get3A_635 : vector<16xf32>
        %add3A_637 = arith.constant 5 : i32
        %add3A_638 = arith.addi %mul3A_468, %add3A_637 : i32
        %get3A_639 = arith.constant 0 : i32
        %get3A_640 = arith.index_cast %get3A_639 : i32 to index
        %get3A_641 = arith.index_cast %add3A_638 : i32 to index
        %get3A_642 = arith.constant 16 : index
        %get3A_643 = tpu.vector_load %arg8[%get3A_640, %get3A_641, %get3A_642] {strides = array<i32>} : memref<2x200x32xf32, #tpu.memory_space<vmem>>, vector<16xf32>,
        %add3A_644 = arith.addf %add3A_636, %get3A_643 : vector<16xf32>
        %add3A_645 = arith.constant 6 : i32
        %add3A_646 = arith.addi %mul3A_468, %add3A_645 : i32
        %get3A_647 = arith.constant 0 : i32
        %get3A_648 = arith.index_cast %get3A_647 : i32 to index
        %get3A_649 = arith.index_cast %add3A_646 : i32 to index
        %get3A_650 = arith.constant 16 : index
        %get3A_651 = tpu.vector_load %arg8[%get3A_648, %get3A_649, %get3A_650] {strides = array<i32>} : memref<2x200x32xf32, #tpu.memory_space<vmem>>, vector<16xf32>,
        %add3A_652 = arith.addf %add3A_644, %get3A_651 : vector<16xf32>
        %add3A_653 = arith.constant 7 : i32
        %add3A_654 = arith.addi %mul3A_468, %add3A_653 : i32
        %get3A_655 = arith.constant 0 : i32
        %get3A_656 = arith.index_cast %get3A_655 : i32 to index
        %get3A_657 = arith.index_cast %add3A_654 : i32 to index
        %get3A_658 = arith.constant 16 : index
        %get3A_659 = tpu.vector_load %arg8[%get3A_656, %get3A_657, %get3A_658] {strides = array<i32>} : memref<2x200x32xf32, #tpu.memory_space<vmem>>, vector<16xf32>,
        %add3A_660 = arith.addf %add3A_652, %get3A_659 : vector<16xf32>
        %add3A_661 = arith.constant 8 : i32
        %add3A_662 = arith.addi %mul3A_468, %add3A_661 : i32
        %get3A_663 = arith.constant 0 : i32
        %get3A_664 = arith.index_cast %get3A_663 : i32 to index
        %get3A_665 = arith.index_cast %add3A_662 : i32 to index
        %get3A_666 = arith.constant 16 : index
        %get3A_667 = tpu.vector_load %arg8[%get3A_664, %get3A_665, %get3A_666] {strides = array<i32>} : memref<2x200x32xf32, #tpu.memory_space<vmem>>, vector<16xf32>,
        %add3A_668 = arith.addf %add3A_660, %get3A_667 : vector<16xf32>
        %add3A_669 = arith.constant 9 : i32
        %add3A_670 = arith.addi %mul3A_468, %add3A_669 : i32
        %get3A_671 = arith.constant 0 : i32
        %get3A_672 = arith.index_cast %get3A_671 : i32 to index
        %get3A_673 = arith.index_cast %add3A_670 : i32 to index
        %get3A_674 = arith.constant 16 : index
        %get3A_675 = tpu.vector_load %arg8[%get3A_672, %get3A_673, %get3A_674] {strides = array<i32>} : memref<2x200x32xf32, #tpu.memory_space<vmem>>, vector<16xf32>,
        %add3A_676 = arith.addf %add3A_668, %get3A_675 : vector<16xf32>
        %add3A_677 = arith.constant 10 : i32
        %add3A_678 = arith.addi %mul3A_468, %add3A_677 : i32
        %get3A_679 = arith.constant 0 : i32
        %get3A_680 = arith.index_cast %get3A_679 : i32 to index
        %get3A_681 = arith.index_cast %add3A_678 : i32 to index
        %get3A_682 = arith.constant 16 : index
        %get3A_683 = tpu.vector_load %arg8[%get3A_680, %get3A_681, %get3A_682] {strides = array<i32>} : memref<2x200x32xf32, #tpu.memory_space<vmem>>, vector<16xf32>,
        %add3A_684 = arith.addf %add3A_676, %get3A_683 : vector<16xf32>
        %add3A_685 = arith.constant 11 : i32
        %add3A_686 = arith.addi %mul3A_468, %add3A_685 : i32
        %get3A_687 = arith.constant 0 : i32
        %get3A_688 = arith.index_cast %get3A_687 : i32 to index
        %get3A_689 = arith.index_cast %add3A_686 : i32 to index
        %get3A_690 = arith.constant 16 : index
        %get3A_691 = tpu.vector_load %arg8[%get3A_688, %get3A_689, %get3A_690] {strides = array<i32>} : memref<2x200x32xf32, #tpu.memory_space<vmem>>, vector<16xf32>,
        %add3A_692 = arith.addf %add3A_684, %get3A_691 : vector<16xf32>
        %add3A_693 = arith.constant 12 : i32
        %add3A_694 = arith.addi %mul3A_468, %add3A_693 : i32
        %get3A_695 = arith.constant 0 : i32
        %get3A_696 = arith.index_cast %get3A_695 : i32 to index
        %get3A_697 = arith.index_cast %add3A_694 : i32 to index
        %get3A_698 = arith.constant 16 : index
        %get3A_699 = tpu.vector_load %arg8[%get3A_696, %get3A_697, %get3A_698] {strides = array<i32>} : memref<2x200x32xf32, #tpu.memory_space<vmem>>, vector<16xf32>,
        %add3A_700 = arith.addf %add3A_692, %get3A_699 : vector<16xf32>
        %add3A_701 = arith.constant 13 : i32
        %add3A_702 = arith.addi %mul3A_468, %add3A_701 : i32
        %get3A_703 = arith.constant 0 : i32
        %get3A_704 = arith.index_cast %get3A_703 : i32 to index
        %get3A_705 = arith.index_cast %add3A_702 : i32 to index
        %get3A_706 = arith.constant 16 : index
        %get3A_707 = tpu.vector_load %arg8[%get3A_704, %get3A_705, %get3A_706] {strides = array<i32>} : memref<2x200x32xf32, #tpu.memory_space<vmem>>, vector<16xf32>,
        %add3A_708 = arith.addf %add3A_700, %get3A_707 : vector<16xf32>
        %add3A_709 = arith.constant 14 : i32
        %add3A_710 = arith.addi %mul3A_468, %add3A_709 : i32
        %get3A_711 = arith.constant 0 : i32
        %get3A_712 = arith.index_cast %get3A_711 : i32 to index
        %get3A_713 = arith.index_cast %add3A_710 : i32 to index
        %get3A_714 = arith.constant 16 : index
        %get3A_715 = tpu.vector_load %arg8[%get3A_712, %get3A_713, %get3A_714] {strides = array<i32>} : memref<2x200x32xf32, #tpu.memory_space<vmem>>, vector<16xf32>,
        %add3A_716 = arith.addf %add3A_708, %get3A_715 : vector<16xf32>
        %add3A_717 = arith.constant 15 : i32
        %add3A_718 = arith.addi %mul3A_468, %add3A_717 : i32
        %get3A_719 = arith.constant 0 : i32
        %get3A_720 = arith.index_cast %get3A_719 : i32 to index
        %get3A_721 = arith.index_cast %add3A_718 : i32 to index
        %get3A_722 = arith.constant 16 : index
        %get3A_723 = tpu.vector_load %arg8[%get3A_720, %get3A_721, %get3A_722] {strides = array<i32>} : memref<2x200x32xf32, #tpu.memory_space<vmem>>, vector<16xf32>,
        %add3A_724 = arith.addf %add3A_716, %get3A_723 : vector<16xf32>
        scf.yield %add3A_596, %add3A_724 : vector<16xf32>, vector<16xf32>
      }
      %swap3A = arith.index_cast %mul3A_75 : i32 to index
      %swap3A_282 = arith.constant 0 : index
      %swap3A_283 = tpu.vector_load %arg9[%swap3A, %swap3A_282] {strides = array<i32>} : memref<128x32xf32, #tpu.memory_space<vmem>>, vector<16xf32>,
      tpu.vector_store %arg9[%swap3A, %swap3A_282], %while3A_281#0 {strides = array<i32>} : memref<128x32xf32, #tpu.memory_space<vmem>>, vector<16xf32>,
      %swap3A_284 = arith.index_cast %mul3A_75 : i32 to index
      %swap3A_285 = arith.constant 16 : index
      %swap3A_286 = tpu.vector_load %arg9[%swap3A_284, %swap3A_285] {strides = array<i32>} : memref<128x32xf32, #tpu.memory_space<vmem>>, vector<16xf32>,
      tpu.vector_store %arg9[%swap3A_284, %swap3A_285], %while3A_281#1 {strides = array<i32>} : memref<128x32xf32, #tpu.memory_space<vmem>>, vector<16xf32>,
      %add3A_287 = arith.constant 2 : i32
      %add3A_288 = arith.addi %mul3A_75, %add3A_287 : i32
      %jit3A_289 = arith.constant 128 : i32
      %eq3A_290 = arith.constant 0 : i32
      %eq3A_291 = arith.cmpi eq, %jit3A_289, %eq3A_290 : i32
      %jit3A_292 = arith.constant 1 : i32
      %select_n3A_293 = arith.select %eq3A_291, %jit3A_292, %jit3A_289 : i32
      %rem3A_294 = arith.remsi %add3A_288, %select_n3A_293 : i32
      %ne3A_295 = arith.constant 0 : i32
      %ne3A_296 = arith.cmpi ne, %rem3A_294, %ne3A_295 : i32
      %lt3A = arith.constant 0 : i32
      %lt3A_297 = arith.cmpi slt, %rem3A_294, %lt3A : i32
      %lt3A_298 = arith.constant 0 : i32
      %lt3A_299 = arith.cmpi slt, %select_n3A_293, %lt3A_298 : i32
      %ne3A_300 = arith.xori %lt3A_297, %lt3A_299 : i1
      %and3A_301 = arith.andi %ne3A_300, %ne3A_296 : i1
      %add3A_302 = arith.addi %rem3A_294, %select_n3A_293 : i32
      %select_n3A_303 = arith.select %and3A_301, %add3A_302, %rem3A_294 : i32
      %jit3A_304 = arith.constant 16 : i32
      %div3A_305 = arith.divsi %select_n3A_303, %jit3A_304 : i32
      %sign3A_306 = arith.constant 0 : i32
      %sign3A_307 = arith.cmpi sgt, %select_n3A_303, %sign3A_306 : i32
      %sign3A_308 = arith.extui %sign3A_307 : i1 to i32
      %sign3A_309 = arith.constant 0 : i32
      %sign3A_310 = arith.cmpi slt, %select_n3A_303, %sign3A_309 : i32
      %sign3A_311 = arith.extui %sign3A_310 : i1 to i32
      %sign3A_312 = arith.subi %sign3A_308, %sign3A_311 : i32
      %sign3A_313 = arith.constant 0 : i32
      %sign3A_314 = arith.cmpi sgt, %jit3A_304, %sign3A_313 : i32
      %sign3A_315 = arith.extui %sign3A_314 : i1 to i32
      %sign3A_316 = arith.constant 0 : i32
      %sign3A_317 = arith.cmpi slt, %jit3A_304, %sign3A_316 : i32
      %sign3A_318 = arith.extui %sign3A_317 : i1 to i32
      %sign3A_319 = arith.subi %sign3A_315, %sign3A_318 : i32
      %ne3A_320 = arith.cmpi ne, %sign3A_312, %sign3A_319 : i32
      %rem3A_321 = arith.remsi %select_n3A_303, %jit3A_304 : i32
      %ne3A_322 = arith.constant 0 : i32
      %ne3A_323 = arith.cmpi ne, %rem3A_321, %ne3A_322 : i32
      %and3A_324 = arith.andi %ne3A_320, %ne3A_323 : i1
      %sub3A_325 = arith.constant 1 : i32
      %sub3A_326 = arith.subi %div3A_305, %sub3A_325 : i32
      %select_n3A_327 = arith.select %and3A_324, %sub3A_326, %div3A_305 : i32
      %mul3A_328 = arith.constant 16 : i32
      %mul3A_329 = arith.muli %select_n3A_327, %mul3A_328 : i32
      %multiple_of3A_330 = tpu.assume_multiple %mul3A_329, 16 : i32
      %sub3A_331 = arith.subi %select_n3A_303, %multiple_of3A_330 : i32
      %get3A_332 = arith.index_cast %multiple_of3A_330 : i32 to index
      %get3A_333 = tpu.vector_load %arg7[%get3A_332] {strides = array<i32>} : memref<128xi32, #tpu.memory_space<vmem>>, vector<16xi32>,
      %iota3A_334 = tpu.iota {dimensions = array<i32: 0>} : vector<16xi32>
      %eq3A_335 = vector.broadcast %sub3A_331 : i32 to vector<16xi32>
      %eq3A_336 = arith.cmpi eq, %iota3A_334, %eq3A_335 : vector<16xi32>
      %jit3A_337 = arith.constant 0 : i32
      %broadcast_in_dim3A_338 = vector.broadcast %jit3A_337 : i32 to vector<16xi32>
      %select_n3A_339 = arith.select %eq3A_336, %get3A_333, %broadcast_in_dim3A_338 : vector<16xi1>, vector<16xi32>
      %reduce_sum3A_340 = arith.constant true
      %reduce_sum3A_341 = vector.broadcast %reduce_sum3A_340 : i1 to vector<16xi1>
      %reduce_sum3A_342 = tpu.scan <sum>, %select_n3A_339 masked %reduce_sum3A_341 : vector<16xi32>, vector<16xi1> -> vector<16xi32>
      %reduce_sum3A_343 = vector.extract %reduce_sum3A_342[15] : i32 from vector<16xi32>
      %add3A_344 = arith.constant 2 : i32
      %add3A_345 = arith.addi %mul3A_75, %add3A_344 : i32
      %lt3A_346 = arith.constant 128 : i32
      %lt3A_347 = arith.cmpi slt, %add3A_345, %lt3A_346 : i32
      %convert_element_type3A_348 = arith.extui %lt3A_347 : i1 to i32
      %cond3A_349 = arith.constant 0 : i32
      %cond3A_350 = arith.cmpi ne, %convert_element_type3A_348, %cond3A_349 : i32
      scf.if %cond3A_350 {
        %add3A_464 = arith.constant 2 : i32
        %add3A_465 = arith.addi %mul3A_75, %add3A_464 : i32
        %mul3A_466 = arith.constant 200 : i32
        %mul3A_467 = arith.muli %add3A_465, %mul3A_466 : i32
        %multiple_of3A_468 = tpu.assume_multiple %mul3A_467, 8 : i32
        %mul3A_469 = arith.constant 200 : i32
        %mul3A_470 = arith.muli %add3A_465, %mul3A_469 : i32
        %add3A_471 = arith.constant 128 : i32
        %add3A_472 = arith.addi %mul3A_470, %add3A_471 : i32
        %multiple_of3A_473 = tpu.assume_multiple %add3A_472, 8 : i32
        %gt3A_474 = arith.constant 0 : i32
        %gt3A_475 = arith.cmpi sgt, %reduce_sum3A_343, %gt3A_474 : i32
        %le3A_476 = arith.constant 32 : i32
        %le3A_477 = arith.cmpi sle, %reduce_sum3A_343, %le3A_476 : i32
        %and3A_478 = arith.andi %gt3A_475, %le3A_477 : i1
        %convert_element_type3A_479 = arith.extui %and3A_478 : i1 to i32
        %cond3A_480 = arith.constant 0 : i32
        %cond3A_481 = arith.cmpi ne, %convert_element_type3A_479, %cond3A_480 : i32
        scf.if %cond3A_481 {
          %dma_start3A = arith.constant 0 : i32
          %dma_start3A_530 = arith.constant 0 : i32
          %dma_start3A_531 = arith.constant 0 : i32
          %dma_start3A_532 = tpu.memref_slice %arg8[%dma_start3A, %dma_start3A_530, %dma_start3A_531] : memref<2x200x32xf32, #tpu.memory_space<vmem>> -> memref<1x32x32xf32, #tpu.memory_space<vmem>>
          %dma_start3A_533 = tpu.memref_squeeze %dma_start3A_532 : memref<1x32x32xf32, #tpu.memory_space<vmem>> -> memref<32x32xf32, #tpu.memory_space<vmem>>
          %dma_start3A_534 = tpu.memref_slice %arg6[%multiple_of3A_468] : memref<25600xi32, #tpu.memory_space<vmem>> -> memref<32xi32, #tpu.memory_space<vmem>>
          %dma_start3A_535 = arith.constant 0 : i32
          %dma_start3A_536 = arith.constant 0 : i32
          %dma_start3A_537 = tpu.memref_slice %arg4[%dma_start3A_535, %dma_start3A_536] : memref<4000000x32xf32, #tpu.memory_space<hbm>> -> memref<4000000x32xf32, #tpu.memory_space<hbm>>
          tpu.enqueue_indirect_dma source(%dma_start3A_537 : memref<4000000x32xf32, #tpu.memory_space<hbm>>) target(%dma_start3A_533 : memref<32x32xf32, #tpu.memory_space<vmem>>) offsets(%dma_start3A_534 : memref<32xi32, #tpu.memory_space<vmem>>) semaphore(%arg10 : memref<!tpu.dma_semaphore, #tpu.memory_space<semaphore_mem>>)
        } else {
        }
        %gt3A_482 = arith.constant 32 : i32
        %gt3A_483 = arith.cmpi sgt, %reduce_sum3A_343, %gt3A_482 : i32
        %le3A_484 = arith.constant 64 : i32
        %le3A_485 = arith.cmpi sle, %reduce_sum3A_343, %le3A_484 : i32
        %and3A_486 = arith.andi %gt3A_483, %le3A_485 : i1
        %convert_element_type3A_487 = arith.extui %and3A_486 : i1 to i32
        %cond3A_488 = arith.constant 0 : i32
        %cond3A_489 = arith.cmpi ne, %convert_element_type3A_487, %cond3A_488 : i32
        scf.if %cond3A_489 {
          %dma_start3A = arith.constant 0 : i32
          %dma_start3A_530 = arith.constant 0 : i32
          %dma_start3A_531 = arith.constant 0 : i32
          %dma_start3A_532 = tpu.memref_slice %arg8[%dma_start3A, %dma_start3A_530, %dma_start3A_531] : memref<2x200x32xf32, #tpu.memory_space<vmem>> -> memref<1x64x32xf32, #tpu.memory_space<vmem>>
          %dma_start3A_533 = tpu.memref_squeeze %dma_start3A_532 : memref<1x64x32xf32, #tpu.memory_space<vmem>> -> memref<64x32xf32, #tpu.memory_space<vmem>>
          %dma_start3A_534 = tpu.memref_slice %arg6[%multiple_of3A_468] : memref<25600xi32, #tpu.memory_space<vmem>> -> memref<64xi32, #tpu.memory_space<vmem>>
          %dma_start3A_535 = arith.constant 0 : i32
          %dma_start3A_536 = arith.constant 0 : i32
          %dma_start3A_537 = tpu.memref_slice %arg4[%dma_start3A_535, %dma_start3A_536] : memref<4000000x32xf32, #tpu.memory_space<hbm>> -> memref<4000000x32xf32, #tpu.memory_space<hbm>>
          tpu.enqueue_indirect_dma source(%dma_start3A_537 : memref<4000000x32xf32, #tpu.memory_space<hbm>>) target(%dma_start3A_533 : memref<64x32xf32, #tpu.memory_space<vmem>>) offsets(%dma_start3A_534 : memref<64xi32, #tpu.memory_space<vmem>>) semaphore(%arg10 : memref<!tpu.dma_semaphore, #tpu.memory_space<semaphore_mem>>)
        } else {
        }
        %gt3A_490 = arith.constant 64 : i32
        %gt3A_491 = arith.cmpi sgt, %reduce_sum3A_343, %gt3A_490 : i32
        %le3A_492 = arith.constant 96 : i32
        %le3A_493 = arith.cmpi sle, %reduce_sum3A_343, %le3A_492 : i32
        %and3A_494 = arith.andi %gt3A_491, %le3A_493 : i1
        %convert_element_type3A_495 = arith.extui %and3A_494 : i1 to i32
        %cond3A_496 = arith.constant 0 : i32
        %cond3A_497 = arith.cmpi ne, %convert_element_type3A_495, %cond3A_496 : i32
        scf.if %cond3A_497 {
          %dma_start3A = arith.constant 0 : i32
          %dma_start3A_530 = arith.constant 0 : i32
          %dma_start3A_531 = arith.constant 0 : i32
          %dma_start3A_532 = tpu.memref_slice %arg8[%dma_start3A, %dma_start3A_530, %dma_start3A_531] : memref<2x200x32xf32, #tpu.memory_space<vmem>> -> memref<1x96x32xf32, #tpu.memory_space<vmem>>
          %dma_start3A_533 = tpu.memref_squeeze %dma_start3A_532 : memref<1x96x32xf32, #tpu.memory_space<vmem>> -> memref<96x32xf32, #tpu.memory_space<vmem>>
          %dma_start3A_534 = tpu.memref_slice %arg6[%multiple_of3A_468] : memref<25600xi32, #tpu.memory_space<vmem>> -> memref<96xi32, #tpu.memory_space<vmem>>
          %dma_start3A_535 = arith.constant 0 : i32
          %dma_start3A_536 = arith.constant 0 : i32
          %dma_start3A_537 = tpu.memref_slice %arg4[%dma_start3A_535, %dma_start3A_536] : memref<4000000x32xf32, #tpu.memory_space<hbm>> -> memref<4000000x32xf32, #tpu.memory_space<hbm>>
          tpu.enqueue_indirect_dma source(%dma_start3A_537 : memref<4000000x32xf32, #tpu.memory_space<hbm>>) target(%dma_start3A_533 : memref<96x32xf32, #tpu.memory_space<vmem>>) offsets(%dma_start3A_534 : memref<96xi32, #tpu.memory_space<vmem>>) semaphore(%arg10 : memref<!tpu.dma_semaphore, #tpu.memory_space<semaphore_mem>>)
        } else {
        }
        %gt3A_498 = arith.constant 96 : i32
        %gt3A_499 = arith.cmpi sgt, %reduce_sum3A_343, %gt3A_498 : i32
        %le3A_500 = arith.constant 128 : i32
        %le3A_501 = arith.cmpi sle, %reduce_sum3A_343, %le3A_500 : i32
        %and3A_502 = arith.andi %gt3A_499, %le3A_501 : i1
        %convert_element_type3A_503 = arith.extui %and3A_502 : i1 to i32
        %cond3A_504 = arith.constant 0 : i32
        %cond3A_505 = arith.cmpi ne, %convert_element_type3A_503, %cond3A_504 : i32
        scf.if %cond3A_505 {
          %dma_start3A = arith.constant 0 : i32
          %dma_start3A_530 = arith.constant 0 : i32
          %dma_start3A_531 = arith.constant 0 : i32
          %dma_start3A_532 = tpu.memref_slice %arg8[%dma_start3A, %dma_start3A_530, %dma_start3A_531] : memref<2x200x32xf32, #tpu.memory_space<vmem>> -> memref<1x128x32xf32, #tpu.memory_space<vmem>>
          %dma_start3A_533 = tpu.memref_squeeze %dma_start3A_532 : memref<1x128x32xf32, #tpu.memory_space<vmem>> -> memref<128x32xf32, #tpu.memory_space<vmem>>
          %dma_start3A_534 = tpu.memref_slice %arg6[%multiple_of3A_468] : memref<25600xi32, #tpu.memory_space<vmem>> -> memref<128xi32, #tpu.memory_space<vmem>>
          %dma_start3A_535 = arith.constant 0 : i32
          %dma_start3A_536 = arith.constant 0 : i32
          %dma_start3A_537 = tpu.memref_slice %arg4[%dma_start3A_535, %dma_start3A_536] : memref<4000000x32xf32, #tpu.memory_space<hbm>> -> memref<4000000x32xf32, #tpu.memory_space<hbm>>
          tpu.enqueue_indirect_dma source(%dma_start3A_537 : memref<4000000x32xf32, #tpu.memory_space<hbm>>) target(%dma_start3A_533 : memref<128x32xf32, #tpu.memory_space<vmem>>) offsets(%dma_start3A_534 : memref<128xi32, #tpu.memory_space<vmem>>) semaphore(%arg10 : memref<!tpu.dma_semaphore, #tpu.memory_space<semaphore_mem>>)
        } else {
        }
        %gt3A_506 = arith.constant 128 : i32
        %gt3A_507 = arith.cmpi sgt, %reduce_sum3A_343, %gt3A_506 : i32
        %le3A_508 = arith.constant 160 : i32
        %le3A_509 = arith.cmpi sle, %reduce_sum3A_343, %le3A_508 : i32
        %and3A_510 = arith.andi %gt3A_507, %le3A_509 : i1
        %convert_element_type3A_511 = arith.extui %and3A_510 : i1 to i32
        %cond3A_512 = arith.constant 0 : i32
        %cond3A_513 = arith.cmpi ne, %convert_element_type3A_511, %cond3A_512 : i32
        scf.if %cond3A_513 {
          %dma_start3A = arith.constant 0 : i32
          %dma_start3A_530 = arith.constant 0 : i32
          %dma_start3A_531 = arith.constant 0 : i32
          %dma_start3A_532 = tpu.memref_slice %arg8[%dma_start3A, %dma_start3A_530, %dma_start3A_531] : memref<2x200x32xf32, #tpu.memory_space<vmem>> -> memref<1x128x32xf32, #tpu.memory_space<vmem>>
          %dma_start3A_533 = tpu.memref_squeeze %dma_start3A_532 : memref<1x128x32xf32, #tpu.memory_space<vmem>> -> memref<128x32xf32, #tpu.memory_space<vmem>>
          %dma_start3A_534 = tpu.memref_slice %arg6[%multiple_of3A_468] : memref<25600xi32, #tpu.memory_space<vmem>> -> memref<128xi32, #tpu.memory_space<vmem>>
          %dma_start3A_535 = arith.constant 0 : i32
          %dma_start3A_536 = arith.constant 0 : i32
          %dma_start3A_537 = tpu.memref_slice %arg4[%dma_start3A_535, %dma_start3A_536] : memref<4000000x32xf32, #tpu.memory_space<hbm>> -> memref<4000000x32xf32, #tpu.memory_space<hbm>>
          tpu.enqueue_indirect_dma source(%dma_start3A_537 : memref<4000000x32xf32, #tpu.memory_space<hbm>>) target(%dma_start3A_533 : memref<128x32xf32, #tpu.memory_space<vmem>>) offsets(%dma_start3A_534 : memref<128xi32, #tpu.memory_space<vmem>>) semaphore(%arg10 : memref<!tpu.dma_semaphore, #tpu.memory_space<semaphore_mem>>)
          %dma_start3A_538 = arith.constant 0 : i32
          %dma_start3A_539 = arith.constant 128 : i32
          %dma_start3A_540 = arith.constant 0 : i32
          %dma_start3A_541 = tpu.memref_slice %arg8[%dma_start3A_538, %dma_start3A_539, %dma_start3A_540] : memref<2x200x32xf32, #tpu.memory_space<vmem>> -> memref<1x32x32xf32, #tpu.memory_space<vmem>>
          %dma_start3A_542 = tpu.memref_squeeze %dma_start3A_541 : memref<1x32x32xf32, #tpu.memory_space<vmem>> -> memref<32x32xf32, #tpu.memory_space<vmem>>
          %dma_start3A_543 = tpu.memref_slice %arg6[%multiple_of3A_473] : memref<25600xi32, #tpu.memory_space<vmem>> -> memref<32xi32, #tpu.memory_space<vmem>>
          %dma_start3A_544 = arith.constant 0 : i32
          %dma_start3A_545 = arith.constant 0 : i32
          %dma_start3A_546 = tpu.memref_slice %arg4[%dma_start3A_544, %dma_start3A_545] : memref<4000000x32xf32, #tpu.memory_space<hbm>> -> memref<4000000x32xf32, #tpu.memory_space<hbm>>
          tpu.enqueue_indirect_dma source(%dma_start3A_546 : memref<4000000x32xf32, #tpu.memory_space<hbm>>) target(%dma_start3A_542 : memref<32x32xf32, #tpu.memory_space<vmem>>) offsets(%dma_start3A_543 : memref<32xi32, #tpu.memory_space<vmem>>) semaphore(%arg10 : memref<!tpu.dma_semaphore, #tpu.memory_space<semaphore_mem>>)
        } else {
        }
        %gt3A_514 = arith.constant 160 : i32
        %gt3A_515 = arith.cmpi sgt, %reduce_sum3A_343, %gt3A_514 : i32
        %le3A_516 = arith.constant 192 : i32
        %le3A_517 = arith.cmpi sle, %reduce_sum3A_343, %le3A_516 : i32
        %and3A_518 = arith.andi %gt3A_515, %le3A_517 : i1
        %convert_element_type3A_519 = arith.extui %and3A_518 : i1 to i32
        %cond3A_520 = arith.constant 0 : i32
        %cond3A_521 = arith.cmpi ne, %convert_element_type3A_519, %cond3A_520 : i32
        scf.if %cond3A_521 {
          %dma_start3A = arith.constant 0 : i32
          %dma_start3A_530 = arith.constant 0 : i32
          %dma_start3A_531 = arith.constant 0 : i32
          %dma_start3A_532 = tpu.memref_slice %arg8[%dma_start3A, %dma_start3A_530, %dma_start3A_531] : memref<2x200x32xf32, #tpu.memory_space<vmem>> -> memref<1x128x32xf32, #tpu.memory_space<vmem>>
          %dma_start3A_533 = tpu.memref_squeeze %dma_start3A_532 : memref<1x128x32xf32, #tpu.memory_space<vmem>> -> memref<128x32xf32, #tpu.memory_space<vmem>>
          %dma_start3A_534 = tpu.memref_slice %arg6[%multiple_of3A_468] : memref<25600xi32, #tpu.memory_space<vmem>> -> memref<128xi32, #tpu.memory_space<vmem>>
          %dma_start3A_535 = arith.constant 0 : i32
          %dma_start3A_536 = arith.constant 0 : i32
          %dma_start3A_537 = tpu.memref_slice %arg4[%dma_start3A_535, %dma_start3A_536] : memref<4000000x32xf32, #tpu.memory_space<hbm>> -> memref<4000000x32xf32, #tpu.memory_space<hbm>>
          tpu.enqueue_indirect_dma source(%dma_start3A_537 : memref<4000000x32xf32, #tpu.memory_space<hbm>>) target(%dma_start3A_533 : memref<128x32xf32, #tpu.memory_space<vmem>>) offsets(%dma_start3A_534 : memref<128xi32, #tpu.memory_space<vmem>>) semaphore(%arg10 : memref<!tpu.dma_semaphore, #tpu.memory_space<semaphore_mem>>)
          %dma_start3A_538 = arith.constant 0 : i32
          %dma_start3A_539 = arith.constant 128 : i32
          %dma_start3A_540 = arith.constant 0 : i32
          %dma_start3A_541 = tpu.memref_slice %arg8[%dma_start3A_538, %dma_start3A_539, %dma_start3A_540] : memref<2x200x32xf32, #tpu.memory_space<vmem>> -> memref<1x64x32xf32, #tpu.memory_space<vmem>>
          %dma_start3A_542 = tpu.memref_squeeze %dma_start3A_541 : memref<1x64x32xf32, #tpu.memory_space<vmem>> -> memref<64x32xf32, #tpu.memory_space<vmem>>
          %dma_start3A_543 = tpu.memref_slice %arg6[%multiple_of3A_473] : memref<25600xi32, #tpu.memory_space<vmem>> -> memref<64xi32, #tpu.memory_space<vmem>>
          %dma_start3A_544 = arith.constant 0 : i32
          %dma_start3A_545 = arith.constant 0 : i32
          %dma_start3A_546 = tpu.memref_slice %arg4[%dma_start3A_544, %dma_start3A_545] : memref<4000000x32xf32, #tpu.memory_space<hbm>> -> memref<4000000x32xf32, #tpu.memory_space<hbm>>
          tpu.enqueue_indirect_dma source(%dma_start3A_546 : memref<4000000x32xf32, #tpu.memory_space<hbm>>) target(%dma_start3A_542 : memref<64x32xf32, #tpu.memory_space<vmem>>) offsets(%dma_start3A_543 : memref<64xi32, #tpu.memory_space<vmem>>) semaphore(%arg10 : memref<!tpu.dma_semaphore, #tpu.memory_space<semaphore_mem>>)
        } else {
        }
        %gt3A_522 = arith.constant 192 : i32
        %gt3A_523 = arith.cmpi sgt, %reduce_sum3A_343, %gt3A_522 : i32
        %le3A_524 = arith.constant 200 : i32
        %le3A_525 = arith.cmpi sle, %reduce_sum3A_343, %le3A_524 : i32
        %and3A_526 = arith.andi %gt3A_523, %le3A_525 : i1
        %convert_element_type3A_527 = arith.extui %and3A_526 : i1 to i32
        %cond3A_528 = arith.constant 0 : i32
        %cond3A_529 = arith.cmpi ne, %convert_element_type3A_527, %cond3A_528 : i32
        scf.if %cond3A_529 {
          %dma_start3A = arith.constant 0 : i32
          %dma_start3A_530 = arith.constant 0 : i32
          %dma_start3A_531 = arith.constant 0 : i32
          %dma_start3A_532 = tpu.memref_slice %arg8[%dma_start3A, %dma_start3A_530, %dma_start3A_531] : memref<2x200x32xf32, #tpu.memory_space<vmem>> -> memref<1x128x32xf32, #tpu.memory_space<vmem>>
          %dma_start3A_533 = tpu.memref_squeeze %dma_start3A_532 : memref<1x128x32xf32, #tpu.memory_space<vmem>> -> memref<128x32xf32, #tpu.memory_space<vmem>>
          %dma_start3A_534 = tpu.memref_slice %arg6[%multiple_of3A_468] : memref<25600xi32, #tpu.memory_space<vmem>> -> memref<128xi32, #tpu.memory_space<vmem>>
          %dma_start3A_535 = arith.constant 0 : i32
          %dma_start3A_536 = arith.constant 0 : i32
          %dma_start3A_537 = tpu.memref_slice %arg4[%dma_start3A_535, %dma_start3A_536] : memref<4000000x32xf32, #tpu.memory_space<hbm>> -> memref<4000000x32xf32, #tpu.memory_space<hbm>>
          tpu.enqueue_indirect_dma source(%dma_start3A_537 : memref<4000000x32xf32, #tpu.memory_space<hbm>>) target(%dma_start3A_533 : memref<128x32xf32, #tpu.memory_space<vmem>>) offsets(%dma_start3A_534 : memref<128xi32, #tpu.memory_space<vmem>>) semaphore(%arg10 : memref<!tpu.dma_semaphore, #tpu.memory_space<semaphore_mem>>)
          %dma_start3A_538 = arith.constant 0 : i32
          %dma_start3A_539 = arith.constant 128 : i32
          %dma_start3A_540 = arith.constant 0 : i32
          %dma_start3A_541 = tpu.memref_slice %arg8[%dma_start3A_538, %dma_start3A_539, %dma_start3A_540] : memref<2x200x32xf32, #tpu.memory_space<vmem>> -> memref<1x72x32xf32, #tpu.memory_space<vmem>>
          %dma_start3A_542 = tpu.memref_squeeze %dma_start3A_541 : memref<1x72x32xf32, #tpu.memory_space<vmem>> -> memref<72x32xf32, #tpu.memory_space<vmem>>
          %dma_start3A_543 = tpu.memref_slice %arg6[%multiple_of3A_473] : memref<25600xi32, #tpu.memory_space<vmem>> -> memref<72xi32, #tpu.memory_space<vmem>>
          %dma_start3A_544 = arith.constant 0 : i32
          %dma_start3A_545 = arith.constant 0 : i32
          %dma_start3A_546 = tpu.memref_slice %arg4[%dma_start3A_544, %dma_start3A_545] : memref<4000000x32xf32, #tpu.memory_space<hbm>> -> memref<4000000x32xf32, #tpu.memory_space<hbm>>
          tpu.enqueue_indirect_dma source(%dma_start3A_546 : memref<4000000x32xf32, #tpu.memory_space<hbm>>) target(%dma_start3A_542 : memref<72x32xf32, #tpu.memory_space<vmem>>) offsets(%dma_start3A_543 : memref<72xi32, #tpu.memory_space<vmem>>) semaphore(%arg10 : memref<!tpu.dma_semaphore, #tpu.memory_space<semaphore_mem>>)
        } else {
        }
      } else {
      }
      %add3A_351 = arith.constant 1 : i32
      %add3A_352 = arith.addi %mul3A_75, %add3A_351 : i32
      %mul3A_353 = arith.constant 200 : i32
      %mul3A_354 = arith.muli %add3A_352, %mul3A_353 : i32
      %multiple_of3A_355 = tpu.assume_multiple %mul3A_354, 8 : i32
      %mul3A_356 = arith.constant 200 : i32
      %mul3A_357 = arith.muli %add3A_352, %mul3A_356 : i32
      %add3A_358 = arith.constant 128 : i32
      %add3A_359 = arith.addi %mul3A_357, %add3A_358 : i32
      %multiple_of3A_360 = tpu.assume_multiple %add3A_359, 8 : i32
      %gt3A_361 = arith.constant 0 : i32
      %gt3A_362 = arith.cmpi sgt, %reduce_sum3A_113, %gt3A_361 : i32
      %le3A_363 = arith.constant 32 : i32
      %le3A_364 = arith.cmpi sle, %reduce_sum3A_113, %le3A_363 : i32
      %and3A_365 = arith.andi %gt3A_362, %le3A_364 : i1
      %convert_element_type3A_366 = arith.extui %and3A_365 : i1 to i32
      %cond3A_367 = arith.constant 0 : i32
      %cond3A_368 = arith.cmpi ne, %convert_element_type3A_366, %cond3A_367 : i32
      scf.if %cond3A_368 {
        %dma_wait3A = arith.constant 1 : i32
        %dma_wait3A_464 = arith.constant 0 : i32
        %dma_wait3A_465 = arith.constant 0 : i32
        %dma_wait3A_466 = tpu.memref_slice %arg8[%dma_wait3A, %dma_wait3A_464, %dma_wait3A_465] : memref<2x200x32xf32, #tpu.memory_space<vmem>> -> memref<1x32x32xf32, #tpu.memory_space<vmem>>
        %dma_wait3A_467 = tpu.memref_squeeze %dma_wait3A_466 : memref<1x32x32xf32, #tpu.memory_space<vmem>> -> memref<32x32xf32, #tpu.memory_space<vmem>>
        %dma_wait3A_468 = tpu.memref_slice %arg6[%multiple_of3A_355] : memref<25600xi32, #tpu.memory_space<vmem>> -> memref<32xi32, #tpu.memory_space<vmem>>
        %dma_wait3A_469 = arith.constant 0 : i32
        %dma_wait3A_470 = arith.constant 0 : i32
        %dma_wait3A_471 = tpu.memref_slice %arg4[%dma_wait3A_469, %dma_wait3A_470] : memref<4000000x32xf32, #tpu.memory_space<hbm>> -> memref<4000000x32xf32, #tpu.memory_space<hbm>>
        tpu.wait_indirect_dma semaphore(%arg11 : memref<!tpu.dma_semaphore, #tpu.memory_space<semaphore_mem>>) src(%dma_wait3A_471 : memref<4000000x32xf32, #tpu.memory_space<hbm>>) dst(%dma_wait3A_467 : memref<32x32xf32, #tpu.memory_space<vmem>>)
      } else {
      }
      %gt3A_369 = arith.constant 32 : i32
      %gt3A_370 = arith.cmpi sgt, %reduce_sum3A_113, %gt3A_369 : i32
      %le3A_371 = arith.constant 64 : i32
      %le3A_372 = arith.cmpi sle, %reduce_sum3A_113, %le3A_371 : i32
      %and3A_373 = arith.andi %gt3A_370, %le3A_372 : i1
      %convert_element_type3A_374 = arith.extui %and3A_373 : i1 to i32
      %cond3A_375 = arith.constant 0 : i32
      %cond3A_376 = arith.cmpi ne, %convert_element_type3A_374, %cond3A_375 : i32
      scf.if %cond3A_376 {
        %dma_wait3A = arith.constant 1 : i32
        %dma_wait3A_464 = arith.constant 0 : i32
        %dma_wait3A_465 = arith.constant 0 : i32
        %dma_wait3A_466 = tpu.memref_slice %arg8[%dma_wait3A, %dma_wait3A_464, %dma_wait3A_465] : memref<2x200x32xf32, #tpu.memory_space<vmem>> -> memref<1x64x32xf32, #tpu.memory_space<vmem>>
        %dma_wait3A_467 = tpu.memref_squeeze %dma_wait3A_466 : memref<1x64x32xf32, #tpu.memory_space<vmem>> -> memref<64x32xf32, #tpu.memory_space<vmem>>
        %dma_wait3A_468 = tpu.memref_slice %arg6[%multiple_of3A_355] : memref<25600xi32, #tpu.memory_space<vmem>> -> memref<64xi32, #tpu.memory_space<vmem>>
        %dma_wait3A_469 = arith.constant 0 : i32
        %dma_wait3A_470 = arith.constant 0 : i32
        %dma_wait3A_471 = tpu.memref_slice %arg4[%dma_wait3A_469, %dma_wait3A_470] : memref<4000000x32xf32, #tpu.memory_space<hbm>> -> memref<4000000x32xf32, #tpu.memory_space<hbm>>
        tpu.wait_indirect_dma semaphore(%arg11 : memref<!tpu.dma_semaphore, #tpu.memory_space<semaphore_mem>>) src(%dma_wait3A_471 : memref<4000000x32xf32, #tpu.memory_space<hbm>>) dst(%dma_wait3A_467 : memref<64x32xf32, #tpu.memory_space<vmem>>)
      } else {
      }
      %gt3A_377 = arith.constant 64 : i32
      %gt3A_378 = arith.cmpi sgt, %reduce_sum3A_113, %gt3A_377 : i32
      %le3A_379 = arith.constant 96 : i32
      %le3A_380 = arith.cmpi sle, %reduce_sum3A_113, %le3A_379 : i32
      %and3A_381 = arith.andi %gt3A_378, %le3A_380 : i1
      %convert_element_type3A_382 = arith.extui %and3A_381 : i1 to i32
      %cond3A_383 = arith.constant 0 : i32
      %cond3A_384 = arith.cmpi ne, %convert_element_type3A_382, %cond3A_383 : i32
      scf.if %cond3A_384 {
        %dma_wait3A = arith.constant 1 : i32
        %dma_wait3A_464 = arith.constant 0 : i32
        %dma_wait3A_465 = arith.constant 0 : i32
        %dma_wait3A_466 = tpu.memref_slice %arg8[%dma_wait3A, %dma_wait3A_464, %dma_wait3A_465] : memref<2x200x32xf32, #tpu.memory_space<vmem>> -> memref<1x96x32xf32, #tpu.memory_space<vmem>>
        %dma_wait3A_467 = tpu.memref_squeeze %dma_wait3A_466 : memref<1x96x32xf32, #tpu.memory_space<vmem>> -> memref<96x32xf32, #tpu.memory_space<vmem>>
        %dma_wait3A_468 = tpu.memref_slice %arg6[%multiple_of3A_355] : memref<25600xi32, #tpu.memory_space<vmem>> -> memref<96xi32, #tpu.memory_space<vmem>>
        %dma_wait3A_469 = arith.constant 0 : i32
        %dma_wait3A_470 = arith.constant 0 : i32
        %dma_wait3A_471 = tpu.memref_slice %arg4[%dma_wait3A_469, %dma_wait3A_470] : memref<4000000x32xf32, #tpu.memory_space<hbm>> -> memref<4000000x32xf32, #tpu.memory_space<hbm>>
        tpu.wait_indirect_dma semaphore(%arg11 : memref<!tpu.dma_semaphore, #tpu.memory_space<semaphore_mem>>) src(%dma_wait3A_471 : memref<4000000x32xf32, #tpu.memory_space<hbm>>) dst(%dma_wait3A_467 : memref<96x32xf32, #tpu.memory_space<vmem>>)
      } else {
      }
      %gt3A_385 = arith.constant 96 : i32
      %gt3A_386 = arith.cmpi sgt, %reduce_sum3A_113, %gt3A_385 : i32
      %le3A_387 = arith.constant 128 : i32
      %le3A_388 = arith.cmpi sle, %reduce_sum3A_113, %le3A_387 : i32
      %and3A_389 = arith.andi %gt3A_386, %le3A_388 : i1
      %convert_element_type3A_390 = arith.extui %and3A_389 : i1 to i32
      %cond3A_391 = arith.constant 0 : i32
      %cond3A_392 = arith.cmpi ne, %convert_element_type3A_390, %cond3A_391 : i32
      scf.if %cond3A_392 {
        %dma_wait3A = arith.constant 1 : i32
        %dma_wait3A_464 = arith.constant 0 : i32
        %dma_wait3A_465 = arith.constant 0 : i32
        %dma_wait3A_466 = tpu.memref_slice %arg8[%dma_wait3A, %dma_wait3A_464, %dma_wait3A_465] : memref<2x200x32xf32, #tpu.memory_space<vmem>> -> memref<1x128x32xf32, #tpu.memory_space<vmem>>
        %dma_wait3A_467 = tpu.memref_squeeze %dma_wait3A_466 : memref<1x128x32xf32, #tpu.memory_space<vmem>> -> memref<128x32xf32, #tpu.memory_space<vmem>>
        %dma_wait3A_468 = tpu.memref_slice %arg6[%multiple_of3A_355] : memref<25600xi32, #tpu.memory_space<vmem>> -> memref<128xi32, #tpu.memory_space<vmem>>
        %dma_wait3A_469 = arith.constant 0 : i32
        %dma_wait3A_470 = arith.constant 0 : i32
        %dma_wait3A_471 = tpu.memref_slice %arg4[%dma_wait3A_469, %dma_wait3A_470] : memref<4000000x32xf32, #tpu.memory_space<hbm>> -> memref<4000000x32xf32, #tpu.memory_space<hbm>>
        tpu.wait_indirect_dma semaphore(%arg11 : memref<!tpu.dma_semaphore, #tpu.memory_space<semaphore_mem>>) src(%dma_wait3A_471 : memref<4000000x32xf32, #tpu.memory_space<hbm>>) dst(%dma_wait3A_467 : memref<128x32xf32, #tpu.memory_space<vmem>>)
      } else {
      }
      %gt3A_393 = arith.constant 128 : i32
      %gt3A_394 = arith.cmpi sgt, %reduce_sum3A_113, %gt3A_393 : i32
      %le3A_395 = arith.constant 160 : i32
      %le3A_396 = arith.cmpi sle, %reduce_sum3A_113, %le3A_395 : i32
      %and3A_397 = arith.andi %gt3A_394, %le3A_396 : i1
      %convert_element_type3A_398 = arith.extui %and3A_397 : i1 to i32
      %cond3A_399 = arith.constant 0 : i32
      %cond3A_400 = arith.cmpi ne, %convert_element_type3A_398, %cond3A_399 : i32
      scf.if %cond3A_400 {
        %dma_wait3A = arith.constant 1 : i32
        %dma_wait3A_464 = arith.constant 0 : i32
        %dma_wait3A_465 = arith.constant 0 : i32
        %dma_wait3A_466 = tpu.memref_slice %arg8[%dma_wait3A, %dma_wait3A_464, %dma_wait3A_465] : memref<2x200x32xf32, #tpu.memory_space<vmem>> -> memref<1x128x32xf32, #tpu.memory_space<vmem>>
        %dma_wait3A_467 = tpu.memref_squeeze %dma_wait3A_466 : memref<1x128x32xf32, #tpu.memory_space<vmem>> -> memref<128x32xf32, #tpu.memory_space<vmem>>
        %dma_wait3A_468 = tpu.memref_slice %arg6[%multiple_of3A_355] : memref<25600xi32, #tpu.memory_space<vmem>> -> memref<128xi32, #tpu.memory_space<vmem>>
        %dma_wait3A_469 = arith.constant 0 : i32
        %dma_wait3A_470 = arith.constant 0 : i32
        %dma_wait3A_471 = tpu.memref_slice %arg4[%dma_wait3A_469, %dma_wait3A_470] : memref<4000000x32xf32, #tpu.memory_space<hbm>> -> memref<4000000x32xf32, #tpu.memory_space<hbm>>
        tpu.wait_indirect_dma semaphore(%arg11 : memref<!tpu.dma_semaphore, #tpu.memory_space<semaphore_mem>>) src(%dma_wait3A_471 : memref<4000000x32xf32, #tpu.memory_space<hbm>>) dst(%dma_wait3A_467 : memref<128x32xf32, #tpu.memory_space<vmem>>)
        %dma_wait3A_472 = arith.constant 1 : i32
        %dma_wait3A_473 = arith.constant 128 : i32
        %dma_wait3A_474 = arith.constant 0 : i32
        %dma_wait3A_475 = tpu.memref_slice %arg8[%dma_wait3A_472, %dma_wait3A_473, %dma_wait3A_474] : memref<2x200x32xf32, #tpu.memory_space<vmem>> -> memref<1x32x32xf32, #tpu.memory_space<vmem>>
        %dma_wait3A_476 = tpu.memref_squeeze %dma_wait3A_475 : memref<1x32x32xf32, #tpu.memory_space<vmem>> -> memref<32x32xf32, #tpu.memory_space<vmem>>
        %dma_wait3A_477 = tpu.memref_slice %arg6[%multiple_of3A_360] : memref<25600xi32, #tpu.memory_space<vmem>> -> memref<32xi32, #tpu.memory_space<vmem>>
        %dma_wait3A_478 = arith.constant 0 : i32
        %dma_wait3A_479 = arith.constant 0 : i32
        %dma_wait3A_480 = tpu.memref_slice %arg4[%dma_wait3A_478, %dma_wait3A_479] : memref<4000000x32xf32, #tpu.memory_space<hbm>> -> memref<4000000x32xf32, #tpu.memory_space<hbm>>
        tpu.wait_indirect_dma semaphore(%arg11 : memref<!tpu.dma_semaphore, #tpu.memory_space<semaphore_mem>>) src(%dma_wait3A_480 : memref<4000000x32xf32, #tpu.memory_space<hbm>>) dst(%dma_wait3A_476 : memref<32x32xf32, #tpu.memory_space<vmem>>)
      } else {
      }
      %gt3A_401 = arith.constant 160 : i32
      %gt3A_402 = arith.cmpi sgt, %reduce_sum3A_113, %gt3A_401 : i32
      %le3A_403 = arith.constant 192 : i32
      %le3A_404 = arith.cmpi sle, %reduce_sum3A_113, %le3A_403 : i32
      %and3A_405 = arith.andi %gt3A_402, %le3A_404 : i1
      %convert_element_type3A_406 = arith.extui %and3A_405 : i1 to i32
      %cond3A_407 = arith.constant 0 : i32
      %cond3A_408 = arith.cmpi ne, %convert_element_type3A_406, %cond3A_407 : i32
      scf.if %cond3A_408 {
        %dma_wait3A = arith.constant 1 : i32
        %dma_wait3A_464 = arith.constant 0 : i32
        %dma_wait3A_465 = arith.constant 0 : i32
        %dma_wait3A_466 = tpu.memref_slice %arg8[%dma_wait3A, %dma_wait3A_464, %dma_wait3A_465] : memref<2x200x32xf32, #tpu.memory_space<vmem>> -> memref<1x128x32xf32, #tpu.memory_space<vmem>>
        %dma_wait3A_467 = tpu.memref_squeeze %dma_wait3A_466 : memref<1x128x32xf32, #tpu.memory_space<vmem>> -> memref<128x32xf32, #tpu.memory_space<vmem>>
        %dma_wait3A_468 = tpu.memref_slice %arg6[%multiple_of3A_355] : memref<25600xi32, #tpu.memory_space<vmem>> -> memref<128xi32, #tpu.memory_space<vmem>>
        %dma_wait3A_469 = arith.constant 0 : i32
        %dma_wait3A_470 = arith.constant 0 : i32
        %dma_wait3A_471 = tpu.memref_slice %arg4[%dma_wait3A_469, %dma_wait3A_470] : memref<4000000x32xf32, #tpu.memory_space<hbm>> -> memref<4000000x32xf32, #tpu.memory_space<hbm>>
        tpu.wait_indirect_dma semaphore(%arg11 : memref<!tpu.dma_semaphore, #tpu.memory_space<semaphore_mem>>) src(%dma_wait3A_471 : memref<4000000x32xf32, #tpu.memory_space<hbm>>) dst(%dma_wait3A_467 : memref<128x32xf32, #tpu.memory_space<vmem>>)
        %dma_wait3A_472 = arith.constant 1 : i32
        %dma_wait3A_473 = arith.constant 128 : i32
        %dma_wait3A_474 = arith.constant 0 : i32
        %dma_wait3A_475 = tpu.memref_slice %arg8[%dma_wait3A_472, %dma_wait3A_473, %dma_wait3A_474] : memref<2x200x32xf32, #tpu.memory_space<vmem>> -> memref<1x64x32xf32, #tpu.memory_space<vmem>>
        %dma_wait3A_476 = tpu.memref_squeeze %dma_wait3A_475 : memref<1x64x32xf32, #tpu.memory_space<vmem>> -> memref<64x32xf32, #tpu.memory_space<vmem>>
        %dma_wait3A_477 = tpu.memref_slice %arg6[%multiple_of3A_360] : memref<25600xi32, #tpu.memory_space<vmem>> -> memref<64xi32, #tpu.memory_space<vmem>>
        %dma_wait3A_478 = arith.constant 0 : i32
        %dma_wait3A_479 = arith.constant 0 : i32
        %dma_wait3A_480 = tpu.memref_slice %arg4[%dma_wait3A_478, %dma_wait3A_479] : memref<4000000x32xf32, #tpu.memory_space<hbm>> -> memref<4000000x32xf32, #tpu.memory_space<hbm>>
        tpu.wait_indirect_dma semaphore(%arg11 : memref<!tpu.dma_semaphore, #tpu.memory_space<semaphore_mem>>) src(%dma_wait3A_480 : memref<4000000x32xf32, #tpu.memory_space<hbm>>) dst(%dma_wait3A_476 : memref<64x32xf32, #tpu.memory_space<vmem>>)
      } else {
      }
      %gt3A_409 = arith.constant 192 : i32
      %gt3A_410 = arith.cmpi sgt, %reduce_sum3A_113, %gt3A_409 : i32
      %le3A_411 = arith.constant 200 : i32
      %le3A_412 = arith.cmpi sle, %reduce_sum3A_113, %le3A_411 : i32
      %and3A_413 = arith.andi %gt3A_410, %le3A_412 : i1
      %convert_element_type3A_414 = arith.extui %and3A_413 : i1 to i32
      %cond3A_415 = arith.constant 0 : i32
      %cond3A_416 = arith.cmpi ne, %convert_element_type3A_414, %cond3A_415 : i32
      scf.if %cond3A_416 {
        %dma_wait3A = arith.constant 1 : i32
        %dma_wait3A_464 = arith.constant 0 : i32
        %dma_wait3A_465 = arith.constant 0 : i32
        %dma_wait3A_466 = tpu.memref_slice %arg8[%dma_wait3A, %dma_wait3A_464, %dma_wait3A_465] : memref<2x200x32xf32, #tpu.memory_space<vmem>> -> memref<1x128x32xf32, #tpu.memory_space<vmem>>
        %dma_wait3A_467 = tpu.memref_squeeze %dma_wait3A_466 : memref<1x128x32xf32, #tpu.memory_space<vmem>> -> memref<128x32xf32, #tpu.memory_space<vmem>>
        %dma_wait3A_468 = tpu.memref_slice %arg6[%multiple_of3A_355] : memref<25600xi32, #tpu.memory_space<vmem>> -> memref<128xi32, #tpu.memory_space<vmem>>
        %dma_wait3A_469 = arith.constant 0 : i32
        %dma_wait3A_470 = arith.constant 0 : i32
        %dma_wait3A_471 = tpu.memref_slice %arg4[%dma_wait3A_469, %dma_wait3A_470] : memref<4000000x32xf32, #tpu.memory_space<hbm>> -> memref<4000000x32xf32, #tpu.memory_space<hbm>>
        tpu.wait_indirect_dma semaphore(%arg11 : memref<!tpu.dma_semaphore, #tpu.memory_space<semaphore_mem>>) src(%dma_wait3A_471 : memref<4000000x32xf32, #tpu.memory_space<hbm>>) dst(%dma_wait3A_467 : memref<128x32xf32, #tpu.memory_space<vmem>>)
        %dma_wait3A_472 = arith.constant 1 : i32
        %dma_wait3A_473 = arith.constant 128 : i32
        %dma_wait3A_474 = arith.constant 0 : i32
        %dma_wait3A_475 = tpu.memref_slice %arg8[%dma_wait3A_472, %dma_wait3A_473, %dma_wait3A_474] : memref<2x200x32xf32, #tpu.memory_space<vmem>> -> memref<1x72x32xf32, #tpu.memory_space<vmem>>
        %dma_wait3A_476 = tpu.memref_squeeze %dma_wait3A_475 : memref<1x72x32xf32, #tpu.memory_space<vmem>> -> memref<72x32xf32, #tpu.memory_space<vmem>>
        %dma_wait3A_477 = tpu.memref_slice %arg6[%multiple_of3A_360] : memref<25600xi32, #tpu.memory_space<vmem>> -> memref<72xi32, #tpu.memory_space<vmem>>
        %dma_wait3A_478 = arith.constant 0 : i32
        %dma_wait3A_479 = arith.constant 0 : i32
        %dma_wait3A_480 = tpu.memref_slice %arg4[%dma_wait3A_478, %dma_wait3A_479] : memref<4000000x32xf32, #tpu.memory_space<hbm>> -> memref<4000000x32xf32, #tpu.memory_space<hbm>>
        tpu.wait_indirect_dma semaphore(%arg11 : memref<!tpu.dma_semaphore, #tpu.memory_space<semaphore_mem>>) src(%dma_wait3A_480 : memref<4000000x32xf32, #tpu.memory_space<hbm>>) dst(%dma_wait3A_476 : memref<72x32xf32, #tpu.memory_space<vmem>>)
      } else {
      }
      %add3A_417 = arith.constant 1 : i32
      %add3A_418 = arith.addi %mul3A_75, %add3A_417 : i32
      %add3A_419 = arith.constant 15 : i32
      %add3A_420 = arith.addi %reduce_sum3A_113, %add3A_419 : i32
      %jit3A_421 = arith.constant 16 : i32
      %div3A_422 = arith.divsi %add3A_420, %jit3A_421 : i32
      %sign3A_423 = arith.constant 0 : i32
      %sign3A_424 = arith.cmpi sgt, %add3A_420, %sign3A_423 : i32
      %sign3A_425 = arith.extui %sign3A_424 : i1 to i32
      %sign3A_426 = arith.constant 0 : i32
      %sign3A_427 = arith.cmpi slt, %add3A_420, %sign3A_426 : i32
      %sign3A_428 = arith.extui %sign3A_427 : i1 to i32
      %sign3A_429 = arith.subi %sign3A_425, %sign3A_428 : i32
      %sign3A_430 = arith.constant 0 : i32
      %sign3A_431 = arith.cmpi sgt, %jit3A_421, %sign3A_430 : i32
      %sign3A_432 = arith.extui %sign3A_431 : i1 to i32
      %sign3A_433 = arith.constant 0 : i32
      %sign3A_434 = arith.cmpi slt, %jit3A_421, %sign3A_433 : i32
      %sign3A_435 = arith.extui %sign3A_434 : i1 to i32
      %sign3A_436 = arith.subi %sign3A_432, %sign3A_435 : i32
      %ne3A_437 = arith.cmpi ne, %sign3A_429, %sign3A_436 : i32
      %rem3A_438 = arith.remsi %add3A_420, %jit3A_421 : i32
      %ne3A_439 = arith.constant 0 : i32
      %ne3A_440 = arith.cmpi ne, %rem3A_438, %ne3A_439 : i32
      %and3A_441 = arith.andi %ne3A_437, %ne3A_440 : i1
      %sub3A_442 = arith.constant 1 : i32
      %sub3A_443 = arith.subi %div3A_422, %sub3A_442 : i32
      %select_n3A_444 = arith.select %and3A_441, %sub3A_443, %div3A_422 : i32
      %broadcast_in_dim3A_445 = arith.constant 0.000000e+00 : f32
      %broadcast_in_dim3A_446 = vector.broadcast %broadcast_in_dim3A_445 : f32 to vector<16xf32>
      %while3A_447 = arith.constant 0 : i32
      %while3A_448 = arith.subi %select_n3A_444, %while3A_447 : i32
      %while3A_449 = arith.addi %while3A_447, %while3A_448 : i32
      %while3A_450 = arith.constant 1 : i32
      %while3A_451 = arith.divsi %while3A_448, %while3A_450 : i32
      %while3A_452 = arith.muli %while3A_451, %while3A_450 : i32
      %while3A_453 = arith.addi %while3A_447, %while3A_452 : i32
      %while3A_454 = arith.constant 1 : i32
      %while3A_455:2 = scf.for %while3A_464 = %while3A_447 to %while3A_453 step %while3A_454 iter_args(%while3A_465 = %broadcast_in_dim3A_446, %while3A_466 = %broadcast_in_dim3A_446) -> (vector<16xf32>, vector<16xf32>)  : i32 {
        %mul3A_467 = arith.constant 16 : i32
        %mul3A_468 = arith.muli %while3A_464, %mul3A_467 : i32
        %add3A_469 = arith.constant 0 : i32
        %add3A_470 = arith.addi %mul3A_468, %add3A_469 : i32
        %get3A_471 = arith.constant 1 : i32
        %get3A_472 = arith.index_cast %get3A_471 : i32 to index
        %get3A_473 = arith.index_cast %add3A_470 : i32 to index
        %get3A_474 = arith.constant 0 : index
        %get3A_475 = tpu.vector_load %arg8[%get3A_472, %get3A_473, %get3A_474] {strides = array<i32>} : memref<2x200x32xf32, #tpu.memory_space<vmem>>, vector<16xf32>,
        %add3A_476 = arith.addf %while3A_465, %get3A_475 : vector<16xf32>
        %add3A_477 = arith.constant 1 : i32
        %add3A_478 = arith.addi %mul3A_468, %add3A_477 : i32
        %get3A_479 = arith.constant 1 : i32
        %get3A_480 = arith.index_cast %get3A_479 : i32 to index
        %get3A_481 = arith.index_cast %add3A_478 : i32 to index
        %get3A_482 = arith.constant 0 : index
        %get3A_483 = tpu.vector_load %arg8[%get3A_480, %get3A_481, %get3A_482] {strides = array<i32>} : memref<2x200x32xf32, #tpu.memory_space<vmem>>, vector<16xf32>,
        %add3A_484 = arith.addf %add3A_476, %get3A_483 : vector<16xf32>
        %add3A_485 = arith.constant 2 : i32
        %add3A_486 = arith.addi %mul3A_468, %add3A_485 : i32
        %get3A_487 = arith.constant 1 : i32
        %get3A_488 = arith.index_cast %get3A_487 : i32 to index
        %get3A_489 = arith.index_cast %add3A_486 : i32 to index
        %get3A_490 = arith.constant 0 : index
        %get3A_491 = tpu.vector_load %arg8[%get3A_488, %get3A_489, %get3A_490] {strides = array<i32>} : memref<2x200x32xf32, #tpu.memory_space<vmem>>, vector<16xf32>,
        %add3A_492 = arith.addf %add3A_484, %get3A_491 : vector<16xf32>
        %add3A_493 = arith.constant 3 : i32
        %add3A_494 = arith.addi %mul3A_468, %add3A_493 : i32
        %get3A_495 = arith.constant 1 : i32
        %get3A_496 = arith.index_cast %get3A_495 : i32 to index
        %get3A_497 = arith.index_cast %add3A_494 : i32 to index
        %get3A_498 = arith.constant 0 : index
        %get3A_499 = tpu.vector_load %arg8[%get3A_496, %get3A_497, %get3A_498] {strides = array<i32>} : memref<2x200x32xf32, #tpu.memory_space<vmem>>, vector<16xf32>,
        %add3A_500 = arith.addf %add3A_492, %get3A_499 : vector<16xf32>
        %add3A_501 = arith.constant 4 : i32
        %add3A_502 = arith.addi %mul3A_468, %add3A_501 : i32
        %get3A_503 = arith.constant 1 : i32
        %get3A_504 = arith.index_cast %get3A_503 : i32 to index
        %get3A_505 = arith.index_cast %add3A_502 : i32 to index
        %get3A_506 = arith.constant 0 : index
        %get3A_507 = tpu.vector_load %arg8[%get3A_504, %get3A_505, %get3A_506] {strides = array<i32>} : memref<2x200x32xf32, #tpu.memory_space<vmem>>, vector<16xf32>,
        %add3A_508 = arith.addf %add3A_500, %get3A_507 : vector<16xf32>
        %add3A_509 = arith.constant 5 : i32
        %add3A_510 = arith.addi %mul3A_468, %add3A_509 : i32
        %get3A_511 = arith.constant 1 : i32
        %get3A_512 = arith.index_cast %get3A_511 : i32 to index
        %get3A_513 = arith.index_cast %add3A_510 : i32 to index
        %get3A_514 = arith.constant 0 : index
        %get3A_515 = tpu.vector_load %arg8[%get3A_512, %get3A_513, %get3A_514] {strides = array<i32>} : memref<2x200x32xf32, #tpu.memory_space<vmem>>, vector<16xf32>,
        %add3A_516 = arith.addf %add3A_508, %get3A_515 : vector<16xf32>
        %add3A_517 = arith.constant 6 : i32
        %add3A_518 = arith.addi %mul3A_468, %add3A_517 : i32
        %get3A_519 = arith.constant 1 : i32
        %get3A_520 = arith.index_cast %get3A_519 : i32 to index
        %get3A_521 = arith.index_cast %add3A_518 : i32 to index
        %get3A_522 = arith.constant 0 : index
        %get3A_523 = tpu.vector_load %arg8[%get3A_520, %get3A_521, %get3A_522] {strides = array<i32>} : memref<2x200x32xf32, #tpu.memory_space<vmem>>, vector<16xf32>,
        %add3A_524 = arith.addf %add3A_516, %get3A_523 : vector<16xf32>
        %add3A_525 = arith.constant 7 : i32
        %add3A_526 = arith.addi %mul3A_468, %add3A_525 : i32
        %get3A_527 = arith.constant 1 : i32
        %get3A_528 = arith.index_cast %get3A_527 : i32 to index
        %get3A_529 = arith.index_cast %add3A_526 : i32 to index
        %get3A_530 = arith.constant 0 : index
        %get3A_531 = tpu.vector_load %arg8[%get3A_528, %get3A_529, %get3A_530] {strides = array<i32>} : memref<2x200x32xf32, #tpu.memory_space<vmem>>, vector<16xf32>,
        %add3A_532 = arith.addf %add3A_524, %get3A_531 : vector<16xf32>
        %add3A_533 = arith.constant 8 : i32
        %add3A_534 = arith.addi %mul3A_468, %add3A_533 : i32
        %get3A_535 = arith.constant 1 : i32
        %get3A_536 = arith.index_cast %get3A_535 : i32 to index
        %get3A_537 = arith.index_cast %add3A_534 : i32 to index
        %get3A_538 = arith.constant 0 : index
        %get3A_539 = tpu.vector_load %arg8[%get3A_536, %get3A_537, %get3A_538] {strides = array<i32>} : memref<2x200x32xf32, #tpu.memory_space<vmem>>, vector<16xf32>,
        %add3A_540 = arith.addf %add3A_532, %get3A_539 : vector<16xf32>
        %add3A_541 = arith.constant 9 : i32
        %add3A_542 = arith.addi %mul3A_468, %add3A_541 : i32
        %get3A_543 = arith.constant 1 : i32
        %get3A_544 = arith.index_cast %get3A_543 : i32 to index
        %get3A_545 = arith.index_cast %add3A_542 : i32 to index
        %get3A_546 = arith.constant 0 : index
        %get3A_547 = tpu.vector_load %arg8[%get3A_544, %get3A_545, %get3A_546] {strides = array<i32>} : memref<2x200x32xf32, #tpu.memory_space<vmem>>, vector<16xf32>,
        %add3A_548 = arith.addf %add3A_540, %get3A_547 : vector<16xf32>
        %add3A_549 = arith.constant 10 : i32
        %add3A_550 = arith.addi %mul3A_468, %add3A_549 : i32
        %get3A_551 = arith.constant 1 : i32
        %get3A_552 = arith.index_cast %get3A_551 : i32 to index
        %get3A_553 = arith.index_cast %add3A_550 : i32 to index
        %get3A_554 = arith.constant 0 : index
        %get3A_555 = tpu.vector_load %arg8[%get3A_552, %get3A_553, %get3A_554] {strides = array<i32>} : memref<2x200x32xf32, #tpu.memory_space<vmem>>, vector<16xf32>,
        %add3A_556 = arith.addf %add3A_548, %get3A_555 : vector<16xf32>
        %add3A_557 = arith.constant 11 : i32
        %add3A_558 = arith.addi %mul3A_468, %add3A_557 : i32
        %get3A_559 = arith.constant 1 : i32
        %get3A_560 = arith.index_cast %get3A_559 : i32 to index
        %get3A_561 = arith.index_cast %add3A_558 : i32 to index
        %get3A_562 = arith.constant 0 : index
        %get3A_563 = tpu.vector_load %arg8[%get3A_560, %get3A_561, %get3A_562] {strides = array<i32>} : memref<2x200x32xf32, #tpu.memory_space<vmem>>, vector<16xf32>,
        %add3A_564 = arith.addf %add3A_556, %get3A_563 : vector<16xf32>
        %add3A_565 = arith.constant 12 : i32
        %add3A_566 = arith.addi %mul3A_468, %add3A_565 : i32
        %get3A_567 = arith.constant 1 : i32
        %get3A_568 = arith.index_cast %get3A_567 : i32 to index
        %get3A_569 = arith.index_cast %add3A_566 : i32 to index
        %get3A_570 = arith.constant 0 : index
        %get3A_571 = tpu.vector_load %arg8[%get3A_568, %get3A_569, %get3A_570] {strides = array<i32>} : memref<2x200x32xf32, #tpu.memory_space<vmem>>, vector<16xf32>,
        %add3A_572 = arith.addf %add3A_564, %get3A_571 : vector<16xf32>
        %add3A_573 = arith.constant 13 : i32
        %add3A_574 = arith.addi %mul3A_468, %add3A_573 : i32
        %get3A_575 = arith.constant 1 : i32
        %get3A_576 = arith.index_cast %get3A_575 : i32 to index
        %get3A_577 = arith.index_cast %add3A_574 : i32 to index
        %get3A_578 = arith.constant 0 : index
        %get3A_579 = tpu.vector_load %arg8[%get3A_576, %get3A_577, %get3A_578] {strides = array<i32>} : memref<2x200x32xf32, #tpu.memory_space<vmem>>, vector<16xf32>,
        %add3A_580 = arith.addf %add3A_572, %get3A_579 : vector<16xf32>
        %add3A_581 = arith.constant 14 : i32
        %add3A_582 = arith.addi %mul3A_468, %add3A_581 : i32
        %get3A_583 = arith.constant 1 : i32
        %get3A_584 = arith.index_cast %get3A_583 : i32 to index
        %get3A_585 = arith.index_cast %add3A_582 : i32 to index
        %get3A_586 = arith.constant 0 : index
        %get3A_587 = tpu.vector_load %arg8[%get3A_584, %get3A_585, %get3A_586] {strides = array<i32>} : memref<2x200x32xf32, #tpu.memory_space<vmem>>, vector<16xf32>,
        %add3A_588 = arith.addf %add3A_580, %get3A_587 : vector<16xf32>
        %add3A_589 = arith.constant 15 : i32
        %add3A_590 = arith.addi %mul3A_468, %add3A_589 : i32
        %get3A_591 = arith.constant 1 : i32
        %get3A_592 = arith.index_cast %get3A_591 : i32 to index
        %get3A_593 = arith.index_cast %add3A_590 : i32 to index
        %get3A_594 = arith.constant 0 : index
        %get3A_595 = tpu.vector_load %arg8[%get3A_592, %get3A_593, %get3A_594] {strides = array<i32>} : memref<2x200x32xf32, #tpu.memory_space<vmem>>, vector<16xf32>,
        %add3A_596 = arith.addf %add3A_588, %get3A_595 : vector<16xf32>
        %add3A_597 = arith.constant 0 : i32
        %add3A_598 = arith.addi %mul3A_468, %add3A_597 : i32
        %get3A_599 = arith.constant 1 : i32
        %get3A_600 = arith.index_cast %get3A_599 : i32 to index
        %get3A_601 = arith.index_cast %add3A_598 : i32 to index
        %get3A_602 = arith.constant 16 : index
        %get3A_603 = tpu.vector_load %arg8[%get3A_600, %get3A_601, %get3A_602] {strides = array<i32>} : memref<2x200x32xf32, #tpu.memory_space<vmem>>, vector<16xf32>,
        %add3A_604 = arith.addf %while3A_466, %get3A_603 : vector<16xf32>
        %add3A_605 = arith.constant 1 : i32
        %add3A_606 = arith.addi %mul3A_468, %add3A_605 : i32
        %get3A_607 = arith.constant 1 : i32
        %get3A_608 = arith.index_cast %get3A_607 : i32 to index
        %get3A_609 = arith.index_cast %add3A_606 : i32 to index
        %get3A_610 = arith.constant 16 : index
        %get3A_611 = tpu.vector_load %arg8[%get3A_608, %get3A_609, %get3A_610] {strides = array<i32>} : memref<2x200x32xf32, #tpu.memory_space<vmem>>, vector<16xf32>,
        %add3A_612 = arith.addf %add3A_604, %get3A_611 : vector<16xf32>
        %add3A_613 = arith.constant 2 : i32
        %add3A_614 = arith.addi %mul3A_468, %add3A_613 : i32
        %get3A_615 = arith.constant 1 : i32
        %get3A_616 = arith.index_cast %get3A_615 : i32 to index
        %get3A_617 = arith.index_cast %add3A_614 : i32 to index
        %get3A_618 = arith.constant 16 : index
        %get3A_619 = tpu.vector_load %arg8[%get3A_616, %get3A_617, %get3A_618] {strides = array<i32>} : memref<2x200x32xf32, #tpu.memory_space<vmem>>, vector<16xf32>,
        %add3A_620 = arith.addf %add3A_612, %get3A_619 : vector<16xf32>
        %add3A_621 = arith.constant 3 : i32
        %add3A_622 = arith.addi %mul3A_468, %add3A_621 : i32
        %get3A_623 = arith.constant 1 : i32
        %get3A_624 = arith.index_cast %get3A_623 : i32 to index
        %get3A_625 = arith.index_cast %add3A_622 : i32 to index
        %get3A_626 = arith.constant 16 : index
        %get3A_627 = tpu.vector_load %arg8[%get3A_624, %get3A_625, %get3A_626] {strides = array<i32>} : memref<2x200x32xf32, #tpu.memory_space<vmem>>, vector<16xf32>,
        %add3A_628 = arith.addf %add3A_620, %get3A_627 : vector<16xf32>
        %add3A_629 = arith.constant 4 : i32
        %add3A_630 = arith.addi %mul3A_468, %add3A_629 : i32
        %get3A_631 = arith.constant 1 : i32
        %get3A_632 = arith.index_cast %get3A_631 : i32 to index
        %get3A_633 = arith.index_cast %add3A_630 : i32 to index
        %get3A_634 = arith.constant 16 : index
        %get3A_635 = tpu.vector_load %arg8[%get3A_632, %get3A_633, %get3A_634] {strides = array<i32>} : memref<2x200x32xf32, #tpu.memory_space<vmem>>, vector<16xf32>,
        %add3A_636 = arith.addf %add3A_628, %get3A_635 : vector<16xf32>
        %add3A_637 = arith.constant 5 : i32
        %add3A_638 = arith.addi %mul3A_468, %add3A_637 : i32
        %get3A_639 = arith.constant 1 : i32
        %get3A_640 = arith.index_cast %get3A_639 : i32 to index
        %get3A_641 = arith.index_cast %add3A_638 : i32 to index
        %get3A_642 = arith.constant 16 : index
        %get3A_643 = tpu.vector_load %arg8[%get3A_640, %get3A_641, %get3A_642] {strides = array<i32>} : memref<2x200x32xf32, #tpu.memory_space<vmem>>, vector<16xf32>,
        %add3A_644 = arith.addf %add3A_636, %get3A_643 : vector<16xf32>
        %add3A_645 = arith.constant 6 : i32
        %add3A_646 = arith.addi %mul3A_468, %add3A_645 : i32
        %get3A_647 = arith.constant 1 : i32
        %get3A_648 = arith.index_cast %get3A_647 : i32 to index
        %get3A_649 = arith.index_cast %add3A_646 : i32 to index
        %get3A_650 = arith.constant 16 : index
        %get3A_651 = tpu.vector_load %arg8[%get3A_648, %get3A_649, %get3A_650] {strides = array<i32>} : memref<2x200x32xf32, #tpu.memory_space<vmem>>, vector<16xf32>,
        %add3A_652 = arith.addf %add3A_644, %get3A_651 : vector<16xf32>
        %add3A_653 = arith.constant 7 : i32
        %add3A_654 = arith.addi %mul3A_468, %add3A_653 : i32
        %get3A_655 = arith.constant 1 : i32
        %get3A_656 = arith.index_cast %get3A_655 : i32 to index
        %get3A_657 = arith.index_cast %add3A_654 : i32 to index
        %get3A_658 = arith.constant 16 : index
        %get3A_659 = tpu.vector_load %arg8[%get3A_656, %get3A_657, %get3A_658] {strides = array<i32>} : memref<2x200x32xf32, #tpu.memory_space<vmem>>, vector<16xf32>,
        %add3A_660 = arith.addf %add3A_652, %get3A_659 : vector<16xf32>
        %add3A_661 = arith.constant 8 : i32
        %add3A_662 = arith.addi %mul3A_468, %add3A_661 : i32
        %get3A_663 = arith.constant 1 : i32
        %get3A_664 = arith.index_cast %get3A_663 : i32 to index
        %get3A_665 = arith.index_cast %add3A_662 : i32 to index
        %get3A_666 = arith.constant 16 : index
        %get3A_667 = tpu.vector_load %arg8[%get3A_664, %get3A_665, %get3A_666] {strides = array<i32>} : memref<2x200x32xf32, #tpu.memory_space<vmem>>, vector<16xf32>,
        %add3A_668 = arith.addf %add3A_660, %get3A_667 : vector<16xf32>
        %add3A_669 = arith.constant 9 : i32
        %add3A_670 = arith.addi %mul3A_468, %add3A_669 : i32
        %get3A_671 = arith.constant 1 : i32
        %get3A_672 = arith.index_cast %get3A_671 : i32 to index
        %get3A_673 = arith.index_cast %add3A_670 : i32 to index
        %get3A_674 = arith.constant 16 : index
        %get3A_675 = tpu.vector_load %arg8[%get3A_672, %get3A_673, %get3A_674] {strides = array<i32>} : memref<2x200x32xf32, #tpu.memory_space<vmem>>, vector<16xf32>,
        %add3A_676 = arith.addf %add3A_668, %get3A_675 : vector<16xf32>
        %add3A_677 = arith.constant 10 : i32
        %add3A_678 = arith.addi %mul3A_468, %add3A_677 : i32
        %get3A_679 = arith.constant 1 : i32
        %get3A_680 = arith.index_cast %get3A_679 : i32 to index
        %get3A_681 = arith.index_cast %add3A_678 : i32 to index
        %get3A_682 = arith.constant 16 : index
        %get3A_683 = tpu.vector_load %arg8[%get3A_680, %get3A_681, %get3A_682] {strides = array<i32>} : memref<2x200x32xf32, #tpu.memory_space<vmem>>, vector<16xf32>,
        %add3A_684 = arith.addf %add3A_676, %get3A_683 : vector<16xf32>
        %add3A_685 = arith.constant 11 : i32
        %add3A_686 = arith.addi %mul3A_468, %add3A_685 : i32
        %get3A_687 = arith.constant 1 : i32
        %get3A_688 = arith.index_cast %get3A_687 : i32 to index
        %get3A_689 = arith.index_cast %add3A_686 : i32 to index
        %get3A_690 = arith.constant 16 : index
        %get3A_691 = tpu.vector_load %arg8[%get3A_688, %get3A_689, %get3A_690] {strides = array<i32>} : memref<2x200x32xf32, #tpu.memory_space<vmem>>, vector<16xf32>,
        %add3A_692 = arith.addf %add3A_684, %get3A_691 : vector<16xf32>
        %add3A_693 = arith.constant 12 : i32
        %add3A_694 = arith.addi %mul3A_468, %add3A_693 : i32
        %get3A_695 = arith.constant 1 : i32
        %get3A_696 = arith.index_cast %get3A_695 : i32 to index
        %get3A_697 = arith.index_cast %add3A_694 : i32 to index
        %get3A_698 = arith.constant 16 : index
        %get3A_699 = tpu.vector_load %arg8[%get3A_696, %get3A_697, %get3A_698] {strides = array<i32>} : memref<2x200x32xf32, #tpu.memory_space<vmem>>, vector<16xf32>,
        %add3A_700 = arith.addf %add3A_692, %get3A_699 : vector<16xf32>
        %add3A_701 = arith.constant 13 : i32
        %add3A_702 = arith.addi %mul3A_468, %add3A_701 : i32
        %get3A_703 = arith.constant 1 : i32
        %get3A_704 = arith.index_cast %get3A_703 : i32 to index
        %get3A_705 = arith.index_cast %add3A_702 : i32 to index
        %get3A_706 = arith.constant 16 : index
        %get3A_707 = tpu.vector_load %arg8[%get3A_704, %get3A_705, %get3A_706] {strides = array<i32>} : memref<2x200x32xf32, #tpu.memory_space<vmem>>, vector<16xf32>,
        %add3A_708 = arith.addf %add3A_700, %get3A_707 : vector<16xf32>
        %add3A_709 = arith.constant 14 : i32
        %add3A_710 = arith.addi %mul3A_468, %add3A_709 : i32
        %get3A_711 = arith.constant 1 : i32
        %get3A_712 = arith.index_cast %get3A_711 : i32 to index
        %get3A_713 = arith.index_cast %add3A_710 : i32 to index
        %get3A_714 = arith.constant 16 : index
        %get3A_715 = tpu.vector_load %arg8[%get3A_712, %get3A_713, %get3A_714] {strides = array<i32>} : memref<2x200x32xf32, #tpu.memory_space<vmem>>, vector<16xf32>,
        %add3A_716 = arith.addf %add3A_708, %get3A_715 : vector<16xf32>
        %add3A_717 = arith.constant 15 : i32
        %add3A_718 = arith.addi %mul3A_468, %add3A_717 : i32
        %get3A_719 = arith.constant 1 : i32
        %get3A_720 = arith.index_cast %get3A_719 : i32 to index
        %get3A_721 = arith.index_cast %add3A_718 : i32 to index
        %get3A_722 = arith.constant 16 : index
        %get3A_723 = tpu.vector_load %arg8[%get3A_720, %get3A_721, %get3A_722] {strides = array<i32>} : memref<2x200x32xf32, #tpu.memory_space<vmem>>, vector<16xf32>,
        %add3A_724 = arith.addf %add3A_716, %get3A_723 : vector<16xf32>
        scf.yield %add3A_596, %add3A_724 : vector<16xf32>, vector<16xf32>
      }
      %while3A_456 = arith.constant 1 : i32
      %while3A_457:2 = scf.for %while3A_464 = %while3A_453 to %while3A_449 step %while3A_456 iter_args(%while3A_465 = %while3A_455#0, %while3A_466 = %while3A_455#1) -> (vector<16xf32>, vector<16xf32>)  : i32 {
        %mul3A_467 = arith.constant 16 : i32
        %mul3A_468 = arith.muli %while3A_464, %mul3A_467 : i32
        %add3A_469 = arith.constant 0 : i32
        %add3A_470 = arith.addi %mul3A_468, %add3A_469 : i32
        %get3A_471 = arith.constant 1 : i32
        %get3A_472 = arith.index_cast %get3A_471 : i32 to index
        %get3A_473 = arith.index_cast %add3A_470 : i32 to index
        %get3A_474 = arith.constant 0 : index
        %get3A_475 = tpu.vector_load %arg8[%get3A_472, %get3A_473, %get3A_474] {strides = array<i32>} : memref<2x200x32xf32, #tpu.memory_space<vmem>>, vector<16xf32>,
        %add3A_476 = arith.addf %while3A_465, %get3A_475 : vector<16xf32>
        %add3A_477 = arith.constant 1 : i32
        %add3A_478 = arith.addi %mul3A_468, %add3A_477 : i32
        %get3A_479 = arith.constant 1 : i32
        %get3A_480 = arith.index_cast %get3A_479 : i32 to index
        %get3A_481 = arith.index_cast %add3A_478 : i32 to index
        %get3A_482 = arith.constant 0 : index
        %get3A_483 = tpu.vector_load %arg8[%get3A_480, %get3A_481, %get3A_482] {strides = array<i32>} : memref<2x200x32xf32, #tpu.memory_space<vmem>>, vector<16xf32>,
        %add3A_484 = arith.addf %add3A_476, %get3A_483 : vector<16xf32>
        %add3A_485 = arith.constant 2 : i32
        %add3A_486 = arith.addi %mul3A_468, %add3A_485 : i32
        %get3A_487 = arith.constant 1 : i32
        %get3A_488 = arith.index_cast %get3A_487 : i32 to index
        %get3A_489 = arith.index_cast %add3A_486 : i32 to index
        %get3A_490 = arith.constant 0 : index
        %get3A_491 = tpu.vector_load %arg8[%get3A_488, %get3A_489, %get3A_490] {strides = array<i32>} : memref<2x200x32xf32, #tpu.memory_space<vmem>>, vector<16xf32>,
        %add3A_492 = arith.addf %add3A_484, %get3A_491 : vector<16xf32>
        %add3A_493 = arith.constant 3 : i32
        %add3A_494 = arith.addi %mul3A_468, %add3A_493 : i32
        %get3A_495 = arith.constant 1 : i32
        %get3A_496 = arith.index_cast %get3A_495 : i32 to index
        %get3A_497 = arith.index_cast %add3A_494 : i32 to index
        %get3A_498 = arith.constant 0 : index
        %get3A_499 = tpu.vector_load %arg8[%get3A_496, %get3A_497, %get3A_498] {strides = array<i32>} : memref<2x200x32xf32, #tpu.memory_space<vmem>>, vector<16xf32>,
        %add3A_500 = arith.addf %add3A_492, %get3A_499 : vector<16xf32>
        %add3A_501 = arith.constant 4 : i32
        %add3A_502 = arith.addi %mul3A_468, %add3A_501 : i32
        %get3A_503 = arith.constant 1 : i32
        %get3A_504 = arith.index_cast %get3A_503 : i32 to index
        %get3A_505 = arith.index_cast %add3A_502 : i32 to index
        %get3A_506 = arith.constant 0 : index
        %get3A_507 = tpu.vector_load %arg8[%get3A_504, %get3A_505, %get3A_506] {strides = array<i32>} : memref<2x200x32xf32, #tpu.memory_space<vmem>>, vector<16xf32>,
        %add3A_508 = arith.addf %add3A_500, %get3A_507 : vector<16xf32>
        %add3A_509 = arith.constant 5 : i32
        %add3A_510 = arith.addi %mul3A_468, %add3A_509 : i32
        %get3A_511 = arith.constant 1 : i32
        %get3A_512 = arith.index_cast %get3A_511 : i32 to index
        %get3A_513 = arith.index_cast %add3A_510 : i32 to index
        %get3A_514 = arith.constant 0 : index
        %get3A_515 = tpu.vector_load %arg8[%get3A_512, %get3A_513, %get3A_514] {strides = array<i32>} : memref<2x200x32xf32, #tpu.memory_space<vmem>>, vector<16xf32>,
        %add3A_516 = arith.addf %add3A_508, %get3A_515 : vector<16xf32>
        %add3A_517 = arith.constant 6 : i32
        %add3A_518 = arith.addi %mul3A_468, %add3A_517 : i32
        %get3A_519 = arith.constant 1 : i32
        %get3A_520 = arith.index_cast %get3A_519 : i32 to index
        %get3A_521 = arith.index_cast %add3A_518 : i32 to index
        %get3A_522 = arith.constant 0 : index
        %get3A_523 = tpu.vector_load %arg8[%get3A_520, %get3A_521, %get3A_522] {strides = array<i32>} : memref<2x200x32xf32, #tpu.memory_space<vmem>>, vector<16xf32>,
        %add3A_524 = arith.addf %add3A_516, %get3A_523 : vector<16xf32>
        %add3A_525 = arith.constant 7 : i32
        %add3A_526 = arith.addi %mul3A_468, %add3A_525 : i32
        %get3A_527 = arith.constant 1 : i32
        %get3A_528 = arith.index_cast %get3A_527 : i32 to index
        %get3A_529 = arith.index_cast %add3A_526 : i32 to index
        %get3A_530 = arith.constant 0 : index
        %get3A_531 = tpu.vector_load %arg8[%get3A_528, %get3A_529, %get3A_530] {strides = array<i32>} : memref<2x200x32xf32, #tpu.memory_space<vmem>>, vector<16xf32>,
        %add3A_532 = arith.addf %add3A_524, %get3A_531 : vector<16xf32>
        %add3A_533 = arith.constant 8 : i32
        %add3A_534 = arith.addi %mul3A_468, %add3A_533 : i32
        %get3A_535 = arith.constant 1 : i32
        %get3A_536 = arith.index_cast %get3A_535 : i32 to index
        %get3A_537 = arith.index_cast %add3A_534 : i32 to index
        %get3A_538 = arith.constant 0 : index
        %get3A_539 = tpu.vector_load %arg8[%get3A_536, %get3A_537, %get3A_538] {strides = array<i32>} : memref<2x200x32xf32, #tpu.memory_space<vmem>>, vector<16xf32>,
        %add3A_540 = arith.addf %add3A_532, %get3A_539 : vector<16xf32>
        %add3A_541 = arith.constant 9 : i32
        %add3A_542 = arith.addi %mul3A_468, %add3A_541 : i32
        %get3A_543 = arith.constant 1 : i32
        %get3A_544 = arith.index_cast %get3A_543 : i32 to index
        %get3A_545 = arith.index_cast %add3A_542 : i32 to index
        %get3A_546 = arith.constant 0 : index
        %get3A_547 = tpu.vector_load %arg8[%get3A_544, %get3A_545, %get3A_546] {strides = array<i32>} : memref<2x200x32xf32, #tpu.memory_space<vmem>>, vector<16xf32>,
        %add3A_548 = arith.addf %add3A_540, %get3A_547 : vector<16xf32>
        %add3A_549 = arith.constant 10 : i32
        %add3A_550 = arith.addi %mul3A_468, %add3A_549 : i32
        %get3A_551 = arith.constant 1 : i32
        %get3A_552 = arith.index_cast %get3A_551 : i32 to index
        %get3A_553 = arith.index_cast %add3A_550 : i32 to index
        %get3A_554 = arith.constant 0 : index
        %get3A_555 = tpu.vector_load %arg8[%get3A_552, %get3A_553, %get3A_554] {strides = array<i32>} : memref<2x200x32xf32, #tpu.memory_space<vmem>>, vector<16xf32>,
        %add3A_556 = arith.addf %add3A_548, %get3A_555 : vector<16xf32>
        %add3A_557 = arith.constant 11 : i32
        %add3A_558 = arith.addi %mul3A_468, %add3A_557 : i32
        %get3A_559 = arith.constant 1 : i32
        %get3A_560 = arith.index_cast %get3A_559 : i32 to index
        %get3A_561 = arith.index_cast %add3A_558 : i32 to index
        %get3A_562 = arith.constant 0 : index
        %get3A_563 = tpu.vector_load %arg8[%get3A_560, %get3A_561, %get3A_562] {strides = array<i32>} : memref<2x200x32xf32, #tpu.memory_space<vmem>>, vector<16xf32>,
        %add3A_564 = arith.addf %add3A_556, %get3A_563 : vector<16xf32>
        %add3A_565 = arith.constant 12 : i32
        %add3A_566 = arith.addi %mul3A_468, %add3A_565 : i32
        %get3A_567 = arith.constant 1 : i32
        %get3A_568 = arith.index_cast %get3A_567 : i32 to index
        %get3A_569 = arith.index_cast %add3A_566 : i32 to index
        %get3A_570 = arith.constant 0 : index
        %get3A_571 = tpu.vector_load %arg8[%get3A_568, %get3A_569, %get3A_570] {strides = array<i32>} : memref<2x200x32xf32, #tpu.memory_space<vmem>>, vector<16xf32>,
        %add3A_572 = arith.addf %add3A_564, %get3A_571 : vector<16xf32>
        %add3A_573 = arith.constant 13 : i32
        %add3A_574 = arith.addi %mul3A_468, %add3A_573 : i32
        %get3A_575 = arith.constant 1 : i32
        %get3A_576 = arith.index_cast %get3A_575 : i32 to index
        %get3A_577 = arith.index_cast %add3A_574 : i32 to index
        %get3A_578 = arith.constant 0 : index
        %get3A_579 = tpu.vector_load %arg8[%get3A_576, %get3A_577, %get3A_578] {strides = array<i32>} : memref<2x200x32xf32, #tpu.memory_space<vmem>>, vector<16xf32>,
        %add3A_580 = arith.addf %add3A_572, %get3A_579 : vector<16xf32>
        %add3A_581 = arith.constant 14 : i32
        %add3A_582 = arith.addi %mul3A_468, %add3A_581 : i32
        %get3A_583 = arith.constant 1 : i32
        %get3A_584 = arith.index_cast %get3A_583 : i32 to index
        %get3A_585 = arith.index_cast %add3A_582 : i32 to index
        %get3A_586 = arith.constant 0 : index
        %get3A_587 = tpu.vector_load %arg8[%get3A_584, %get3A_585, %get3A_586] {strides = array<i32>} : memref<2x200x32xf32, #tpu.memory_space<vmem>>, vector<16xf32>,
        %add3A_588 = arith.addf %add3A_580, %get3A_587 : vector<16xf32>
        %add3A_589 = arith.constant 15 : i32
        %add3A_590 = arith.addi %mul3A_468, %add3A_589 : i32
        %get3A_591 = arith.constant 1 : i32
        %get3A_592 = arith.index_cast %get3A_591 : i32 to index
        %get3A_593 = arith.index_cast %add3A_590 : i32 to index
        %get3A_594 = arith.constant 0 : index
        %get3A_595 = tpu.vector_load %arg8[%get3A_592, %get3A_593, %get3A_594] {strides = array<i32>} : memref<2x200x32xf32, #tpu.memory_space<vmem>>, vector<16xf32>,
        %add3A_596 = arith.addf %add3A_588, %get3A_595 : vector<16xf32>
        %add3A_597 = arith.constant 0 : i32
        %add3A_598 = arith.addi %mul3A_468, %add3A_597 : i32
        %get3A_599 = arith.constant 1 : i32
        %get3A_600 = arith.index_cast %get3A_599 : i32 to index
        %get3A_601 = arith.index_cast %add3A_598 : i32 to index
        %get3A_602 = arith.constant 16 : index
        %get3A_603 = tpu.vector_load %arg8[%get3A_600, %get3A_601, %get3A_602] {strides = array<i32>} : memref<2x200x32xf32, #tpu.memory_space<vmem>>, vector<16xf32>,
        %add3A_604 = arith.addf %while3A_466, %get3A_603 : vector<16xf32>
        %add3A_605 = arith.constant 1 : i32
        %add3A_606 = arith.addi %mul3A_468, %add3A_605 : i32
        %get3A_607 = arith.constant 1 : i32
        %get3A_608 = arith.index_cast %get3A_607 : i32 to index
        %get3A_609 = arith.index_cast %add3A_606 : i32 to index
        %get3A_610 = arith.constant 16 : index
        %get3A_611 = tpu.vector_load %arg8[%get3A_608, %get3A_609, %get3A_610] {strides = array<i32>} : memref<2x200x32xf32, #tpu.memory_space<vmem>>, vector<16xf32>,
        %add3A_612 = arith.addf %add3A_604, %get3A_611 : vector<16xf32>
        %add3A_613 = arith.constant 2 : i32
        %add3A_614 = arith.addi %mul3A_468, %add3A_613 : i32
        %get3A_615 = arith.constant 1 : i32
        %get3A_616 = arith.index_cast %get3A_615 : i32 to index
        %get3A_617 = arith.index_cast %add3A_614 : i32 to index
        %get3A_618 = arith.constant 16 : index
        %get3A_619 = tpu.vector_load %arg8[%get3A_616, %get3A_617, %get3A_618] {strides = array<i32>} : memref<2x200x32xf32, #tpu.memory_space<vmem>>, vector<16xf32>,
        %add3A_620 = arith.addf %add3A_612, %get3A_619 : vector<16xf32>
        %add3A_621 = arith.constant 3 : i32
        %add3A_622 = arith.addi %mul3A_468, %add3A_621 : i32
        %get3A_623 = arith.constant 1 : i32
        %get3A_624 = arith.index_cast %get3A_623 : i32 to index
        %get3A_625 = arith.index_cast %add3A_622 : i32 to index
        %get3A_626 = arith.constant 16 : index
        %get3A_627 = tpu.vector_load %arg8[%get3A_624, %get3A_625, %get3A_626] {strides = array<i32>} : memref<2x200x32xf32, #tpu.memory_space<vmem>>, vector<16xf32>,
        %add3A_628 = arith.addf %add3A_620, %get3A_627 : vector<16xf32>
        %add3A_629 = arith.constant 4 : i32
        %add3A_630 = arith.addi %mul3A_468, %add3A_629 : i32
        %get3A_631 = arith.constant 1 : i32
        %get3A_632 = arith.index_cast %get3A_631 : i32 to index
        %get3A_633 = arith.index_cast %add3A_630 : i32 to index
        %get3A_634 = arith.constant 16 : index
        %get3A_635 = tpu.vector_load %arg8[%get3A_632, %get3A_633, %get3A_634] {strides = array<i32>} : memref<2x200x32xf32, #tpu.memory_space<vmem>>, vector<16xf32>,
        %add3A_636 = arith.addf %add3A_628, %get3A_635 : vector<16xf32>
        %add3A_637 = arith.constant 5 : i32
        %add3A_638 = arith.addi %mul3A_468, %add3A_637 : i32
        %get3A_639 = arith.constant 1 : i32
        %get3A_640 = arith.index_cast %get3A_639 : i32 to index
        %get3A_641 = arith.index_cast %add3A_638 : i32 to index
        %get3A_642 = arith.constant 16 : index
        %get3A_643 = tpu.vector_load %arg8[%get3A_640, %get3A_641, %get3A_642] {strides = array<i32>} : memref<2x200x32xf32, #tpu.memory_space<vmem>>, vector<16xf32>,
        %add3A_644 = arith.addf %add3A_636, %get3A_643 : vector<16xf32>
        %add3A_645 = arith.constant 6 : i32
        %add3A_646 = arith.addi %mul3A_468, %add3A_645 : i32
        %get3A_647 = arith.constant 1 : i32
        %get3A_648 = arith.index_cast %get3A_647 : i32 to index
        %get3A_649 = arith.index_cast %add3A_646 : i32 to index
        %get3A_650 = arith.constant 16 : index
        %get3A_651 = tpu.vector_load %arg8[%get3A_648, %get3A_649, %get3A_650] {strides = array<i32>} : memref<2x200x32xf32, #tpu.memory_space<vmem>>, vector<16xf32>,
        %add3A_652 = arith.addf %add3A_644, %get3A_651 : vector<16xf32>
        %add3A_653 = arith.constant 7 : i32
        %add3A_654 = arith.addi %mul3A_468, %add3A_653 : i32
        %get3A_655 = arith.constant 1 : i32
        %get3A_656 = arith.index_cast %get3A_655 : i32 to index
        %get3A_657 = arith.index_cast %add3A_654 : i32 to index
        %get3A_658 = arith.constant 16 : index
        %get3A_659 = tpu.vector_load %arg8[%get3A_656, %get3A_657, %get3A_658] {strides = array<i32>} : memref<2x200x32xf32, #tpu.memory_space<vmem>>, vector<16xf32>,
        %add3A_660 = arith.addf %add3A_652, %get3A_659 : vector<16xf32>
        %add3A_661 = arith.constant 8 : i32
        %add3A_662 = arith.addi %mul3A_468, %add3A_661 : i32
        %get3A_663 = arith.constant 1 : i32
        %get3A_664 = arith.index_cast %get3A_663 : i32 to index
        %get3A_665 = arith.index_cast %add3A_662 : i32 to index
        %get3A_666 = arith.constant 16 : index
        %get3A_667 = tpu.vector_load %arg8[%get3A_664, %get3A_665, %get3A_666] {strides = array<i32>} : memref<2x200x32xf32, #tpu.memory_space<vmem>>, vector<16xf32>,
        %add3A_668 = arith.addf %add3A_660, %get3A_667 : vector<16xf32>
        %add3A_669 = arith.constant 9 : i32
        %add3A_670 = arith.addi %mul3A_468, %add3A_669 : i32
        %get3A_671 = arith.constant 1 : i32
        %get3A_672 = arith.index_cast %get3A_671 : i32 to index
        %get3A_673 = arith.index_cast %add3A_670 : i32 to index
        %get3A_674 = arith.constant 16 : index
        %get3A_675 = tpu.vector_load %arg8[%get3A_672, %get3A_673, %get3A_674] {strides = array<i32>} : memref<2x200x32xf32, #tpu.memory_space<vmem>>, vector<16xf32>,
        %add3A_676 = arith.addf %add3A_668, %get3A_675 : vector<16xf32>
        %add3A_677 = arith.constant 10 : i32
        %add3A_678 = arith.addi %mul3A_468, %add3A_677 : i32
        %get3A_679 = arith.constant 1 : i32
        %get3A_680 = arith.index_cast %get3A_679 : i32 to index
        %get3A_681 = arith.index_cast %add3A_678 : i32 to index
        %get3A_682 = arith.constant 16 : index
        %get3A_683 = tpu.vector_load %arg8[%get3A_680, %get3A_681, %get3A_682] {strides = array<i32>} : memref<2x200x32xf32, #tpu.memory_space<vmem>>, vector<16xf32>,
        %add3A_684 = arith.addf %add3A_676, %get3A_683 : vector<16xf32>
        %add3A_685 = arith.constant 11 : i32
        %add3A_686 = arith.addi %mul3A_468, %add3A_685 : i32
        %get3A_687 = arith.constant 1 : i32
        %get3A_688 = arith.index_cast %get3A_687 : i32 to index
        %get3A_689 = arith.index_cast %add3A_686 : i32 to index
        %get3A_690 = arith.constant 16 : index
        %get3A_691 = tpu.vector_load %arg8[%get3A_688, %get3A_689, %get3A_690] {strides = array<i32>} : memref<2x200x32xf32, #tpu.memory_space<vmem>>, vector<16xf32>,
        %add3A_692 = arith.addf %add3A_684, %get3A_691 : vector<16xf32>
        %add3A_693 = arith.constant 12 : i32
        %add3A_694 = arith.addi %mul3A_468, %add3A_693 : i32
        %get3A_695 = arith.constant 1 : i32
        %get3A_696 = arith.index_cast %get3A_695 : i32 to index
        %get3A_697 = arith.index_cast %add3A_694 : i32 to index
        %get3A_698 = arith.constant 16 : index
        %get3A_699 = tpu.vector_load %arg8[%get3A_696, %get3A_697, %get3A_698] {strides = array<i32>} : memref<2x200x32xf32, #tpu.memory_space<vmem>>, vector<16xf32>,
        %add3A_700 = arith.addf %add3A_692, %get3A_699 : vector<16xf32>
        %add3A_701 = arith.constant 13 : i32
        %add3A_702 = arith.addi %mul3A_468, %add3A_701 : i32
        %get3A_703 = arith.constant 1 : i32
        %get3A_704 = arith.index_cast %get3A_703 : i32 to index
        %get3A_705 = arith.index_cast %add3A_702 : i32 to index
        %get3A_706 = arith.constant 16 : index
        %get3A_707 = tpu.vector_load %arg8[%get3A_704, %get3A_705, %get3A_706] {strides = array<i32>} : memref<2x200x32xf32, #tpu.memory_space<vmem>>, vector<16xf32>,
        %add3A_708 = arith.addf %add3A_700, %get3A_707 : vector<16xf32>
        %add3A_709 = arith.constant 14 : i32
        %add3A_710 = arith.addi %mul3A_468, %add3A_709 : i32
        %get3A_711 = arith.constant 1 : i32
        %get3A_712 = arith.index_cast %get3A_711 : i32 to index
        %get3A_713 = arith.index_cast %add3A_710 : i32 to index
        %get3A_714 = arith.constant 16 : index
        %get3A_715 = tpu.vector_load %arg8[%get3A_712, %get3A_713, %get3A_714] {strides = array<i32>} : memref<2x200x32xf32, #tpu.memory_space<vmem>>, vector<16xf32>,
        %add3A_716 = arith.addf %add3A_708, %get3A_715 : vector<16xf32>
        %add3A_717 = arith.constant 15 : i32
        %add3A_718 = arith.addi %mul3A_468, %add3A_717 : i32
        %get3A_719 = arith.constant 1 : i32
        %get3A_720 = arith.index_cast %get3A_719 : i32 to index
        %get3A_721 = arith.index_cast %add3A_718 : i32 to index
        %get3A_722 = arith.constant 16 : index
        %get3A_723 = tpu.vector_load %arg8[%get3A_720, %get3A_721, %get3A_722] {strides = array<i32>} : memref<2x200x32xf32, #tpu.memory_space<vmem>>, vector<16xf32>,
        %add3A_724 = arith.addf %add3A_716, %get3A_723 : vector<16xf32>
        scf.yield %add3A_596, %add3A_724 : vector<16xf32>, vector<16xf32>
      }
      %swap3A_458 = arith.index_cast %add3A_418 : i32 to index
      %swap3A_459 = arith.constant 0 : index
      %swap3A_460 = tpu.vector_load %arg9[%swap3A_458, %swap3A_459] {strides = array<i32>} : memref<128x32xf32, #tpu.memory_space<vmem>>, vector<16xf32>,
      tpu.vector_store %arg9[%swap3A_458, %swap3A_459], %while3A_457#0 {strides = array<i32>} : memref<128x32xf32, #tpu.memory_space<vmem>>, vector<16xf32>,
      %swap3A_461 = arith.index_cast %add3A_418 : i32 to index
      %swap3A_462 = arith.constant 16 : index
      %swap3A_463 = tpu.vector_load %arg9[%swap3A_461, %swap3A_462] {strides = array<i32>} : memref<128x32xf32, #tpu.memory_space<vmem>>, vector<16xf32>,
      tpu.vector_store %arg9[%swap3A_461, %swap3A_462], %while3A_457#1 {strides = array<i32>} : memref<128x32xf32, #tpu.memory_space<vmem>>, vector<16xf32>,
      scf.yield %reduce_sum3A_343 : i32
    }
    %scan3A_71 = arith.constant 64 : i32
    "tpu.region"() ({
      %run_scoped3A = tpu.sem_alloc : memref<!tpu.dma_semaphore, #tpu.memory_space<semaphore_mem>>
      %dma_start3A = arith.constant 0 : i32
      %dma_start3A_72 = tpu.memref_slice %arg5[%mul3A_2, %dma_start3A] : memref<4096x32xf32, #tpu.memory_space<hbm>> -> memref<128x32xf32, #tpu.memory_space<hbm>>
      %dma_start3A_73 = arith.constant 0 : i32
      %dma_start3A_74 = tpu.memref_slice %arg5[%mul3A_2, %dma_start3A_73] : memref<4096x32xf32, #tpu.memory_space<hbm>> -> memref<128x32xf32, #tpu.memory_space<hbm>>
      tpu.enqueue_dma source(%arg9 : memref<128x32xf32, #tpu.memory_space<vmem>>) target(%dma_start3A_74 : memref<128x32xf32, #tpu.memory_space<hbm>>) target_semaphore(%run_scoped3A : memref<!tpu.dma_semaphore, #tpu.memory_space<semaphore_mem>>)
      %dma_wait3A = arith.constant 0 : i32
      %dma_wait3A_75 = tpu.memref_slice %arg5[%mul3A_2, %dma_wait3A] : memref<4096x32xf32, #tpu.memory_space<hbm>> -> memref<128x32xf32, #tpu.memory_space<hbm>>
      %dma_wait3A_76 = arith.constant 0 : i32
      %dma_wait3A_77 = tpu.memref_slice %arg5[%mul3A_2, %dma_wait3A_76] : memref<4096x32xf32, #tpu.memory_space<hbm>> -> memref<128x32xf32, #tpu.memory_space<hbm>>
      tpu.wait_dma2 semaphore(%run_scoped3A : memref<!tpu.dma_semaphore, #tpu.memory_space<semaphore_mem>>) src(%arg9 : memref<128x32xf32, #tpu.memory_space<vmem>>) dst(%dma_wait3A_77 : memref<128x32xf32, #tpu.memory_space<hbm>>)
      tpu.yield
    }) : () -> ()
    return
  }
}

module attributes {stable_mosaic.version = 14 : i64} {
  func.func @_mlp_body(%arg0: memref<4096x32xf32, #tpu.memory_space<vmem>>, %arg1: memref<4096x1xf32, #tpu.memory_space<vmem>>, %arg2: memref<1x32xf32, #tpu.memory_space<vmem>>, %arg3: memref<32x128xf32, #tpu.memory_space<vmem>>, %arg4: memref<1x128xf32, #tpu.memory_space<vmem>>, %arg5: memref<4096x128xf32, #tpu.memory_space<vmem>>) attributes {dimension_semantics = [], scalar_prefetch = 0 : i64, scratch_operands = 0 : i64, tpu.core_type = #tpu.core_type<tc>} {
    %get3A = arith.constant 0 : index
    %get3A_0 = arith.constant 0 : index
    %get3A_1 = vector.load %arg0[%get3A, %get3A_0] : memref<4096x32xf32, #tpu.memory_space<vmem>>, vector<4096x32xf32>
    %get3A_2 = arith.constant 0 : index
    %get3A_3 = arith.constant 0 : index
    %get3A_4 = vector.load %arg1[%get3A_2, %get3A_3] : memref<4096x1xf32, #tpu.memory_space<vmem>>, vector<4096x1xf32>
    %mul3A = vector.broadcast %get3A_4 : vector<4096x1xf32> to vector<4096x32xf32>
    %mul3A_5 = arith.mulf %get3A_1, %mul3A : vector<4096x32xf32>
    %get3A_6 = arith.constant 0 : index
    %get3A_7 = arith.constant 0 : index
    %get3A_8 = vector.load %arg2[%get3A_6, %get3A_7] : memref<1x32xf32, #tpu.memory_space<vmem>>, vector<1x32xf32>
    %add3A = vector.broadcast %get3A_8 : vector<1x32xf32> to vector<4096x32xf32>
    %add3A_9 = arith.addf %mul3A_5, %add3A : vector<4096x32xf32>
    %max3A = arith.constant 0.000000e+00 : f32
    %max3A_10 = vector.broadcast %max3A : f32 to vector<4096x32xf32>
    %max3A_11 = arith.maximumf %add3A_9, %max3A_10 : vector<4096x32xf32>
    %get3A_12 = arith.constant 0 : index
    %get3A_13 = arith.constant 0 : index
    %get3A_14 = vector.load %arg3[%get3A_12, %get3A_13] : memref<32x128xf32, #tpu.memory_space<vmem>>, vector<32x128xf32>
    %dot_general3A = arith.constant dense<0.000000e+00> : vector<4096x128xf32>
    %dot_general3A_15 = tpu.matmul %max3A_11, %get3A_14, %dot_general3A {dimension_numbers = #tpu.dot_dimension_numbers<[1], [0], [0], [1], [0, 0, 1, 1], [], []>, transpose_lhs_hint = false} : vector<4096x32xf32>, vector<32x128xf32>, vector<4096x128xf32> -> vector<4096x128xf32>
    %get3A_16 = arith.constant 0 : index
    %get3A_17 = arith.constant 0 : index
    %get3A_18 = vector.load %arg4[%get3A_16, %get3A_17] : memref<1x128xf32, #tpu.memory_space<vmem>>, vector<1x128xf32>
    %add3A_19 = vector.broadcast %get3A_18 : vector<1x128xf32> to vector<4096x128xf32>
    %add3A_20 = arith.addf %dot_general3A_15, %add3A_19 : vector<4096x128xf32>
    %swap3A = arith.constant 0 : index
    %swap3A_21 = arith.constant 0 : index
    %swap3A_22 = vector.load %arg5[%swap3A, %swap3A_21] : memref<4096x128xf32, #tpu.memory_space<vmem>>, vector<4096x128xf32>
    tpu.vector_store %arg5[%swap3A, %swap3A_21], %add3A_20 {strides = array<i32>} : memref<4096x128xf32, #tpu.memory_space<vmem>>, vector<4096x128xf32>,
    return
  }
}

</mosaic_0001>

<sc_bundles>
// kernel: kernel.4.cloned.1.call-start
scs
__scs_entry_jumppad:
0x0: {  	(pc) =	sbr.rel $0x88, $3  }
0x1: {  	(tag) =	ssettag $0x0;
	lr =	simm.s32 $0x1  }
0x2: {  	[smem:$0x3F9A] =	sst lr;
	_ =	strace $0xD0000000  }
0x3: {  	_ = 	snop  }
0x4: {  	_ = 	snop  }
0x5: {  	_ = 	snop  }
0x6: {  	_ = 	snop  }
0x7: {  	_ = 	snop  }
__scs_overlays_trampoline_lowered:
0x8: {  	[smem:$0x3FA9] =	sst s0  }
0x9: {  	[smem:$0x3FAA] =	sst s1  }
0xa: {  	[smem:$0x3FAB] =	sst s2  }
0xb: {  	[smem:$0x3FAC] =	sst s3  }
0xc: {  	[smem:$0x3FAD] =	sst s4  }
0xd: {  	[smem:$0x3FAE] =	sst s5  }
0xe: {  	[smem:$0x3FAF] =	sst s6  }
0xf: {  	[smem:$0x3FB0] =	sst s7  }
0x10: {  	[smem:$0x3FB1] =	sst s8  }
0x11: {  	[smem:$0x3FB2] =	sst s9;
	s0 =	simm.s32 @!p0 $0x0  }
0x12: {  	s1 =	sld [smem:$0x3F98];
	s0 =	simm.s32 @p0 $0x1  }
0x13: {  	[smem:$0x3FB3] =	sst s0;
	s0 =	simm.s32 @!p1 $0x0  }
0x14: {  	s2 =	sld [smem:$0x3F97];
	s0 =	simm.s32 @p1 $0x1  }
0x15: {  	[smem:$0x3FB4] =	sst s0;
	s0 =	simm.s32 @!p2 $0x0  }
0x16: {  	s3 =	sld [smem:$0x3FDB];
	s0 =	simm.s32 @p2 $0x1  }
0x17: {  	s4 =	simm.s32 $0x1BF5;
	[smem:$0x3FB6] =	sst s0  }
0x18: {  	s0 =	sld [smem:$0x3F99];
	_ =	swait.ge [sflag:s4], $0x0  }
0x19: {  	s7 =	sld [smem:$0x3F9A]  }
0x1a: {  	s8 =	sadd.s32 $0xFFFFE003, lr  }
0x1b: {  	s9 =	sadd.s32 $0xFFFFFEF7, lr;
	s5 =	simm.s32 $0xFFFFFFFF;
	p2 =	slt.u32 s8, $0xFFFFF086  }
0x1c: {  	p1 =	slt.u32 s9, $0xF7A;
	s5 =	simm.s32 @!p2 $0x0  }
0x1d: {  	s5 =	simm.s32 @p1 $0x1;
	p0 =	seq.s32 s7, s2  }
0x1e: {  	s7 =	smul.u32 @!p0 $0xF7A, s2;
	p2 =	seq.s32 @!p0 s5, $0x0  }
0x1f: {  	s9 =	smul.u32 $0xF7A, s1;
	s8 =	simm.s32 @!p0 $0x1BF5;
	p2 =	por !p2, p0  }
0x20: {  	[sflag:s8] =	ssyncset.s32 @!p0 $0xFFFFF086;
	s6 =	sadd.s32 @!p0 s3, s7;
	s7 =	simm.s32 @!p0 $0x108  }
0x21: {  	s3 =	sadd.s32 s3, s9;
	s6 =	sadd.s32 @!p0 $0x88, s6;
	s7 =	simm.s32 @p2 $0x1082  }
0x22: {  	[simem:s7], [sflag:s8] =	dma.local @!p0 [hbm:s6], $0xF7A  }
0x23: {  	s9 =	sor.u32 $0xD0000000, s2;
	s6 =	simm.s32 $0x108;
	_ =	swait.ge @!p0 [sflag:s8], $0x0  }
0x24: {  	s3 =	sadd.s32 $0x88, s3;
	s6 =	simm.s32 @!p1 $0x1082;
	[sflag:s4] =	ssyncset.s32 $0xFFFFF086  }
0x25: {  	[simem:s6], [sflag:s4] =	dma.local [hbm:s3], $0xF7A  }
0x26: {  	[smem:$0x3F9A] =	sst s1;
	(tag) =	ssettag s2;
	_ =	strace s9  }
0x27: {  	s1 =	sld [smem:$0x3FAA]  }
0x28: {  	s2 =	sld [smem:$0x3FAB]  }
0x29: {  	s4 =	sld [smem:$0x3FAD]  }
0x2a: {  	p0 =	seq.s32 s5, $0x0;
	s5 =	sld [smem:$0x3FAE]  }
0x2b: {  	s6 =	sld [smem:$0x3FAF]  }
0x2c: {  	s7 =	sld [smem:$0x3FB0]  }
0x2d: {  	s3 =	simm.s32 $0x108;
	s8 =	sld [smem:$0x3FB1]  }
0x2e: {  	s3 =	simm.s32 @!p0 $0x1082;
	s9 =	sld [smem:$0x3FB2]  }
0x2f: {  	lr =	sadd.s32 s0, s3;
	s0 =	sld [smem:$0x3FA9]  }
0x30: {  	s3 =	sld [smem:$0x3FAC]  }
0x31: {  	[smem:$0x3FB5] =	sst s10  }
0x32: {  	s10 =	sld [smem:$0x3FB3];
	_ =	sdelay $0x3  }
0x33: {  	p0 =	seq.s32 s10, $0x1;
	s10 =	sld [smem:$0x3FB5];
	_ =	sdelay $0x3  }
0x34: {  	[smem:$0x3FB5] =	sst s10  }
0x35: {  	s10 =	sld [smem:$0x3FB4];
	_ =	sdelay $0x3  }
0x36: {  	p1 =	seq.s32 s10, $0x1;
	s10 =	sld [smem:$0x3FB5];
	_ =	sdelay $0x3  }
0x37: {  	[smem:$0x3FB5] =	sst s10  }
0x38: {  	s10 =	sld [smem:$0x3FB6]  }
0x39: {  	_ = 	snop;
	(pc) =	sbr.ind lr, $3  }
0x3a: {  	_ = 	snop  }
0x3b: {  	_ = 	snop  }
0x3c: {  	p2 =	seq.s32 s10, $0x1;
	s10 =	sld [smem:$0x3FB5]  }
0x3d: {  	_ =	shalt  }
0x3e: {  	_ =	shalt  }
0x3f: {  	_ =	shalt  }
0x40: {  	_ =	shalt  }
0x41: {  	_ =	shalt  }
0x42: {  	_ =	shalt  }
0x43: {  	_ =	shalt  }
0x44: {  	_ =	shalt  }
0x45: {  	_ =	shalt  }
0x46: {  	_ =	shalt  }
0x47: {  	_ =	shalt  }
0x48: {  	_ =	shalt  }
0x49: {  	_ =	shalt  }
0x4a: {  	_ =	shalt  }
0x4b: {  	_ =	shalt  }
0x4c: {  	_ =	shalt  }
0x4d: {  	_ =	shalt  }
0x4e: {  	_ =	shalt  }
0x4f: {  	_ =	shalt  }
0x50: {  	_ =	shalt  }
0x51: {  	_ =	shalt  }
0x52: {  	_ =	shalt  }
0x53: {  	_ =	shalt  }
0x54: {  	_ =	shalt  }
0x55: {  	_ =	shalt  }
0x56: {  	_ =	shalt  }
0x57: {  	_ =	shalt  }
0x58: {  	_ =	shalt  }
0x59: {  	_ =	shalt  }
0x5a: {  	_ =	shalt  }
0x5b: {  	_ =	shalt  }
0x5c: {  	_ =	shalt  }
0x5d: {  	_ =	shalt  }
0x5e: {  	_ =	shalt  }
0x5f: {  	_ =	shalt  }
0x60: {  	_ =	shalt  }
0x61: {  	_ =	shalt  }
0x62: {  	_ =	shalt  }
0x63: {  	_ =	shalt  }
0x64: {  	_ =	shalt  }
0x65: {  	_ =	shalt  }
0x66: {  	_ =	shalt  }
0x67: {  	_ =	shalt  }
0x68: {  	_ =	shalt  }
0x69: {  	_ =	shalt  }
0x6a: {  	_ =	shalt  }
0x6b: {  	_ =	shalt  }
0x6c: {  	_ =	shalt  }
0x6d: {  	_ =	shalt  }
0x6e: {  	_ =	shalt  }
0x6f: {  	_ =	shalt  }
0x70: {  	_ =	shalt  }
0x71: {  	_ =	shalt  }
0x72: {  	_ =	shalt  }
0x73: {  	_ =	shalt  }
0x74: {  	_ =	shalt  }
0x75: {  	_ =	shalt  }
0x76: {  	_ =	shalt  }
0x77: {  	_ =	shalt  }
0x78: {  	_ =	shalt  }
0x79: {  	_ =	shalt  }
0x7a: {  	_ =	shalt  }
0x7b: {  	_ =	shalt  }
0x7c: {  	_ =	shalt  }
0x7d: {  	_ =	shalt  }
0x7e: {  	_ =	shalt  }
0x7f: {  	_ =	shalt  }
0x80: {  	_ =	shalt  }
0x81: {  	_ =	shalt  }
0x82: {  	_ =	shalt  }
0x83: {  	_ =	shalt  }
0x84: {  	_ =	shalt  }
0x85: {  	_ =	shalt  }
0x86: {  	_ =	shalt  }
0x87: {  	_ =	shalt  }
.Lfunc_end0:
.L_simem_size_0:
called_computation_lowered:
.L_overlay_start_0:
0x88: {  	s2 =	sld [smem:$0x3FD9]  }
0x89: {  	s3 =	sld [smem:$0x3FFE];
	_ =	sdelay $0x1  }
0x8a: {  	s1 =	srdreg.scid  }
0x8b: {  	s0 =	sand.u32 $0x1, s1  }
0x8c: {  	s17 =	sshll.u32 s0, $0xA;
	s2 =	sadd.s32 s3, s2  }
0x8d: {  	s2 =	sadd.s32 s2, s17  }
0x8e: {  	[smem:$0x3FC1] =	sst s2  }
0x8f: {  	_ = 	snop  }
0x90: {  	s2 =	sld [smem:$0x3FC8];
	(tm) =	ssettm $0x1  }
0x91: {  	s18 =	sld [smem:$0x3FFB];
	_ =	sdelay $0x3  }
0x92: {  	_ =	strace s18  }
0x93: {  	s3 =	sld [smem:$0x3FFC];
	_ =	sdelay $0x3  }
0x94: {  	_ =	strace s3  }
0x95: {  	s3 =	sld [smem:$0x3FFD];
	_ =	sdelay $0x3  }
0x96: {  	_ =	strace s3  }
0x97: {  	_ =	strace $0x8FFFFFFF  }
0x98: {  	s19 =	sld [smem:$0x3FDB];
	_ =	sdelay $0x1  }
0x99: {  	s4 =	simm.s32 $_scs_section_size  }
0x9a: {  	s5 =	simm.s32 $_size__tile_overlayer_lowered;
	s6 =	simm.s32 $_tile_overlayer_lowered  }
0x9b: {  	s22 =	simm.s32 $0x1BFF;
	s21 =	sshll.u32 s6, $0x1;
	s3 =	sadd.s32 s4, s19  }
0x9c: {  	s7 =	simm.s32 $0x0;
	s20 =	sshll.u32 s5, $0x1;
	s5 =	sadd.s32 s21, s3  }
0x9d: {  	[timem:s7], [sflag:s22] =	dma.local [hbm:s5], s20  }
0x9e: {  	_ =	swait.ge [sflag:s22], s20  }
0x9f: {  	s4 =	ssub.s32 $0x0, s20;
	[sflag:s22] =	ssyncset.done $0x0  }
0xa0: {  	[sflag:s22] =	ssyncadd.s32 s4;
	_ =	sdelay $0x1  }
0xa1: {  	s23 =	simm.s32 $0x1B8B  }
0xa2: {  	_ =	swait.ge [sflag:s23], $0x1  }
0xa3: {  	[sflag:s23] =	ssyncset.done $0x0  }
0xa4: {  	s25 =	simm.s32 $0x1B8E;
	s24 =	sld [smem:$0x3FFE];
	[sflag:s23] =	ssyncadd.s32 $0xFFFFFFFF  }
0xa5: {  	s26 =	simm.s32 $execute0_lowered;
	[smem:$0x3FD2] =	sst s25  }
0xa6: {  	s5 =	sshll.u32 s26, $0x1;
	_ =	strace $0x80000046;
	[dreg:$0x1] =	wrdreg $0xFFFFFFFF  }
0xa7: {  	s28 =	simm.s32 $_size_execute0_lowered;
	s3 =	sadd.s32 s3, s5;
	[dreg:$0x0] =	wrdreg $0x0  }
0xa8: {  	s5 =	sshll.u32 s28, $0x1;
	[dreg:$0x2] =	wrdreg s3  }
0xa9: {  	[dreg:$0x3] =	wrdreg s5  }
0xaa: {  	[dreg:$0x4] =	wrdreg $0xC0  }
0xab: {  	_ =	task [dreg:s7], $0x5FFFF  }
0xac: {  	[dreg:$0x1] =	wrdreg $0xFFFFFFFF  }
0xad: {  	[dreg:$0x0] =	wrdreg $0x60  }
0xae: {  	[dreg:$0x2] =	wrdreg s24  }
0xaf: {  	[dreg:$0x3] =	wrdreg s2  }
0xb0: {  	[dreg:$0x4] =	wrdreg $0x9  }
0xb1: {  	_ =	task.clear_ibuf [dreg:s7], $0x5FFFF;
	_ =	strace $0x90000046  }
0xb2: {  	s29 =	simm.s32 $0x9;
	_ =	strace $0x80000048  }
0xb3: {  	_ =	swait.ge [sflag:s29], $0x1  }
0xb4: {  	[sflag:s29] =	ssyncadd.s32 $0xFFFFFFFF  }
0xb5: {  	_ =	strace $0x90000048  }
0xb6: {  	_ =	sfence  }
0xb7: {  	s30 =	sld [smem:$0x0];
	_ =	sdelay $0x2  }
0xb8: {  	s31 =	sshll.u32 s1, $0xD;
	s1 =	sshrl.u32 s1, $0x2  }
0xb9: {  	s3 =	sand.u32 $0x4000, s31;
	s1 =	sadd.s32 s1, s30  }
0xba: {  	s0 =	sor.u32 s3, s0;
	s1 =	sshll.u32 s1, $0x11  }
0xbb: {  	s0 =	sor.u32 s1, s0  }
0xbc: {  	s0 =	sadd.s32 $0x8F2B, s0  }
0xbd: {  	[sflag:s0] =	ssyncadd.remote.s32 $0x1  }
0xbe: {  	_ =	sfence.sel $0xFFFF  }
0xbf: {  	[dreg:$0x0] =	wrdreg $0xFFFFFFFF;
	(pc) =	sbr.abs _section_cstart, $3  }
0xc0: {  	[dreg:$0x1] =	wrdreg $0xFFFFFFFF  }
0xc1: {  	_ =	task.clear_ibuf [dreg:s7], $0x2FFFF;
	_ =	strace $0x9FFFFFFF  }
0xc2: {  	(tm) =	ssettm $0x7FFFFFFF  }
0xc3: {  	_ =	shalt  }
tec
execute0_lowered:
.L_overlay_start_1:
0x0: {  	(tag) =	ssettag $0x1  }
0x1: {  	s1 =	srdreg.scid  }
0x2: {  	s0 =	stileid.u32;
	s4 =	rddreg [dreg:$0x0]  }
0x3: {  	s5 =	rddreg [dreg:$0x1];
	s2 =	simm.s32 $0x0;
	s11 =	simm.s32 $0x6480  }
0x4: {  	s12 =	simm.s32 $0x40;
	s13 =	simm.s32 $0x7D80;
	s14 =	simm.s32 $0x60  }
0x5: {  	s15 =	simm.s32 $0x80;
	s16 =	simm.s32 $0x1;
	s17 =	simm.s32 $0x9680  }
0x6: {  	s3 =	sand.u32 $0x1, s1;
	s31 =	sshll.u32 s0, $0x1;
	s1 =	rddreg [dreg:$0x2]  }
0x7: {  	s18 =	simm.s32 $0x0;
	[smem:$0x7FF] =	sst s2;
	s6 =	sor.u32 s3, s31  }
0x8: {  	_ =	strace $0x80000047;
	s8 =	ssub.s32 $0x2, s3;
	s7 =	smul.u32 $0xC80, s6  }
.Ltmp0:
0x9: {  	s3 =	sadd.s32 $0x19400, s4;
	s9 =	sshll.u32 s6, $0x9;
	(pc) =	sbr.rel .LBB2_1-.Ltmp0, $4  }
0xa: {  	s10 =	sshrl.u32 s8, $0x1;
	s6 =	sshll.u32 s6, $0x4;
	s9 =	sadd.s32 s9, s4  }
0xb: {  	s8 =	ssub.s32 s8, s10;
	s5 =	sadd.s32 s5, s6;
	s10 =	simm.s32 $0x20  }
0xc: {  	s7 =	sadd.s32 s7, s4;
	s6 =	sadd.s32 $0xF5B800, s9;
	s9 =	simm.s32 $0x6400  }
0xd: {  	vm0 =	vmmov $0x1;
	v0 =	vlaneseq.u32;
	s4 =	sadd.s32 $0x400, s7;
	s7 =	smax.u32 s8, $0x1;
	s8 =	simm.s32 $0x3  }
.LBB2_48:
0xe: {  	s18 =	sadd.s32 $0x1, s18  }
0xf: {  	p0 =	sne.s32 s18, s7  }
.Ltmp1:
0x10: {  	_ = 	snop;
	(pc) =	sbr.rel @!p0 .LBB2_49-.Ltmp1, $4  }
0x11: {  	[hbm4b:s6+s2] =	stream.linear.scatter [tilespmem:s17], [sflag:$0x3], $0x1000, $0x38;
	[tilespmem:$0xA680] =	vst v63  }
0x12: {  	_ =	swait.ge [sflag:s8], $0x1000  }
0x13: {  	[sflag:s8] =	ssyncset.done $0x0  }
0x14: {  	[sflag:s8] =	ssyncadd.s32 $0xFFFFF000  }
.LBB2_1:
0x15: {  	[tilespmem:s2], [sflag:$0x3] =	stream.linear.gather [hbm4b:s4+s2], $0x6400, $0x38;
	[tilespmem:$0xA680] =	vst v63  }
0x16: {  	_ =	swait.ge [sflag:s8], $0x6400  }
0x17: {  	[sflag:s8] =	ssyncset.done $0x0  }
0x18: {  	[sflag:s8] =	ssyncadd.s32 $0xFFFF9C00  }
0x19: {  	[tilespmem:s9], [sflag:$0x3] =	stream.linear.gather [hbm4b:s5+s2], $0x80, $0x38;
	[tilespmem:$0xA680] =	vst v63  }
0x1a: {  	_ =	swait.ge [sflag:s8], $0x80  }
0x1b: {  	[sflag:s8] =	ssyncset.done $0x0  }
0x1c: {  	[sflag:s8] =	ssyncadd.s32 $0xFFFFFF80  }
0x1d: {  	v1 =	vld [tilespmem:$0x6400];
	_ =	sdelay $0x4  }
0x1e: {  	v1 =	vnsel vm0, $0x0, v1  }
0x1f: {  	(xrf0) =	vadd.scan.msk.s32 $0xffff, v1;
	_ =	sdelay $0x5  }
0x20: {  	v1, _, _ =	vpop (xrf0)  }
0x21: {  	(v2sf) =	vpush v1, $0xF;
	_ =	sdelay $0xe  }
0x22: {  	s21 =	spop (v2sf)  }
0x23: {  	s19 =	sadd.s32 $0xFFFFFFFF, s21  }
0x24: {  	p0 =	sgt.u32 s19, $0x1F  }
.Ltmp2:
0x25: {  	_ = 	snop;
	(pc) =	sbr.rel @p0 .LBB2_3-.Ltmp2, $1  }
0x26: {  	_ =	sdelay $0x3  }
.Ltmp3:
0x27: {  	(pc) =	sbr.rel .LBB2_8-.Ltmp3, $2  }
0x28: {  	_ =	sdelay $0x2  }
0x29: {  	[tilespmem:s11], [sflag:$0x1] =	stream.indirect.gather [hbm4b:s3+s10], $0x20, s2, s10, $0xb8;
	[tilespmem:$0xA680] =	vst v63  }
.LBB2_3:
0x2a: {  	s19 =	sadd.s32 $0xFFFFFFDF, s21  }
0x2b: {  	p0 =	sgt.u32 s19, $0x1F  }
.Ltmp4:
0x2c: {  	_ = 	snop;
	(pc) =	sbr.rel @p0 .LBB2_5-.Ltmp4, $1  }
0x2d: {  	_ =	sdelay $0x3  }
.Ltmp5:
0x2e: {  	(pc) =	sbr.rel .LBB2_8-.Ltmp5, $2  }
0x2f: {  	_ =	sdelay $0x2  }
0x30: {  	[tilespmem:s11], [sflag:$0x1] =	stream.indirect.gather [hbm4b:s3+s12], $0x20, s2, s12, $0xb8;
	[tilespmem:$0xA680] =	vst v63  }
.LBB2_5:
0x31: {  	s19 =	sadd.s32 $0xFFFFFFBF, s21  }
0x32: {  	p0 =	sgt.u32 s19, $0x1F  }
.Ltmp6:
0x33: {  	_ = 	snop;
	(pc) =	sbr.rel @p0 .LBB2_7-.Ltmp6, $1  }
0x34: {  	_ =	sdelay $0x3  }
.Ltmp7:
0x35: {  	(pc) =	sbr.rel .LBB2_8-.Ltmp7, $2  }
0x36: {  	_ =	sdelay $0x2  }
0x37: {  	[tilespmem:s11], [sflag:$0x1] =	stream.indirect.gather [hbm4b:s3+s14], $0x20, s2, s14, $0xb8;
	[tilespmem:$0xA680] =	vst v63  }
.LBB2_7:
0x38: {  	s19 =	sadd.s32 $0xFFFFFF9F, s21  }
0x39: {  	p0 =	sgt.u32 s19, $0x1F  }
0x3a: {  	s19 =	sadd.s32 @p0 $0xFFFFFF7F, s21  }
0x3b: {  	p1 =	sgt.u32 @p0 s19, $0x1F  }
0x3c: {  	p3 =	por !p1, !p0  }
0x3d: {  	s19 =	sadd.s32 @!p3 $0xFFFFFF5F, s21  }
0x3e: {  	p2 =	sgt.u32 @!p3 s19, $0x1F  }
0x3f: {  	p4 =	por @p0 !p2, !p1  }
0x40: {  	p4 =	por p4, !p0  }
0x41: {  	s19 =	sadd.s32 @!p4 $0xFFFFFF3F, s21  }
0x42: {  	p4 =	sgt.u32 @!p4 s19, $0x7  }
0x43: {  	p3 =	por @!p3 p4, !p2  }
0x44: {  	p3 =	por @p0 p3, !p1  }
0x45: {  	p2 =	por @p0 p2, !p1;
	p3 =	por p3, !p0  }
0x46: {  	s19 =	simm.s32 @!p3 $0x80;
	s20 =	simm.s32 @!p3 $0x0;
	s22 =	simm.s32 @!p3 $0x6480  }
0x47: {  	[tilespmem:s22], [sflag:$0x1] =	stream.indirect.gather @!p3 [hbm4b:s3+s19], $0x20, s20, s19, $0xb8;
	[tilespmem:$0xA680] =	vst v63  }
0x48: {  	p2 =	por p2, !p0;
	s20 =	simm.s32 @!p3 $0x48;
	s22 =	simm.s32 @!p3 $0x7480  }
0x49: {  	[tilespmem:s22], [sflag:$0x1] =	stream.indirect.gather @!p3 [hbm4b:s3+s20], $0x20, s19, s20, $0xb8;
	[tilespmem:$0xA680] =	vst v63  }
0x4a: {  	s19 =	simm.s32 @!p2 $0x80;
	s20 =	simm.s32 @!p2 $0x0;
	s22 =	simm.s32 @!p2 $0x6480  }
0x4b: {  	[tilespmem:s22], [sflag:$0x1] =	stream.indirect.gather @!p2 [hbm4b:s3+s19], $0x20, s20, s19, $0xb8;
	[tilespmem:$0xA680] =	vst v63  }
0x4c: {  	p1 =	por p1, !p0;
	s20 =	simm.s32 @!p2 $0x40;
	s22 =	simm.s32 @!p2 $0x7480  }
0x4d: {  	[tilespmem:s22], [sflag:$0x1] =	stream.indirect.gather @!p2 [hbm4b:s3+s20], $0x20, s19, s20, $0xb8;
	[tilespmem:$0xA680] =	vst v63  }
0x4e: {  	s19 =	simm.s32 @!p1 $0x80;
	s20 =	simm.s32 @!p1 $0x0;
	s22 =	simm.s32 @!p1 $0x6480  }
0x4f: {  	[tilespmem:s22], [sflag:$0x1] =	stream.indirect.gather @!p1 [hbm4b:s3+s19], $0x20, s20, s19, $0xb8;
	[tilespmem:$0xA680] =	vst v63  }
0x50: {  	s20 =	simm.s32 @!p1 $0x20;
	s22 =	simm.s32 @!p1 $0x7480  }
0x51: {  	[tilespmem:s22], [sflag:$0x1] =	stream.indirect.gather @!p1 [hbm4b:s3+s20], $0x20, s19, s20, $0xb8;
	[tilespmem:$0xA680] =	vst v63  }
0x52: {  	s19 =	simm.s32 @!p0 $0x80;
	s20 =	simm.s32 @!p0 $0x0;
	s22 =	simm.s32 @!p0 $0x6480  }
0x53: {  	[tilespmem:s22], [sflag:$0x1] =	stream.indirect.gather @!p0 [hbm4b:s3+s19], $0x20, s20, s19, $0xb8;
	[tilespmem:$0xA680] =	vst v63  }
.LBB2_8:
.Ltmp8:
0x54: {  	(pc) =	sbr.rel .LBB2_9-.Ltmp8, $2  }
0x55: {  	_ =	sdelay $0x2  }
0x56: {  	s19 =	simm.s32 $0x0  }
.LBB2_41:
0x57: {  	v2 =	vimm.f32 $0.0e+00  }
.LBB2_47:
0x58: {  	s19 =	sadd.s32 $0x1, s19  }
0x59: {  	p0 =	sne.s32 s19, $0x40  }
.Ltmp9:
0x5a: {  	_ = 	snop;
	(pc) =	sbr.rel @!p0 .LBB2_48-.Ltmp9, $4  }
0x5b: {  	s20 =	sshll.u32 s20, $0x5  }
0x5c: {  	s20 =	sand.u32 $0x3FFFFFE0, s20  }
0x5d: {  	[tilespmem:s20+$0x9680] =	vst v1  }
0x5e: {  	[tilespmem:s20+$0x9690] =	vst v2  }
.LBB2_9:
0x5f: {  	s23 =	sshll.u32 s19, $0x1  }
0x60: {  	s22 =	sand.u32 $0x70, s23  }
0x61: {  	v1 =	vld [tilespmem:s22+$0x6400]  }
0x62: {  	s20 =	sshllo.u32 s19, $0x1  }
0x63: {  	s22 =	ssub.s32 s20, s22  }
0x64: {  	v2 =	vmov s22  }
0x65: {  	vm1 =	veq.s32 v2, v0  }
0x66: {  	v1 =	vnsel vm1, $0x0, v1  }
0x67: {  	(xrf0) =	vadd.scan.msk.s32 $0xffff, v1;
	_ =	sdelay $0x5  }
0x68: {  	v1, _, _ =	vpop (xrf0)  }
0x69: {  	(v2sf) =	vpush v1, $0xF;
	_ =	sdelay $0xe  }
0x6a: {  	s22 =	spop (v2sf)  }
0x6b: {  	s25 =	sadd.s32 $0xFFFFFFDF, s22  }
0x6c: {  	p6 =	slt.u32 s25, $0xFFFFFFE0  }
.Ltmp10:
0x6d: {  	_ = 	snop;
	(pc) =	sbr.rel @!p6 .LBB2_10-.Ltmp10, $2  }
0x6e: {  	_ =	sdelay $0x2  }
0x6f: {  	s24 =	smul.u32 $0xC8, s20  }
0x70: {  	p0 =	sgt.u32 s25, $0x1F  }
.Ltmp11:
0x71: {  	_ = 	snop;
	(pc) =	sbr.rel @p0 .LBB2_13-.Ltmp11, $1  }
0x72: {  	_ =	sdelay $0x3  }
0x73: {  	[tilespmem:s13], [sflag:$0x2] =	stream.indirect.gather [hbm4b:s3+s12], $0x20, s24, s12, $0xb8;
	[tilespmem:$0xA680] =	vst v63  }
0x74: {  	p0 =	por $0x1, $0x1  }
.Ltmp12:
0x75: {  	s24 =	simm.s32 @!p0 $0x0;
	(pc) =	sbr.rel .LBB2_18-.Ltmp12, $4  }
0x76: {  	s24 =	simm.s32 @p0 $0x1;
	p0 =	por $0x0, $0x0  }
0x77: {  	[smem:$0x7FD] =	sst s24;
	s24 =	simm.s32 @!p0 $0x0  }
0x78: {  	p1 =	por $0x0, $0x0;
	p4 =	por $0x0, $0x0;
	s24 =	simm.s32 @p0 $0x1  }
0x79: {  	p5 =	por $0x0, $0x0;
	p2 =	por $0x0, $0x0;
	[smem:$0x7FC] =	sst s24  }
.LBB2_10:
0x7a: {  	p0 =	por $0x0, $0x0  }
0x7b: {  	[tilespmem:s13], [sflag:$0x2] =	stream.indirect.gather [hbm4b:s3+s10], $0x20, s24, s10, $0xb8;
	[tilespmem:$0xA680] =	vst v63  }
0x7c: {  	s24 =	simm.s32 @!p0 $0x0  }
0x7d: {  	s24 =	simm.s32 @p0 $0x1;
	p0 =	por $0x0, $0x0  }
0x7e: {  	[smem:$0x7FC] =	sst s24;
	s24 =	simm.s32 @!p0 $0x0  }
0x7f: {  	p1 =	por $0x0, $0x0;
	p4 =	por $0x0, $0x0;
	s24 =	simm.s32 @p0 $0x1  }
0x80: {  	p5 =	por $0x0, $0x0;
	p2 =	por $0x0, $0x0;
	[smem:$0x7FD] =	sst s24  }
.LBB2_18:
0x81: {  	s24 =	sadd.s32 $0xFFFFFFFF, s21  }
0x82: {  	p0 =	sgt.u32 s24, $0x1F  }
.Ltmp13:
0x83: {  	_ = 	snop;
	(pc) =	sbr.rel @p0 .LBB2_20-.Ltmp13, $1  }
0x84: {  	_ =	sdelay $0x3  }
.Ltmp14:
0x85: {  	(pc) =	sbr.rel .LBB2_25-.Ltmp14, $4  }
0x86: {  	_ = 	snop  }
0x87: {  	_ =	swait.ge [sflag:s16], $0x400  }
0x88: {  	[sflag:s16] =	ssyncset.done $0x0  }
0x89: {  	[sflag:s16] =	ssyncadd.s32 $0xFFFFFC00  }
.LBB2_20:
0x8a: {  	s24 =	sadd.s32 $0xFFFFFFDF, s21  }
0x8b: {  	p0 =	sgt.u32 s24, $0x1F  }
.Ltmp15:
0x8c: {  	_ = 	snop;
	(pc) =	sbr.rel @p0 .LBB2_22-.Ltmp15, $1  }
0x8d: {  	_ =	sdelay $0x3  }
.Ltmp16:
0x8e: {  	(pc) =	sbr.rel .LBB2_25-.Ltmp16, $4  }
0x8f: {  	_ = 	snop  }
0x90: {  	_ =	swait.ge [sflag:s16], $0x800  }
0x91: {  	[sflag:s16] =	ssyncset.done $0x0  }
0x92: {  	[sflag:s16] =	ssyncadd.s32 $0xFFFFF800  }
.LBB2_13:
0x93: {  	s25 =	sadd.s32 $0xFFFFFFBF, s22  }
0x94: {  	p0 =	sgt.u32 s25, $0x1F  }
.Ltmp17:
0x95: {  	_ = 	snop;
	(pc) =	sbr.rel @p0 .LBB2_15-.Ltmp17, $1  }
0x96: {  	_ =	sdelay $0x3  }
0x97: {  	[tilespmem:s13], [sflag:$0x2] =	stream.indirect.gather [hbm4b:s3+s14], $0x20, s24, s14, $0xb8;
	[tilespmem:$0xA680] =	vst v63  }
0x98: {  	p0 =	por $0x1, $0x1  }
.Ltmp18:
0x99: {  	s24 =	simm.s32 @!p0 $0x0;
	(pc) =	sbr.rel .LBB2_18-.Ltmp18, $4  }
0x9a: {  	s24 =	simm.s32 @p0 $0x1;
	p0 =	por $0x0, $0x0  }
0x9b: {  	[smem:$0x7FC] =	sst s24;
	s24 =	simm.s32 @!p0 $0x0  }
0x9c: {  	p1 =	por $0x0, $0x0;
	p4 =	por $0x0, $0x0;
	s24 =	simm.s32 @p0 $0x1  }
0x9d: {  	p5 =	por $0x0, $0x0;
	p2 =	por $0x0, $0x0;
	[smem:$0x7FD] =	sst s24  }
.LBB2_22:
0x9e: {  	s24 =	sadd.s32 $0xFFFFFFBF, s21  }
0x9f: {  	p0 =	sgt.u32 s24, $0x1F  }
.Ltmp19:
0xa0: {  	_ = 	snop;
	(pc) =	sbr.rel @p0 .LBB2_24-.Ltmp19, $1  }
0xa1: {  	_ =	sdelay $0x3  }
.Ltmp20:
0xa2: {  	(pc) =	sbr.rel .LBB2_25-.Ltmp20, $4  }
0xa3: {  	_ = 	snop  }
0xa4: {  	_ =	swait.ge [sflag:s16], $0xC00  }
0xa5: {  	[sflag:s16] =	ssyncset.done $0x0  }
0xa6: {  	[sflag:s16] =	ssyncadd.s32 $0xFFFFF400  }
.LBB2_15:
0xa7: {  	s25 =	sadd.s32 $0xFFFFFF9F, s22  }
0xa8: {  	p0 =	sgt.u32 s25, $0x1F  }
.Ltmp21:
0xa9: {  	_ = 	snop;
	(pc) =	sbr.rel @p0 .LBB2_17-.Ltmp21, $1  }
0xaa: {  	_ =	sdelay $0x3  }
0xab: {  	[tilespmem:s13], [sflag:$0x2] =	stream.indirect.gather [hbm4b:s3+s15], $0x20, s24, s15, $0xb8;
	[tilespmem:$0xA680] =	vst v63  }
0xac: {  	p0 =	por $0x0, $0x0  }
.Ltmp22:
0xad: {  	s24 =	simm.s32 @!p0 $0x0;
	(pc) =	sbr.rel .LBB2_18-.Ltmp22, $4  }
0xae: {  	s24 =	simm.s32 @p0 $0x1;
	p0 =	por $0x0, $0x0  }
0xaf: {  	[smem:$0x7FC] =	sst s24;
	s24 =	simm.s32 @!p0 $0x0  }
0xb0: {  	p5 =	por $0x1, $0x1;
	p1 =	por $0x0, $0x0;
	s24 =	simm.s32 @p0 $0x1  }
0xb1: {  	p4 =	por $0x0, $0x0;
	p2 =	por $0x0, $0x0;
	[smem:$0x7FD] =	sst s24  }
.LBB2_24:
0xb2: {  	s24 =	sadd.s32 $0xFFFFFF9F, s21  }
0xb3: {  	p0 =	sgt.u32 s24, $0x1F  }
0xb4: {  	s25 =	simm.s32 @!p5 $0x0;
	s24 =	sadd.s32 @p0 $0xFFFFFF7F, s21  }
0xb5: {  	s25 =	simm.s32 @p5 $0x1;
	p5 =	sgt.u32 @p0 s24, $0x1F;
	s24 =	simm.s32 @!p6 $0x0  }
0xb6: {  	[smem:$0x7FB] =	sst s25;
	s24 =	simm.s32 @p6 $0x1;
	p6 =	por !p5, !p0  }
0xb7: {  	s25 =	simm.s32 @!p1 $0x0;
	[smem:$0x7FA] =	sst s24;
	s24 =	sadd.s32 @!p6 $0xFFFFFF5F, s21  }
0xb8: {  	s25 =	simm.s32 @p1 $0x1;
	p1 =	sgt.u32 @!p6 s24, $0x1F  }
0xb9: {  	p3 =	por @p0 !p1, !p5  }
0xba: {  	p3 =	por p3, !p0  }
0xbb: {  	s24 =	sadd.s32 @!p3 $0xFFFFFF3F, s21  }
0xbc: {  	p3 =	sgt.u32 @!p3 s24, $0x7  }
0xbd: {  	p3 =	por @!p6 p3, !p1  }
0xbe: {  	p3 =	por @p0 p3, !p5  }
0xbf: {  	p3 =	por p3, !p0  }
0xc0: {  	[smem:$0x7F5] =	sst s25;
	s24 =	simm.s32 @!p3 $0x1  }
0xc1: {  	_ =	swait.ge @!p3 [sflag:s24], $0x1000  }
0xc2: {  	[sflag:s24] =	ssyncset.done @!p3 $0x0  }
0xc3: {  	[sflag:s24] =	ssyncadd.s32 @!p3 $0xFFFFF000  }
0xc4: {  	p6 =	por @p0 p1, !p5;
	_ =	swait.ge @!p3 [sflag:s24], $0x900  }
0xc5: {  	p6 =	por p6, !p0;
	[sflag:s24] =	ssyncset.done @!p3 $0x0  }
0xc6: {  	[sflag:s24] =	ssyncadd.s32 @!p3 $0xFFFFF700;
	s24 =	simm.s32 @!p6 $0x1  }
0xc7: {  	s29 =	sld [smem:$0x7F5];
	_ =	swait.ge @!p6 [sflag:s24], $0x1000  }
0xc8: {  	[sflag:s24] =	ssyncset.done @!p6 $0x0  }
0xc9: {  	[sflag:s24] =	ssyncadd.s32 @!p6 $0xFFFFF000  }
0xca: {  	_ =	swait.ge @!p6 [sflag:s24], $0x800  }
0xcb: {  	p3 =	por p5, !p0;
	[sflag:s24] =	ssyncset.done @!p6 $0x0  }
0xcc: {  	s30 =	sld [smem:$0x7FB];
	[sflag:s24] =	ssyncadd.s32 @!p6 $0xFFFFF800;
	s24 =	simm.s32 @!p3 $0x1  }
0xcd: {  	s31 =	sld [smem:$0x7FA];
	_ =	swait.ge @!p3 [sflag:s24], $0x1000  }
0xce: {  	[sflag:s24] =	ssyncset.done @!p3 $0x0  }
0xcf: {  	[sflag:s24] =	ssyncadd.s32 @!p3 $0xFFFFF000  }
0xd0: {  	_ =	swait.ge @!p3 [sflag:s24], $0x400  }
0xd1: {  	[sflag:s24] =	ssyncset.done @!p3 $0x0  }
0xd2: {  	[sflag:s24] =	ssyncadd.s32 @!p3 $0xFFFFFC00;
	s24 =	simm.s32 @!p0 $0x1  }
0xd3: {  	_ =	swait.ge @!p0 [sflag:s24], $0x1000  }
0xd4: {  	p1 =	seq.s32 s29, $0x1;
	[sflag:s24] =	ssyncset.done @!p0 $0x0  }
0xd5: {  	p5 =	seq.s32 s30, $0x1;
	p6 =	seq.s32 s31, $0x1;
	[sflag:s24] =	ssyncadd.s32 @!p0 $0xFFFFF000  }
.LBB2_25:
0xd6: {  	s21 =	sadd.s32 $0xF, s21  }
0xd7: {  	s24 =	sand.u32 $0xF, s21  }
0xd8: {  	s31 =	sshra.s32 s21, $0x1F;
	p3 =	slt.s32 s21, $0x1;
	p0 =	sne.s32 s24, $0x0  }
0xd9: {  	s24 =	sshrl.u32 s31, $0x1C;
	p0 =	por !p3, !p0  }
0xda: {  	s21 =	sadd.s32 s24, s21;
	s24 =	simm.s32 $0x1;
	p0 =	por !p0, !p0  }
0xdb: {  	s21 =	sshra.s32 s21, $0x4;
	s24 =	simm.s32 @!p0 $0x0  }
0xdc: {  	s24 =	ssub.s32 s21, s24  }
0xdd: {  	p0 =	slt.s32 s24, $0x1  }
.Ltmp23:
0xde: {  	_ = 	snop;
	(pc) =	sbr.rel @p0 .LBB2_26-.Ltmp23, $2  }
0xdf: {  	_ =	sdelay $0x2  }
0xe0: {  	v1 =	vimm.f32 $0.0e+00;
	s21 =	simm.s32 $0x6580  }
0xe1: {  	p0 =	sne.s32 s24, $0x1  }
.Ltmp24:
0xe2: {  	_ = 	snop;
	(pc) =	sbr.rel @!p0 .LBB2_28-.Ltmp24, $3  }
0xe3: {  	_ =	sdelay $0x1  }
0xe4: {  	v2 =	vld [tilespmem:s21+$0xFFFFFF00]  }
0xe5: {  	p3 =	por p5, p5;
	v3 =	vld [tilespmem:s21+$0xFFFFFF10];
	s24 =	sadd.s32 $0xFFFFFFFF, s24;
	p5 =	por $0x0, $0x0  }
0xe6: {  	v4 =	vld [tilespmem:s21+$0xFFFFFF20]  }
0xe7: {  	v5 =	vld [tilespmem:s21+$0xFFFFFF30]  }
0xe8: {  	v6 =	vld [tilespmem:s21+$0xFFFFFF40]  }
0xe9: {  	v7 =	vld [tilespmem:s21+$0xFFFFFF50]  }
0xea: {  	v8 =	vld [tilespmem:s21+$0xFFFFFF60];
	v2 =	vadd.f32 v2, v1;
	v3 =	vadd.f32 v3, v1  }
0xeb: {  	v9 =	vld [tilespmem:s21+$0xFFFFFF70]  }
0xec: {  	v10 =	vld [tilespmem:s21+$0xFFFFFF80];
	v2 =	vadd.f32 v4, v2;
	v3 =	vadd.f32 v5, v3  }
0xed: {  	v11 =	vld [tilespmem:s21+$0xFFFFFF90]  }
0xee: {  	v4 =	vld [tilespmem:s21+$0xFFFFFFA0];
	v2 =	vadd.f32 v6, v2;
	v3 =	vadd.f32 v7, v3  }
0xef: {  	v5 =	vld [tilespmem:s21+$0xFFFFFFB0]  }
0xf0: {  	v6 =	vld [tilespmem:s21+$0xFFFFFFC0];
	v2 =	vadd.f32 v8, v2;
	v3 =	vadd.f32 v9, v3  }
0xf1: {  	v7 =	vld [tilespmem:s21+$0xFFFFFFD0]  }
0xf2: {  	v8 =	vld [tilespmem:s21+$0xFFFFFFE0];
	v2 =	vadd.f32 v10, v2;
	v3 =	vadd.f32 v11, v3  }
0xf3: {  	v9 =	vld [tilespmem:s21+$0xFFFFFFF0]  }
0xf4: {  	v10 =	vld [tilespmem:s21+$0x0];
	v2 =	vadd.f32 v4, v2;
	v3 =	vadd.f32 v5, v3  }
0xf5: {  	v11 =	vld [tilespmem:s21+$0x10]  }
0xf6: {  	v4 =	vld [tilespmem:s21+$0x20];
	v2 =	vadd.f32 v6, v2;
	v3 =	vadd.f32 v7, v3  }
0xf7: {  	v5 =	vld [tilespmem:s21+$0x30]  }
0xf8: {  	v6 =	vld [tilespmem:s21+$0x40];
	v2 =	vadd.f32 v8, v2;
	v3 =	vadd.f32 v9, v3  }
0xf9: {  	v7 =	vld [tilespmem:s21+$0x50]  }
0xfa: {  	v8 =	vld [tilespmem:s21+$0x60];
	v2 =	vadd.f32 v10, v2;
	v3 =	vadd.f32 v11, v3  }
0xfb: {  	v9 =	vld [tilespmem:s21+$0x70]  }
0xfc: {  	v10 =	vld [tilespmem:s21+$0x80];
	v2 =	vadd.f32 v4, v2;
	v3 =	vadd.f32 v5, v3  }
0xfd: {  	v11 =	vld [tilespmem:s21+$0x90]  }
0xfe: {  	v12 =	vld [tilespmem:s21+$0xA0];
	v2 =	vadd.f32 v6, v2;
	v3 =	vadd.f32 v7, v3  }
0xff: {  	v13 =	vld [tilespmem:s21+$0xB0]  }
0x100: {  	p0 =	sne.s32 s24, $0x1;
	v4 =	vld [tilespmem:s21+$0xC0];
	v2 =	vadd.f32 v8, v2;
	v3 =	vadd.f32 v9, v3  }
.Ltmp25:
0x101: {  	v6 =	vld [tilespmem:s21+$0xD0];
	(pc) =	sbr.rel @!p0 .LBB2_31-.Ltmp25, $4  }
0x102: {  	v5 =	vld [tilespmem:s21+$0xE0];
	v8 =	vadd.f32 v10, v2;
	v3 =	vadd.f32 v11, v3  }
0x103: {  	v7 =	vld [tilespmem:s21+$0xF0];
	s21 =	sadd.s32 $0x200, s21  }
0x104: {  	v2 =	vld [tilespmem:s21+$0xFFFFFF00];
	v8 =	vadd.f32 v12, v8;
	v9 =	vadd.f32 v13, v3  }
0x105: {  	s24 =	sadd.s32 $0xFFFFFFFF, s24;
	p5 =	por $0x1, $0x1;
	v3 =	vld [tilespmem:s21+$0xFFFFFF10]  }
.LBB2_30:
0x106: {  	p0 =	sne.s32 s24, $0x1;
	v10 =	vld [tilespmem:s21+$0xFFFFFF20];
	v4 =	vadd.f32 v4, v8;
	v6 =	vadd.f32 v6, v9  }
0x107: {  	v8 =	vld [tilespmem:s21+$0xFFFFFF30]  }
0x108: {  	v9 =	vld [tilespmem:s21+$0xFFFFFF40];
	v4 =	vadd.f32 v5, v4;
	v5 =	vadd.f32 v7, v6  }
0x109: {  	v6 =	vld [tilespmem:s21+$0xFFFFFF50]  }
0x10a: {  	v2 =	vadd.f32 v2, v4;
	v4 =	vld [tilespmem:s21+$0xFFFFFF60];
	v3 =	vadd.f32 v3, v5  }
0x10b: {  	v5 =	vld [tilespmem:s21+$0xFFFFFF70]  }
0x10c: {  	v2 =	vadd.f32 v10, v2;
	v7 =	vld [tilespmem:s21+$0xFFFFFF80];
	v3 =	vadd.f32 v8, v3  }
0x10d: {  	v8 =	vld [tilespmem:s21+$0xFFFFFF90]  }
0x10e: {  	v2 =	vadd.f32 v9, v2;
	v9 =	vld [tilespmem:s21+$0xFFFFFFA0];
	v3 =	vadd.f32 v6, v3  }
0x10f: {  	v6 =	vld [tilespmem:s21+$0xFFFFFFB0]  }
0x110: {  	v2 =	vadd.f32 v4, v2;
	v4 =	vld [tilespmem:s21+$0xFFFFFFC0];
	v3 =	vadd.f32 v5, v3  }
0x111: {  	v5 =	vld [tilespmem:s21+$0xFFFFFFD0]  }
0x112: {  	v2 =	vadd.f32 v7, v2;
	v7 =	vld [tilespmem:s21+$0xFFFFFFE0];
	v3 =	vadd.f32 v8, v3  }
0x113: {  	v8 =	vld [tilespmem:s21+$0xFFFFFFF0]  }
0x114: {  	v2 =	vadd.f32 v9, v2;
	v9 =	vld [tilespmem:s21+$0x0];
	v3 =	vadd.f32 v6, v3  }
0x115: {  	v6 =	vld [tilespmem:s21+$0x10]  }
0x116: {  	v2 =	vadd.f32 v4, v2;
	v4 =	vld [tilespmem:s21+$0x20];
	v3 =	vadd.f32 v5, v3  }
0x117: {  	v5 =	vld [tilespmem:s21+$0x30]  }
0x118: {  	v2 =	vadd.f32 v7, v2;
	v7 =	vld [tilespmem:s21+$0x40];
	v3 =	vadd.f32 v8, v3  }
0x119: {  	v8 =	vld [tilespmem:s21+$0x50]  }
0x11a: {  	v2 =	vadd.f32 v9, v2;
	v9 =	vld [tilespmem:s21+$0x60];
	v3 =	vadd.f32 v6, v3  }
0x11b: {  	v6 =	vld [tilespmem:s21+$0x70]  }
0x11c: {  	v2 =	vadd.f32 v4, v2;
	v10 =	vld [tilespmem:s21+$0x80];
	v3 =	vadd.f32 v5, v3  }
0x11d: {  	v11 =	vld [tilespmem:s21+$0x90]  }
0x11e: {  	v2 =	vadd.f32 v7, v2;
	v12 =	vld [tilespmem:s21+$0xA0];
	v3 =	vadd.f32 v8, v3  }
0x11f: {  	v13 =	vld [tilespmem:s21+$0xB0]  }
0x120: {  	v2 =	vadd.f32 v9, v2;
	v4 =	vld [tilespmem:s21+$0xC0];
	v3 =	vadd.f32 v6, v3  }
.Ltmp26:
0x121: {  	v6 =	vld [tilespmem:s21+$0xD0];
	(pc) =	sbr.rel @p0 .LBB2_30-.Ltmp26, $4  }
0x122: {  	v8 =	vadd.f32 v10, v2;
	v5 =	vld [tilespmem:s21+$0xE0];
	v3 =	vadd.f32 v11, v3  }
0x123: {  	v7 =	vld [tilespmem:s21+$0xF0];
	s21 =	sadd.s32 $0x200, s21  }
0x124: {  	v2 =	vld [tilespmem:s21+$0xFFFFFF00];
	v8 =	vadd.f32 v12, v8;
	v9 =	vadd.f32 v13, v3  }
0x125: {  	s24 =	sadd.s32 $0xFFFFFFFF, s24;
	v3 =	vld [tilespmem:s21+$0xFFFFFF10]  }
.LBB2_31:
0x126: {  	v4 =	vadd.f32 @p5 v4, v8;
	v6 =	vadd.f32 @p5 v6, v9  }
0x127: {  	v38 =	vld [tilespmem:s21+$0xFFFFFF20]  }
0x128: {  	v39 =	vld [tilespmem:s21+$0xFFFFFF30];
	v4 =	vadd.f32 @p5 v5, v4;
	v5 =	vadd.f32 @p5 v7, v6  }
0x129: {  	v40 =	vld [tilespmem:s21+$0xFFFFFF40]  }
0x12a: {  	v41 =	vld [tilespmem:s21+$0xFFFFFF50];
	v4 =	vpsel p5, v4, v1;
	v1 =	vpsel p5, v5, v1  }
0x12b: {  	v42 =	vld [tilespmem:s21+$0xFFFFFF60];
	v2 =	vadd.f32 v2, v4;
	v1 =	vadd.f32 v3, v1  }
0x12c: {  	v3 =	vld [tilespmem:s21+$0xFFFFFF70]  }
0x12d: {  	v43 =	vld [tilespmem:s21+$0xFFFFFF80];
	v2 =	vadd.f32 v38, v2;
	v1 =	vadd.f32 v39, v1  }
0x12e: {  	v44 =	vld [tilespmem:s21+$0xFFFFFF90]  }
0x12f: {  	v45 =	vld [tilespmem:s21+$0xFFFFFFA0];
	v2 =	vadd.f32 v40, v2;
	v1 =	vadd.f32 v41, v1  }
0x130: {  	v46 =	vld [tilespmem:s21+$0xFFFFFFB0]  }
0x131: {  	v47 =	vld [tilespmem:s21+$0xFFFFFFC0];
	v2 =	vadd.f32 v42, v2;
	v1 =	vadd.f32 v3, v1  }
0x132: {  	v3 =	vld [tilespmem:s21+$0xFFFFFFD0]  }
0x133: {  	v48 =	vld [tilespmem:s21+$0xFFFFFFE0];
	v2 =	vadd.f32 v43, v2;
	v1 =	vadd.f32 v44, v1  }
0x134: {  	v49 =	vld [tilespmem:s21+$0xFFFFFFF0]  }
0x135: {  	v50 =	vld [tilespmem:s21+$0x0];
	v2 =	vadd.f32 v45, v2;
	v1 =	vadd.f32 v46, v1  }
0x136: {  	v51 =	vld [tilespmem:s21+$0x10]  }
0x137: {  	v52 =	vld [tilespmem:s21+$0x20];
	v2 =	vadd.f32 v47, v2;
	v1 =	vadd.f32 v3, v1  }
0x138: {  	v3 =	vld [tilespmem:s21+$0x30]  }
0x139: {  	v53 =	vld [tilespmem:s21+$0x40];
	v2 =	vadd.f32 v48, v2;
	v1 =	vadd.f32 v49, v1  }
0x13a: {  	v54 =	vld [tilespmem:s21+$0x50]  }
0x13b: {  	v55 =	vld [tilespmem:s21+$0x60];
	v2 =	vadd.f32 v50, v2;
	v1 =	vadd.f32 v51, v1  }
0x13c: {  	v56 =	vld [tilespmem:s21+$0x70]  }
0x13d: {  	v57 =	vld [tilespmem:s21+$0x80];
	v2 =	vadd.f32 v52, v2;
	v1 =	vadd.f32 v3, v1  }
0x13e: {  	v3 =	vld [tilespmem:s21+$0x90]  }
0x13f: {  	v58 =	vld [tilespmem:s21+$0xA0];
	v2 =	vadd.f32 v53, v2;
	v1 =	vadd.f32 v54, v1  }
0x140: {  	v59 =	vld [tilespmem:s21+$0xB0]  }
0x141: {  	v60 =	vld [tilespmem:s21+$0xC0];
	v2 =	vadd.f32 v55, v2;
	v1 =	vadd.f32 v56, v1  }
0x142: {  	v61 =	vld [tilespmem:s21+$0xD0]  }
0x143: {  	v62 =	vld [tilespmem:s21+$0xE0];
	v2 =	vadd.f32 v57, v2;
	v1 =	vadd.f32 v3, v1  }
0x144: {  	v3 =	vld [tilespmem:s21+$0xF0]  }
.Ltmp27:
0x145: {  	v2 =	vadd.f32 v58, v2;
	v1 =	vadd.f32 v59, v1;
	(pc) =	sbr.rel .LBB2_32-.Ltmp27, $3  }
0x146: {  	_ = 	snop  }
0x147: {  	v2 =	vadd.f32 v60, v2;
	v63 =	vadd.f32 v61, v1;
	_ =	sdelay $0x1  }
0x148: {  	p5 =	por p3, p3;
	v1 =	vadd.f32 v62, v2;
	v2 =	vadd.f32 v3, v63  }
.LBB2_26:
0x149: {  	v2 =	vimm.f32 $0.0e+00  }
.LBB2_32:
0x14a: {  	s21 =	sshll.u32 s19, $0x6  }
0x14b: {  	s21 =	sand.u32 $0x3FFFFFC0, s21  }
0x14c: {  	s23 =	sadd.s32 $0x2, s23;
	[tilespmem:s21+$0x9680] =	vst v1  }
0x14d: {  	s30 =	sand.u32 $0x70, s23;
	[tilespmem:s21+$0x9690] =	vst v2  }
0x14e: {  	v1 =	vld [tilespmem:s30+$0x6400];
	_ =	sdelay $0x1  }
0x14f: {  	s31 =	sand.u32 $0xE, s23  }
0x150: {  	v2 =	vmov s31  }
0x151: {  	vm1 =	veq.s32 v2, v0  }
0x152: {  	v1 =	vnsel vm1, $0x0, v1  }
0x153: {  	(xrf0) =	vadd.scan.msk.s32 $0xffff, v1;
	_ =	sdelay $0x5  }
0x154: {  	v1, _, _ =	vpop (xrf0)  }
0x155: {  	(v2sf) =	vpush v1, $0xF;
	_ =	sdelay $0x9  }
0x156: {  	p0 =	seq.s32 s19, $0x3F  }
.Ltmp28:
0x157: {  	_ = 	snop;
	(pc) =	sbr.rel @p0 .LBB2_40-.Ltmp28, $2  }
0x158: {  	_ =	sdelay $0x2  }
0x159: {  	s21 =	spop (v2sf)  }
0x15a: {  	s24 =	sadd.s32 $0xFFFFFFFF, s21  }
0x15b: {  	p0 =	sgt.u32 s24, $0x1F  }
.Ltmp29:
0x15c: {  	_ = 	snop;
	(pc) =	sbr.rel @p0 .LBB2_35-.Ltmp29, $2  }
0x15d: {  	_ =	sdelay $0x2  }
0x15e: {  	s23 =	smul.u32 $0xC8, s23  }
.Ltmp30:
0x15f: {  	(pc) =	sbr.rel .LBB2_40-.Ltmp30, $2  }
0x160: {  	_ =	sdelay $0x2  }
0x161: {  	[tilespmem:s11], [sflag:$0x1] =	stream.indirect.gather [hbm4b:s3+s10], $0x20, s23, s10, $0xb8;
	[tilespmem:$0xA680] =	vst v63  }
.LBB2_35:
0x162: {  	s24 =	sadd.s32 $0xFFFFFFDF, s21  }
0x163: {  	p0 =	sgt.u32 s24, $0x1F  }
.Ltmp31:
0x164: {  	_ = 	snop;
	(pc) =	sbr.rel @p0 .LBB2_37-.Ltmp31, $1  }
0x165: {  	_ =	sdelay $0x3  }
.Ltmp32:
0x166: {  	(pc) =	sbr.rel .LBB2_40-.Ltmp32, $2  }
0x167: {  	_ =	sdelay $0x2  }
0x168: {  	[tilespmem:s11], [sflag:$0x1] =	stream.indirect.gather [hbm4b:s3+s12], $0x20, s23, s12, $0xb8;
	[tilespmem:$0xA680] =	vst v63  }
.LBB2_37:
0x169: {  	s24 =	sadd.s32 $0xFFFFFFBF, s21  }
0x16a: {  	p0 =	sgt.u32 s24, $0x1F  }
.Ltmp33:
0x16b: {  	_ = 	snop;
	(pc) =	sbr.rel @p0 .LBB2_39-.Ltmp33, $1  }
0x16c: {  	_ =	sdelay $0x3  }
.Ltmp34:
0x16d: {  	(pc) =	sbr.rel .LBB2_40-.Ltmp34, $2  }
0x16e: {  	_ =	sdelay $0x2  }
0x16f: {  	[tilespmem:s11], [sflag:$0x1] =	stream.indirect.gather [hbm4b:s3+s14], $0x20, s23, s14, $0xb8;
	[tilespmem:$0xA680] =	vst v63  }
.LBB2_17:
0x170: {  	s25 =	sadd.s32 $0xFFFFFF7F, s22  }
0x171: {  	p0 =	sgt.u32 s25, $0x1F  }
0x172: {  	s25 =	sadd.s32 @p0 $0xFFFFFF5F, s22  }
0x173: {  	p1 =	sgt.u32 @p0 s25, $0x1F  }
0x174: {  	p5 =	por !p1, !p0  }
0x175: {  	s25 =	sadd.s32 @!p5 $0xFFFFFF3F, s22  }
0x176: {  	p3 =	sgt.u32 @!p5 s25, $0x7  }
0x177: {  	s25 =	simm.s32 @!p5 $0x0;
	p2 =	por @p0 p3, !p1  }
0x178: {  	s25 =	simm.s32 @p5 $0x1;
	p2 =	por p2, !p0  }
0x179: {  	[smem:$0x7F8] =	sst s25;
	s25 =	simm.s32 @!p2 $0x80;
	s26 =	simm.s32 @!p2 $0x7D80  }
0x17a: {  	[tilespmem:s26], [sflag:$0x2] =	stream.indirect.gather @!p2 [hbm4b:s3+s25], $0x20, s24, s25, $0xb8;
	[tilespmem:$0xA680] =	vst v63  }
0x17b: {  	s28 =	simm.s32 @!p2 $0x8D80;
	s25 =	sadd.s32 $0x80, s24;
	s26 =	simm.s32 @!p2 $0x48  }
0x17c: {  	[tilespmem:s28], [sflag:$0x2] =	stream.indirect.gather @!p2 [hbm4b:s3+s26], $0x20, s25, s26, $0xb8;
	[tilespmem:$0xA680] =	vst v63  }
0x17d: {  	s26 =	simm.s32 @!p6 $0x0  }
0x17e: {  	p4 =	por @!p5 $0x0, $0x0;
	s26 =	simm.s32 @p6 $0x1  }
0x17f: {  	[smem:$0x7FA] =	sst s26;
	s26 =	simm.s32 @!p4 $0x0  }
0x180: {  	s26 =	simm.s32 @p4 $0x1;
	p4 =	por @!p2 $0x0, $0x0  }
0x181: {  	[smem:$0x7F9] =	sst s26;
	s26 =	simm.s32 @!p4 $0x0  }
0x182: {  	p3 =	por @p0 !p3, !p1;
	p1 =	por p1, !p0;
	s26 =	simm.s32 @p4 $0x1  }
0x183: {  	s28 =	simm.s32 @!p1 $0x7D80;
	[smem:$0x7F6] =	sst s26;
	s26 =	simm.s32 @!p1 $0x80  }
0x184: {  	[tilespmem:s28], [sflag:$0x2] =	stream.indirect.gather @!p1 [hbm4b:s3+s26], $0x20, s24, s26, $0xb8;
	[tilespmem:$0xA680] =	vst v63  }
0x185: {  	p6 =	por !p3, !p0;
	s26 =	simm.s32 @!p1 $0x40;
	s28 =	simm.s32 @!p1 $0x8D80  }
0x186: {  	[tilespmem:s28], [sflag:$0x2] =	stream.indirect.gather @!p1 [hbm4b:s3+s26], $0x20, s25, s26, $0xb8;
	[tilespmem:$0xA680] =	vst v63  }
0x187: {  	s29 =	sld [smem:$0x7F9];
	s26 =	simm.s32 @!p6 $0x0  }
0x188: {  	s28 =	sld [smem:$0x7F6];
	s26 =	simm.s32 @p6 $0x1  }
0x189: {  	[smem:$0x7F7] =	sst s26  }
0x18a: {  	s30 =	sld [smem:$0x7F7]  }
0x18b: {  	p2 =	por @!p2 $0x1, $0x1;
	p4 =	por @!p5 $0x0, $0x0  }
0x18c: {  	p4 =	por @!p6 p2, p2  }
0x18d: {  	p2 =	seq.s32 s29, $0x1;
	p6 =	seq.s32 s28, $0x1;
	p5 =	seq.s32 s30, $0x1  }
0x18e: {  	p2 =	por @!p5 p6, p6  }
0x18f: {  	s26 =	simm.s32 @!p2 $0x0  }
0x190: {  	s31 =	sld [smem:$0x7F8];
	s26 =	simm.s32 @p2 $0x1  }
0x191: {  	s28 =	simm.s32 @!p0 $0x7D80;
	[smem:$0x7F9] =	sst s26;
	s26 =	simm.s32 @!p0 $0x80  }
0x192: {  	[tilespmem:s28], [sflag:$0x2] =	stream.indirect.gather @!p0 [hbm4b:s3+s26], $0x20, s24, s26, $0xb8;
	[tilespmem:$0xA680] =	vst v63  }
0x193: {  	s26 =	sld [smem:$0x7F9]  }
0x194: {  	p3 =	por @!p1 $0x0, $0x0  }
0x195: {  	p5 =	seq.s32 s31, $0x1;
	p2 =	por @!p1 $0x1, $0x1;
	p1 =	por p3, p3  }
0x196: {  	p1 =	por @!p5 p4, p4;
	p4 =	seq.s32 s26, $0x1  }
0x197: {  	p3 =	por @!p5 p4, p4  }
0x198: {  	s24 =	simm.s32 @!p3 $0x0  }
0x199: {  	s24 =	simm.s32 @p3 $0x1  }
0x19a: {  	s26 =	simm.s32 @!p0 $0x8D80;
	[smem:$0x7FB] =	sst s24;
	s24 =	simm.s32 @!p0 $0x20  }
0x19b: {  	[tilespmem:s26], [sflag:$0x2] =	stream.indirect.gather @!p0 [hbm4b:s3+s24], $0x20, s25, s24, $0xb8;
	[tilespmem:$0xA680] =	vst v63  }
0x19c: {  	s24 =	simm.s32 @!p3 $0x0  }
0x19d: {  	s24 =	simm.s32 @p3 $0x1  }
0x19e: {  	[smem:$0x7FC] =	sst s24  }
0x19f: {  	s24 =	simm.s32 @!p3 $0x0;
	s29 =	sld [smem:$0x7FC]  }
0x1a0: {  	p2 =	por @!p5 p4, p4;
	p5 =	por @!p0 $0x0, $0x0;
	s24 =	simm.s32 @p3 $0x1  }
0x1a1: {  	p4 =	por p3, p3;
	p1 =	por @!p0 p5, p5;
	[smem:$0x7FD] =	sst s24  }
0x1a2: {  	p5 =	por @!p0 $0x0, $0x0;
	s30 =	sld [smem:$0x7FD];
	p3 =	seq.s32 s29, $0x1  }
0x1a3: {  	p3 =	por @!p0 p5, p5  }
0x1a4: {  	s31 =	sld [smem:$0x7FB];
	s24 =	simm.s32 @!p3 $0x0  }
0x1a5: {  	p5 =	seq.s32 s30, $0x1;
	s24 =	simm.s32 @p3 $0x1;
	p3 =	por @!p0 $0x0, $0x0  }
.Ltmp35:
0x1a6: {  	s28 =	sld [smem:$0x7FA];
	p5 =	por @!p0 p3, p3;
	(pc) =	sbr.rel .LBB2_18-.Ltmp35, $4  }
0x1a7: {  	p6 =	por @!p0 $0x1, $0x1;
	[smem:$0x7FC] =	sst s24;
	s24 =	simm.s32 @!p5 $0x0  }
0x1a8: {  	p3 =	seq.s32 s31, $0x1;
	s24 =	simm.s32 @p5 $0x1;
	p5 =	por @!p0 $0x0, $0x0  }
0x1a9: {  	p4 =	por @!p0 p6, p6;
	p6 =	seq.s32 s28, $0x1;
	p3 =	por @!p0 p5, p5  }
0x1aa: {  	[smem:$0x7FD] =	sst s24;
	p2 =	por @!p0 p5, p5;
	p5 =	por p3, p3  }
.LBB2_39:
0x1ab: {  	s24 =	sadd.s32 $0xFFFFFF9F, s21  }
0x1ac: {  	p0 =	sgt.u32 s24, $0x1F  }
0x1ad: {  	s24 =	sadd.s32 @p0 $0xFFFFFF7F, s21  }
0x1ae: {  	p3 =	sgt.u32 @p0 s24, $0x1F  }
0x1af: {  	s24 =	simm.s32 @!p3 $0x0  }
0x1b0: {  	s24 =	simm.s32 @p3 $0x1  }
0x1b1: {  	[smem:$0x7F3] =	sst s24  }
0x1b2: {  	p3 =	por !p3, !p0;
	s26 =	sld [smem:$0x7F3]  }
0x1b3: {  	s25 =	simm.s32 @!p5 $0x0;
	s24 =	sadd.s32 @!p3 $0xFFFFFF5F, s21  }
0x1b4: {  	s25 =	simm.s32 @p5 $0x1;
	p5 =	sgt.u32 @!p3 s24, $0x1F;
	s24 =	simm.s32 @!p6 $0x0  }
0x1b5: {  	s24 =	simm.s32 @p6 $0x1;
	p6 =	seq.s32 s26, $0x1  }
0x1b6: {  	[smem:$0x7FA] =	sst s24;
	s24 =	simm.s32 @!p5 $0x0;
	p6 =	por @p0 !p5, !p6  }
0x1b7: {  	s29 =	sld [smem:$0x7F3];
	s24 =	simm.s32 @p5 $0x1;
	p6 =	por p6, !p0  }
0x1b8: {  	[smem:$0x7F4] =	sst s24;
	s24 =	sadd.s32 @!p6 $0xFFFFFF3F, s21  }
0x1b9: {  	p6 =	sgt.u32 @!p6 s24, $0x7  }
0x1ba: {  	p3 =	por @!p3 p6, !p5;
	p5 =	seq.s32 s29, $0x1  }
0x1bb: {  	p3 =	por @p0 p3, !p5  }
0x1bc: {  	[smem:$0x7FB] =	sst s25;
	p3 =	por p3, !p0  }
0x1bd: {  	s30 =	sld [smem:$0x7F4];
	s24 =	simm.s32 @!p3 $0x80;
	s25 =	simm.s32 @!p3 $0x6480  }
0x1be: {  	[tilespmem:s25], [sflag:$0x1] =	stream.indirect.gather @!p3 [hbm4b:s3+s24], $0x20, s23, s24, $0xb8;
	[tilespmem:$0xA680] =	vst v63  }
0x1bf: {  	s26 =	simm.s32 @!p3 $0x7480;
	s24 =	sadd.s32 $0x80, s23;
	s25 =	simm.s32 @!p3 $0x48  }
0x1c0: {  	[tilespmem:s26], [sflag:$0x1] =	stream.indirect.gather @!p3 [hbm4b:s3+s25], $0x20, s24, s25, $0xb8;
	[tilespmem:$0xA680] =	vst v63  }
0x1c1: {  	p3 =	seq.s32 s30, $0x1  }
0x1c2: {  	p3 =	por @p0 p3, !p5  }
0x1c3: {  	p3 =	por p3, !p0  }
0x1c4: {  	s25 =	simm.s32 @!p3 $0x80;
	s26 =	simm.s32 @!p3 $0x6480  }
0x1c5: {  	[tilespmem:s26], [sflag:$0x1] =	stream.indirect.gather @!p3 [hbm4b:s3+s25], $0x20, s23, s25, $0xb8;
	[tilespmem:$0xA680] =	vst v63  }
0x1c6: {  	s25 =	simm.s32 @!p3 $0x40;
	s26 =	simm.s32 @!p3 $0x7480  }
0x1c7: {  	[tilespmem:s26], [sflag:$0x1] =	stream.indirect.gather @!p3 [hbm4b:s3+s25], $0x20, s24, s25, $0xb8;
	[tilespmem:$0xA680] =	vst v63  }
0x1c8: {  	s28 =	sld [smem:$0x7FA];
	p3 =	por p5, !p0  }
0x1c9: {  	s31 =	sld [smem:$0x7FB];
	s25 =	simm.s32 @!p3 $0x80;
	s26 =	simm.s32 @!p3 $0x6480  }
0x1ca: {  	[tilespmem:s26], [sflag:$0x1] =	stream.indirect.gather @!p3 [hbm4b:s3+s25], $0x20, s23, s25, $0xb8;
	[tilespmem:$0xA680] =	vst v63  }
0x1cb: {  	p6 =	seq.s32 s28, $0x1;
	s25 =	simm.s32 @!p3 $0x20;
	s26 =	simm.s32 @!p3 $0x7480  }
0x1cc: {  	[tilespmem:s26], [sflag:$0x1] =	stream.indirect.gather @!p3 [hbm4b:s3+s25], $0x20, s24, s25, $0xb8;
	[tilespmem:$0xA680] =	vst v63  }
0x1cd: {  	p5 =	seq.s32 s31, $0x1;
	s24 =	simm.s32 @!p0 $0x80;
	s25 =	simm.s32 @!p0 $0x6480  }
0x1ce: {  	[tilespmem:s25], [sflag:$0x1] =	stream.indirect.gather @!p0 [hbm4b:s3+s24], $0x20, s23, s24, $0xb8;
	[tilespmem:$0xA680] =	vst v63  }
.LBB2_40:
0x1cf: {  	s23 =	simm.s32 @!p6 $0x2  }
0x1d0: {  	_ =	swait.ge @!p6 [sflag:s23], $0x400  }
0x1d1: {  	s28 =	sld [smem:$0x7FD];
	_ =	sdelay $0x2  }
0x1d2: {  	[sflag:s23] =	ssyncset.done @!p6 $0x0;
	p0 =	seq.s32 s28, $0x1  }
0x1d3: {  	[sflag:s23] =	ssyncadd.s32 @!p6 $0xFFFFFC00;
	s23 =	simm.s32 @p0 $0x2  }
0x1d4: {  	_ =	swait.ge @p0 [sflag:s23], $0x800  }
0x1d5: {  	s29 =	sld [smem:$0x7FC];
	_ =	sdelay $0x1  }
0x1d6: {  	[sflag:s23] =	ssyncset.done @p0 $0x0  }
0x1d7: {  	[sflag:s23] =	ssyncadd.s32 @p0 $0xFFFFF800;
	p0 =	seq.s32 s29, $0x1  }
0x1d8: {  	s23 =	simm.s32 @p0 $0x2  }
0x1d9: {  	_ =	swait.ge @p0 [sflag:s23], $0xC00  }
0x1da: {  	[sflag:s23] =	ssyncset.done @p0 $0x0  }
0x1db: {  	[sflag:s23] =	ssyncadd.s32 @p0 $0xFFFFF400;
	s23 =	simm.s32 @p5 $0x2  }
0x1dc: {  	_ =	swait.ge @p5 [sflag:s23], $0x1000  }
0x1dd: {  	[sflag:s23] =	ssyncset.done @p5 $0x0  }
0x1de: {  	[sflag:s23] =	ssyncadd.s32 @p5 $0xFFFFF000;
	s23 =	simm.s32 @p4 $0x2  }
0x1df: {  	_ =	swait.ge @p4 [sflag:s23], $0x1000  }
0x1e0: {  	[sflag:s23] =	ssyncset.done @p4 $0x0  }
0x1e1: {  	[sflag:s23] =	ssyncadd.s32 @p4 $0xFFFFF000  }
0x1e2: {  	_ =	swait.ge @p4 [sflag:s23], $0x400  }
0x1e3: {  	[sflag:s23] =	ssyncset.done @p4 $0x0  }
0x1e4: {  	[sflag:s23] =	ssyncadd.s32 @p4 $0xFFFFFC00;
	s23 =	simm.s32 @p2 $0x2  }
0x1e5: {  	_ =	swait.ge @p2 [sflag:s23], $0x1000  }
0x1e6: {  	[sflag:s23] =	ssyncset.done @p2 $0x0  }
0x1e7: {  	s22 =	sadd.s32 $0xF, s22;
	[sflag:s23] =	ssyncadd.s32 @p2 $0xFFFFF000  }
0x1e8: {  	s30 =	sand.u32 $0xF, s22;
	s31 =	sshra.s32 s22, $0x1F;
	_ =	swait.ge @p2 [sflag:s23], $0x800  }
0x1e9: {  	p6 =	slt.s32 s22, $0x1;
	p5 =	sne.s32 s30, $0x0;
	[sflag:s23] =	ssyncset.done @p2 $0x0  }
0x1ea: {  	p0 =	por !p6, !p5;
	[sflag:s23] =	ssyncadd.s32 @p2 $0xFFFFF800;
	s23 =	sshrl.u32 s31, $0x1C  }
0x1eb: {  	p0 =	por !p0, !p0;
	s22 =	sadd.s32 s23, s22;
	s23 =	simm.s32 $0x1  }
0x1ec: {  	s22 =	sshra.s32 s22, $0x4;
	s23 =	simm.s32 @!p0 $0x0  }
0x1ed: {  	s24 =	simm.s32 @p1 $0x2;
	s23 =	ssub.s32 s22, s23  }
0x1ee: {  	_ =	swait.ge @p1 [sflag:s24], $0x1000;
	p0 =	slt.s32 s23, $0x1  }
.Ltmp36:
0x1ef: {  	[sflag:s24] =	ssyncset.done @p1 $0x0;
	(pc) =	sbr.rel @p0 .LBB2_41-.Ltmp36, $4  }
0x1f0: {  	[sflag:s24] =	ssyncadd.s32 @p1 $0xFFFFF000  }
0x1f1: {  	_ =	swait.ge @p1 [sflag:s24], $0x900  }
0x1f2: {  	[sflag:s24] =	ssyncset.done @p1 $0x0  }
0x1f3: {  	v1 =	vimm.f32 $0.0e+00;
	s22 =	simm.s32 $0x7F70;
	[sflag:s24] =	ssyncadd.s32 @p1 $0xFFFFF700  }
0x1f4: {  	p1 =	sne.s32 s23, $0x1  }
.Ltmp37:
0x1f5: {  	_ = 	snop;
	(pc) =	sbr.rel @!p1 .LBB2_43-.Ltmp37, $3  }
0x1f6: {  	_ =	sdelay $0x1  }
0x1f7: {  	v2 =	vld [tilespmem:s22+$0xFFFFFE10]  }
0x1f8: {  	v3 =	vld [tilespmem:s22+$0xFFFFFE20];
	s23 =	sadd.s32 $0xFFFFFFFF, s23;
	p0 =	por $0x0, $0x0  }
0x1f9: {  	v4 =	vld [tilespmem:s22+$0xFFFFFE30]  }
0x1fa: {  	v5 =	vld [tilespmem:s22+$0xFFFFFE40]  }
0x1fb: {  	v6 =	vld [tilespmem:s22+$0xFFFFFE50]  }
0x1fc: {  	v7 =	vld [tilespmem:s22+$0xFFFFFE60]  }
0x1fd: {  	v8 =	vld [tilespmem:s22+$0xFFFFFE70];
	v2 =	vadd.f32 v2, v1;
	v3 =	vadd.f32 v3, v1  }
0x1fe: {  	v9 =	vld [tilespmem:s22+$0xFFFFFE80]  }
0x1ff: {  	v10 =	vld [tilespmem:s22+$0xFFFFFE90];
	v2 =	vadd.f32 v4, v2;
	v3 =	vadd.f32 v5, v3  }
0x200: {  	v11 =	vld [tilespmem:s22+$0xFFFFFEA0]  }
0x201: {  	v4 =	vld [tilespmem:s22+$0xFFFFFEB0];
	v2 =	vadd.f32 v6, v2;
	v3 =	vadd.f32 v7, v3  }
0x202: {  	v5 =	vld [tilespmem:s22+$0xFFFFFEC0]  }
0x203: {  	v6 =	vld [tilespmem:s22+$0xFFFFFED0];
	v2 =	vadd.f32 v8, v2;
	v3 =	vadd.f32 v9, v3  }
0x204: {  	v7 =	vld [tilespmem:s22+$0xFFFFFEE0]  }
0x205: {  	v8 =	vld [tilespmem:s22+$0xFFFFFEF0];
	v2 =	vadd.f32 v10, v2;
	v3 =	vadd.f32 v11, v3  }
0x206: {  	v9 =	vld [tilespmem:s22+$0xFFFFFF00]  }
0x207: {  	v10 =	vld [tilespmem:s22+$0xFFFFFF10];
	v2 =	vadd.f32 v4, v2;
	v3 =	vadd.f32 v5, v3  }
0x208: {  	v11 =	vld [tilespmem:s22+$0xFFFFFF20]  }
0x209: {  	v4 =	vld [tilespmem:s22+$0xFFFFFF30];
	v2 =	vadd.f32 v6, v2;
	v3 =	vadd.f32 v7, v3  }
0x20a: {  	v5 =	vld [tilespmem:s22+$0xFFFFFF40]  }
0x20b: {  	v6 =	vld [tilespmem:s22+$0xFFFFFF50];
	v2 =	vadd.f32 v8, v2;
	v3 =	vadd.f32 v9, v3  }
0x20c: {  	v7 =	vld [tilespmem:s22+$0xFFFFFF60]  }
0x20d: {  	v8 =	vld [tilespmem:s22+$0xFFFFFF70];
	v2 =	vadd.f32 v10, v2;
	v3 =	vadd.f32 v11, v3  }
0x20e: {  	v9 =	vld [tilespmem:s22+$0xFFFFFF80]  }
0x20f: {  	v10 =	vld [tilespmem:s22+$0xFFFFFF90];
	v2 =	vadd.f32 v4, v2;
	v3 =	vadd.f32 v5, v3  }
0x210: {  	v11 =	vld [tilespmem:s22+$0xFFFFFFA0]  }
0x211: {  	v12 =	vld [tilespmem:s22+$0xFFFFFFB0];
	v2 =	vadd.f32 v6, v2;
	v3 =	vadd.f32 v7, v3  }
0x212: {  	v13 =	vld [tilespmem:s22+$0xFFFFFFC0]  }
0x213: {  	p1 =	sne.s32 s23, $0x1;
	v4 =	vld [tilespmem:s22+$0xFFFFFFD0];
	v2 =	vadd.f32 v8, v2;
	v3 =	vadd.f32 v9, v3  }
.Ltmp38:
0x214: {  	v6 =	vld [tilespmem:s22+$0xFFFFFFE0];
	(pc) =	sbr.rel @!p1 .LBB2_46-.Ltmp38, $4  }
0x215: {  	v5 =	vld [tilespmem:s22+$0xFFFFFFF0];
	v8 =	vadd.f32 v10, v2;
	v3 =	vadd.f32 v11, v3  }
0x216: {  	v7 =	vld [tilespmem:s22+$0x0];
	s22 =	sadd.s32 $0x200, s22  }
0x217: {  	v2 =	vld [tilespmem:s22+$0xFFFFFE10];
	v8 =	vadd.f32 v12, v8;
	v9 =	vadd.f32 v13, v3  }
0x218: {  	s23 =	sadd.s32 $0xFFFFFFFF, s23;
	p0 =	por $0x1, $0x1;
	v3 =	vld [tilespmem:s22+$0xFFFFFE20]  }
.LBB2_45:
0x219: {  	p1 =	sne.s32 s23, $0x1;
	v10 =	vld [tilespmem:s22+$0xFFFFFE30];
	v4 =	vadd.f32 v4, v8;
	v6 =	vadd.f32 v6, v9  }
0x21a: {  	v8 =	vld [tilespmem:s22+$0xFFFFFE40]  }
0x21b: {  	v9 =	vld [tilespmem:s22+$0xFFFFFE50];
	v4 =	vadd.f32 v5, v4;
	v5 =	vadd.f32 v7, v6  }
0x21c: {  	v6 =	vld [tilespmem:s22+$0xFFFFFE60]  }
0x21d: {  	v2 =	vadd.f32 v2, v4;
	v4 =	vld [tilespmem:s22+$0xFFFFFE70];
	v3 =	vadd.f32 v3, v5  }
0x21e: {  	v5 =	vld [tilespmem:s22+$0xFFFFFE80]  }
0x21f: {  	v2 =	vadd.f32 v10, v2;
	v7 =	vld [tilespmem:s22+$0xFFFFFE90];
	v3 =	vadd.f32 v8, v3  }
0x220: {  	v8 =	vld [tilespmem:s22+$0xFFFFFEA0]  }
0x221: {  	v2 =	vadd.f32 v9, v2;
	v9 =	vld [tilespmem:s22+$0xFFFFFEB0];
	v3 =	vadd.f32 v6, v3  }
0x222: {  	v6 =	vld [tilespmem:s22+$0xFFFFFEC0]  }
0x223: {  	v2 =	vadd.f32 v4, v2;
	v4 =	vld [tilespmem:s22+$0xFFFFFED0];
	v3 =	vadd.f32 v5, v3  }
0x224: {  	v5 =	vld [tilespmem:s22+$0xFFFFFEE0]  }
0x225: {  	v2 =	vadd.f32 v7, v2;
	v7 =	vld [tilespmem:s22+$0xFFFFFEF0];
	v3 =	vadd.f32 v8, v3  }
0x226: {  	v8 =	vld [tilespmem:s22+$0xFFFFFF00]  }
0x227: {  	v2 =	vadd.f32 v9, v2;
	v9 =	vld [tilespmem:s22+$0xFFFFFF10];
	v3 =	vadd.f32 v6, v3  }
0x228: {  	v6 =	vld [tilespmem:s22+$0xFFFFFF20]  }
0x229: {  	v2 =	vadd.f32 v4, v2;
	v4 =	vld [tilespmem:s22+$0xFFFFFF30];
	v3 =	vadd.f32 v5, v3  }
0x22a: {  	v5 =	vld [tilespmem:s22+$0xFFFFFF40]  }
0x22b: {  	v2 =	vadd.f32 v7, v2;
	v7 =	vld [tilespmem:s22+$0xFFFFFF50];
	v3 =	vadd.f32 v8, v3  }
0x22c: {  	v8 =	vld [tilespmem:s22+$0xFFFFFF60]  }
0x22d: {  	v2 =	vadd.f32 v9, v2;
	v9 =	vld [tilespmem:s22+$0xFFFFFF70];
	v3 =	vadd.f32 v6, v3  }
0x22e: {  	v6 =	vld [tilespmem:s22+$0xFFFFFF80]  }
0x22f: {  	v2 =	vadd.f32 v4, v2;
	v10 =	vld [tilespmem:s22+$0xFFFFFF90];
	v3 =	vadd.f32 v5, v3  }
0x230: {  	v11 =	vld [tilespmem:s22+$0xFFFFFFA0]  }
0x231: {  	v2 =	vadd.f32 v7, v2;
	v12 =	vld [tilespmem:s22+$0xFFFFFFB0];
	v3 =	vadd.f32 v8, v3  }
0x232: {  	v13 =	vld [tilespmem:s22+$0xFFFFFFC0]  }
0x233: {  	v2 =	vadd.f32 v9, v2;
	v4 =	vld [tilespmem:s22+$0xFFFFFFD0];
	v3 =	vadd.f32 v6, v3  }
.Ltmp39:
0x234: {  	v6 =	vld [tilespmem:s22+$0xFFFFFFE0];
	(pc) =	sbr.rel @p1 .LBB2_45-.Ltmp39, $4  }
0x235: {  	v8 =	vadd.f32 v10, v2;
	v5 =	vld [tilespmem:s22+$0xFFFFFFF0];
	v3 =	vadd.f32 v11, v3  }
0x236: {  	v7 =	vld [tilespmem:s22+$0x0];
	s22 =	sadd.s32 $0x200, s22  }
0x237: {  	v2 =	vld [tilespmem:s22+$0xFFFFFE10];
	v8 =	vadd.f32 v12, v8;
	v9 =	vadd.f32 v13, v3  }
0x238: {  	s23 =	sadd.s32 $0xFFFFFFFF, s23;
	v3 =	vld [tilespmem:s22+$0xFFFFFE20]  }
.LBB2_46:
0x239: {  	v4 =	vadd.f32 @p0 v4, v8;
	v6 =	vadd.f32 @p0 v6, v9  }
0x23a: {  	v38 =	vld [tilespmem:s22+$0xFFFFFE30]  }
0x23b: {  	v39 =	vld [tilespmem:s22+$0xFFFFFE40];
	v4 =	vadd.f32 @p0 v5, v4;
	v5 =	vadd.f32 @p0 v7, v6  }
0x23c: {  	v40 =	vld [tilespmem:s22+$0xFFFFFE50]  }
0x23d: {  	v41 =	vld [tilespmem:s22+$0xFFFFFE60];
	v4 =	vpsel p0, v4, v1;
	v1 =	vpsel p0, v5, v1  }
0x23e: {  	v42 =	vld [tilespmem:s22+$0xFFFFFE70];
	v2 =	vadd.f32 v2, v4;
	v1 =	vadd.f32 v3, v1  }
0x23f: {  	v3 =	vld [tilespmem:s22+$0xFFFFFE80]  }
0x240: {  	v43 =	vld [tilespmem:s22+$0xFFFFFE90];
	v2 =	vadd.f32 v38, v2;
	v1 =	vadd.f32 v39, v1  }
0x241: {  	v44 =	vld [tilespmem:s22+$0xFFFFFEA0]  }
0x242: {  	v45 =	vld [tilespmem:s22+$0xFFFFFEB0];
	v2 =	vadd.f32 v40, v2;
	v1 =	vadd.f32 v41, v1  }
0x243: {  	v46 =	vld [tilespmem:s22+$0xFFFFFEC0]  }
0x244: {  	v47 =	vld [tilespmem:s22+$0xFFFFFED0];
	v2 =	vadd.f32 v42, v2;
	v1 =	vadd.f32 v3, v1  }
0x245: {  	v3 =	vld [tilespmem:s22+$0xFFFFFEE0]  }
0x246: {  	v48 =	vld [tilespmem:s22+$0xFFFFFEF0];
	v2 =	vadd.f32 v43, v2;
	v1 =	vadd.f32 v44, v1  }
0x247: {  	v49 =	vld [tilespmem:s22+$0xFFFFFF00]  }
0x248: {  	v50 =	vld [tilespmem:s22+$0xFFFFFF10];
	v2 =	vadd.f32 v45, v2;
	v1 =	vadd.f32 v46, v1  }
0x249: {  	v51 =	vld [tilespmem:s22+$0xFFFFFF20]  }
0x24a: {  	v52 =	vld [tilespmem:s22+$0xFFFFFF30];
	v2 =	vadd.f32 v47, v2;
	v1 =	vadd.f32 v3, v1  }
0x24b: {  	v3 =	vld [tilespmem:s22+$0xFFFFFF40]  }
0x24c: {  	v53 =	vld [tilespmem:s22+$0xFFFFFF50];
	v2 =	vadd.f32 v48, v2;
	v1 =	vadd.f32 v49, v1  }
0x24d: {  	v54 =	vld [tilespmem:s22+$0xFFFFFF60]  }
0x24e: {  	v55 =	vld [tilespmem:s22+$0xFFFFFF70];
	v2 =	vadd.f32 v50, v2;
	v1 =	vadd.f32 v51, v1  }
0x24f: {  	v56 =	vld [tilespmem:s22+$0xFFFFFF80]  }
0x250: {  	v57 =	vld [tilespmem:s22+$0xFFFFFF90];
	v2 =	vadd.f32 v52, v2;
	v1 =	vadd.f32 v3, v1  }
0x251: {  	v3 =	vld [tilespmem:s22+$0xFFFFFFA0]  }
0x252: {  	v58 =	vld [tilespmem:s22+$0xFFFFFFB0];
	v2 =	vadd.f32 v53, v2;
	v1 =	vadd.f32 v54, v1  }
0x253: {  	v59 =	vld [tilespmem:s22+$0xFFFFFFC0]  }
0x254: {  	v60 =	vld [tilespmem:s22+$0xFFFFFFD0];
	v2 =	vadd.f32 v55, v2;
	v1 =	vadd.f32 v56, v1  }
0x255: {  	v61 =	vld [tilespmem:s22+$0xFFFFFFE0]  }
0x256: {  	v62 =	vld [tilespmem:s22+$0xFFFFFFF0];
	v2 =	vadd.f32 v57, v2;
	v1 =	vadd.f32 v3, v1  }
0x257: {  	v3 =	vld [tilespmem:s22+$0x0]  }
.Ltmp40:
0x258: {  	v2 =	vadd.f32 v58, v2;
	v1 =	vadd.f32 v59, v1;
	(pc) =	sbr.rel .LBB2_47-.Ltmp40, $3  }
0x259: {  	_ = 	snop  }
0x25a: {  	v2 =	vadd.f32 v60, v2;
	v63 =	vadd.f32 v61, v1;
	_ =	sdelay $0x1  }
0x25b: {  	v1 =	vadd.f32 v62, v2;
	v2 =	vadd.f32 v3, v63  }
.LBB2_28:
.Ltmp41:
0x25c: {  	(pc) =	sbr.rel .LBB2_31-.Ltmp41, $2  }
0x25d: {  	_ =	sdelay $0x2  }
0x25e: {  	_ = 	snop  }
.LBB2_43:
.Ltmp42:
0x25f: {  	(pc) =	sbr.rel .LBB2_46-.Ltmp42, $2  }
0x260: {  	_ =	sdelay $0x2  }
0x261: {  	_ = 	snop  }
.LBB2_49:
0x262: {  	_ =	sfence.sel $0x180000  }
0x263: {  	[bflag:$0x0] =	sbarrier.arrive $0xFFFF  }
0x264: {  	p0 =	sne.s32 s0, $0x0;
	_ =	strace $0x90000047  }
0x265: {  	s0 =	sadd.s32 @!p0 $0x100000, s1;
	[bflag:$0x2] =	sbarrier.arrive $0xFFFF  }
0x266: {  	[sflag:s0] =	ssyncadd.tile.s32 @!p0 $0x1;
	_ =	shalt  }
.Lfunc_end2:
_tile_overlayer_lowered:
.L_overlay_start_2:
0x267: {  	(tag) =	ssettag $0x2  }
0x268: {  	s0 =	rddreg [dreg:$0x0];
	s2 =	stileid.u32  }
0x269: {  	s1 =	rddreg [dreg:$0x1];
	p0 =	sne.s32 s2, $0x0  }
0x26a: {  	s3 =	rddreg [dreg:$0x2];
	[bflag:$0x3] =	sbarrier.arrive $0xFFFF;
	s2 =	simm.s32 @!p0 $0x1C03  }
0x26b: {  	[timem:s3], [sflag:s2] =	dma.local @!p0 [hbm:s0], s1  }
0x26c: {  	s0 =	simm.s32 @!p0 $0x3  }
0x26d: {  	_ =	swait.ge @!p0 [sflag:s0], s1  }
0x26e: {  	s1 =	ssub.s32 @!p0 $0x0, s1;
	[sflag:s0] =	ssyncset.done @!p0 $0x0  }
0x26f: {  	[sflag:s0] =	ssyncadd.s32 @!p0 s1  }
0x270: {  	[bflag:$0x3] =	sbarrier.arrive $0xFFFF  }
0x271: {  	_ =	shalt  }

</sc_bundles>
